<compile_context>
chip_gen: v7x
topology: tpu7x:2x2x1
jax: 0.10.2.dev20260603
libtpu: 0.0.44.dev20260713+nightly
codegen_flags: <defaults>
</compile_context>

<pallas_src>
import jax
import jax.numpy as jnp
from jax import lax
from jax.experimental import pallas as pl
from jax.experimental.pallas import tpu as pltpu
from jax.experimental.pallas import tpu_sc as plsc

BEAM = 16
VOCAB = 32768
SEQ = 20
HID = 512
NLAYERS = 2
LANES = 16
GROUP = 8
NGROUPS = VOCAB // (LANES * GROUP)
P1UNROLL = 16

_mesh = plsc.VectorSubcoreMesh(
    core_axis_name="c", subcore_axis_name="s", num_cores=1)


def _merge_top16(ak, ap, xk, xp):
    sk, sp = plsc.sort_key_val(xk, xp)
    bk = lax.rev(sk, (0,))
    bp = lax.rev(sp, (0,))
    take = ak >= bk
    nk = jnp.where(take, ak, bk)
    npay = jnp.where(take, ap, bp)
    return plsc.sort_key_val(nk, npay)


_OUT_TYPE = (
    jax.ShapeDtypeStruct((BEAM * SEQ,), jnp.int32),
    jax.ShapeDtypeStruct((BEAM * SEQ,), jnp.float32),
    jax.ShapeDtypeStruct((BEAM,), jnp.float32),
    jax.ShapeDtypeStruct((NLAYERS * BEAM, HID), jnp.float32),
)
_SCRATCH = [
    pltpu.VMEM((VOCAB,), jnp.float32),
    pltpu.VMEM((LANES,), jnp.float32),
    pltpu.VMEM((LANES,), jnp.int32),
    pltpu.VMEM_SHARED((BEAM * LANES,), jnp.float32),
    pltpu.VMEM_SHARED((BEAM * LANES,), jnp.int32),
    pltpu.VMEM((BEAM * LANES,), jnp.float32),
    pltpu.VMEM((BEAM * LANES,), jnp.int32),
    pltpu.VMEM((BEAM,), jnp.float32),
    pltpu.VMEM((BEAM * SEQ,), jnp.int32),
    pltpu.VMEM((BEAM * SEQ,), jnp.float32),
    pltpu.VMEM((LANES,), jnp.int32),
    pltpu.VMEM((BEAM * SEQ,), jnp.int32),
    pltpu.VMEM((BEAM * SEQ,), jnp.float32),
    pltpu.VMEM((NLAYERS * BEAM,), jnp.int32),
    pltpu.VMEM((NLAYERS * BEAM, HID), jnp.float32),
    pltpu.SemaphoreType.DMA,
    pltpu.SemaphoreType.DMA,
]


def _beam_body(lp_hbm, seq_hbm, seqlp_hbm, sum_hbm, state_hbm, tvec_hbm,
               out_seq_hbm, out_seqlp_hbm, out_sum_hbm, out_state_hbm,
               row_v, stage_f, stage_i, shared_v, shared_w,
               vals_v, words_v, sums_v, seq_v, seqlp_v, tvec_v,
               oseq_v, oseqlp_v, sidx_v, srows_v, sem, psem):
    s = lax.axis_index("s")
    iota = lax.iota(jnp.int32, LANES)
    neg = jnp.full((LANES,), -jnp.inf, jnp.float32)

    @pl.when(s == 0)
    def _prefetch():
        pltpu.async_copy(sum_hbm, sums_v, psem)
        pltpu.async_copy(seq_hbm, seq_v, psem)
        pltpu.async_copy(seqlp_hbm, seqlp_v, psem)
        pltpu.async_copy(tvec_hbm, tvec_v, psem)

    HALF = VOCAB // 2
    cp2 = pltpu.make_async_copy(
        lp_hbm.at[s, pl.ds(HALF, HALF)], row_v.at[pl.ds(HALF, HALF)], sem)
    cp2.start()
    pltpu.sync_copy(lp_hbm.at[s, pl.ds(0, HALF)], row_v.at[pl.ds(0, HALF)])

    def p1body(i, mcry):
        b = i * (LANES * P1UNROLL)
        ms = [row_v[pl.ds(b + k * LANES, LANES)] for k in range(P1UNROLL)]
        while len(ms) > 1:
            ms = [jnp.maximum(ms[j], ms[j + 1])
                  for j in range(0, len(ms) - 1, 2)] + (
                      [ms[-1]] if len(ms) % 2 else [])
        return jnp.maximum(mcry, ms[0])

    P1N = VOCAB // (LANES * P1UNROLL)
    m_half = lax.fori_loop(0, P1N // 2, p1body, neg)
    cp2.wait()
    m_all = lax.fori_loop(P1N // 2, P1N, p1body, m_half)
    s_sorted = jnp.sort(m_all)
    u = plsc.bitcast(s_sorted, jnp.int32)
    nd_bits = jnp.where(s_sorted > 0, u - 1,
                        jnp.where(s_sorted == 0, jnp.int32(-2147483647),
                                  u + 1))
    thr0 = jnp.broadcast_to(plsc.bitcast(nd_bits, jnp.float32)[0], (LANES,))

    def _tree(vs):
        vs = list(vs)
        while len(vs) > 1:
            vs = [jnp.maximum(vs[i], vs[i + 1])
                  for i in range(0, len(vs) - 1, 2)] + (
                      [vs[-1]] if len(vs) % 2 else [])
        return vs[0]

    GB = LANES * GROUP

    SUBS = 4

    def body(g, carry):
        ak, ap, thr = carry
        base = g * (SUBS * GB)
        xss = [[row_v[pl.ds(base + q * GB + k * LANES, LANES)]
                for k in range(GROUP)] for q in range(SUBS)]
        mq = [_tree(xs) for xs in xss]
        hit = jnp.any(_tree(mq) > thr)

        def sub(xs, m, sub_base, cry2):
            hs = jnp.any(m > cry2[2])

            def acc2(c3):
                ak, ap, _ = c3
                for k in range(GROUP):
                    idxv = iota + (sub_base + k * LANES)
                    ak, ap = _merge_top16(ak, ap, xs[k], idxv)
                return ak, ap, jnp.maximum(
                    jnp.broadcast_to(ak[0], (LANES,)), thr0)

            return lax.cond(hs, acc2, lambda c3: c3, cry2)

        def accept(cry):
            for h in range(SUBS // 2):
                def pair(c3, h=h):
                    def inner(c4, h=h):
                        c4 = sub(xss[2 * h], mq[2 * h],
                                 base + 2 * h * GB, c4)
                        return sub(xss[2 * h + 1], mq[2 * h + 1],
                                   base + (2 * h + 1) * GB, c4)

                    hp = jnp.any(
                        jnp.maximum(mq[2 * h], mq[2 * h + 1]) > c3[2])
                    return lax.cond(hp, inner, lambda c4: c4, c3)

                cry = pair(cry)
            return cry

        return lax.cond(hit, accept, lambda cry: cry, (ak, ap, thr))

    ak, ap, _ = lax.fori_loop(
        0, NGROUPS // SUBS, body,
        (neg, jnp.zeros((LANES,), jnp.int32), thr0))
    stage_f[...] = lax.rev(ak, (0,))
    stage_i[...] = lax.rev(ap, (0,))
    pltpu.sync_copy(stage_f, shared_v.at[pl.ds(s * LANES, LANES)])
    pltpu.sync_copy(stage_i, shared_w.at[pl.ds(s * LANES, LANES)])

    plsc.subcore_barrier()

    @pl.when(s == 0)
    def _tile0():
        pltpu.sync_copy(shared_v, vals_v)
        pltpu.sync_copy(shared_w, words_v)
        pltpu.make_async_copy(sum_hbm, sums_v, psem).wait()
        pltpu.make_async_copy(seq_hbm, seq_v, psem).wait()
        pltpu.make_async_copy(seqlp_hbm, seqlp_v, psem).wait()
        pltpu.make_async_copy(tvec_hbm, tvec_v, psem).wait()
        sumvec = sums_v[...]
        tvec = tvec_v[...]

        cols = []
        for cc in range(LANES):
            colv = plsc.load_gather(vals_v, [iota * LANES + cc])
            sk, sp = plsc.sort_key_val(colv + sumvec, iota + cc * LANES)
            cols.append((sk, sp))

        def merge_sorted(a, b):
            bk = lax.rev(b[0], (0,))
            bp = lax.rev(b[1], (0,))
            take = a[0] >= bk
            nk = jnp.where(take, a[0], bk)
            npay = jnp.where(take, a[1], bp)
            sk, sp = plsc.sort_key_val(nk, npay)
            return sk, sp

        while len(cols) > 1:
            cols = [merge_sorted(cols[i], cols[i + 1])
                    for i in range(0, len(cols), 2)]
        ak, ap = cols[0]
        fk = lax.rev(ak, (0,))
        fp = lax.rev(ap, (0,))
        r_sel = jnp.bitwise_and(fp, LANES - 1)
        c_sel = lax.shift_right_logical(fp, 4)
        words = plsc.load_gather(words_v, [r_sel * LANES + c_sel])
        wprob = plsc.load_gather(vals_v, [r_sel * LANES + c_sel])

        stage_f[...] = fk
        pltpu.async_copy(stage_f, out_sum_hbm, psem)

        for j in range(SEQ):
            jfull = jnp.full((LANES,), j, jnp.int32)
            am = jfull < tvec
            bm = jfull == tvec
            rows = jnp.where(am, r_sel, iota)
            colseq = plsc.load_gather(seq_v, [rows * SEQ + j])
            colseq = jnp.where(bm, words, colseq)
            plsc.store_scatter(oseq_v, [iota * SEQ + j], colseq)
            collp = plsc.load_gather(seqlp_v, [rows * SEQ + j])
            collp = jnp.where(bm, wprob, collp)
            plsc.store_scatter(oseqlp_v, [iota * SEQ + j], collp)
        pltpu.async_copy(oseq_v, out_seq_hbm, psem)
        pltpu.async_copy(oseqlp_v, out_seqlp_hbm, psem)

        sidx_v[pl.ds(0, LANES)] = r_sel
        sidx_v[pl.ds(LANES, LANES)] = r_sel + LANES
        pltpu.async_copy(state_hbm.at[sidx_v], srows_v, sem).wait()
        pltpu.sync_copy(srows_v, out_state_hbm)
        pltpu.make_async_copy(stage_f, out_sum_hbm, psem).wait()
        pltpu.make_async_copy(oseq_v, out_seq_hbm, psem).wait()
        pltpu.make_async_copy(oseqlp_v, out_seqlp_hbm, psem).wait()


_beam_step = pl.kernel(
    _beam_body,
    out_type=_OUT_TYPE,
    mesh=_mesh,
    scratch_types=_SCRATCH,
    compiler_params=pltpu.CompilerParams(needs_layout_passes=False),
)


def kernel(logprobsf, beam_seq, beam_seq_logprobs, beam_logprobs_sum, state,
           beam_size, t):
    del beam_size
    state2d = state.reshape(NLAYERS * BEAM, HID)
    tvec = jnp.broadcast_to(jnp.asarray(t, jnp.int32), (LANES,))
    oseq, oseqlp, osum, ostate = _beam_step(
        logprobsf, beam_seq.reshape(-1), beam_seq_logprobs.reshape(-1),
        beam_logprobs_sum, state2d, tvec)
    return (oseq.reshape(BEAM, SEQ), oseqlp.reshape(BEAM, SEQ), osum,
            ostate.reshape(NLAYERS, BEAM, HID))

# --- scband reference (transcript-rebuilt; emitter-appended) ---
"""Pipeline reference for scband-caption-model-893353198496 (READ-ONLY COPY).

The authoritative reference and input builder live on the scoring server;
editing this copy changes nothing except your own understanding.
"""

import jax, jax.numpy as jnp
import numpy as np

BEAM_SIZE = 16
VOCAB = 32768
SEQ_LEN = 20
T = 10
NLAYERS = 2
HID = 512


def setup_inputs(seed: int = 0) -> dict:
    key = jax.random.key(seed)
    k1, k2, k3, k4, k5 = jax.random.split(key, 5)
    logprobsf = jax.nn.log_softmax(jax.random.normal(k1, (BEAM_SIZE, VOCAB), dtype=jnp.float32), axis=-1)
    beam_seq = jax.random.randint(k2, (BEAM_SIZE, SEQ_LEN), 0, VOCAB, dtype=jnp.int32)
    beam_seq_logprobs = jax.random.normal(k3, (BEAM_SIZE, SEQ_LEN), dtype=jnp.float32)
    beam_logprobs_sum = jax.random.normal(k4, (BEAM_SIZE,), dtype=jnp.float32)
    state = jax.random.normal(k5, (NLAYERS, BEAM_SIZE, HID), dtype=jnp.float32)
    return {
        "logprobsf": logprobsf,
        "beam_seq": beam_seq,
        "beam_seq_logprobs": beam_seq_logprobs,
        "beam_logprobs_sum": beam_logprobs_sum,
        "state": state,
        "beam_size": BEAM_SIZE,
        "t": T,
    }


def reference(logprobsf, beam_seq, beam_seq_logprobs, beam_logprobs_sum, state, beam_size, t):
    vocab = logprobsf.shape[1]
    beam_size_static = logprobsf.shape[0]
    # ys, ix = torch.sort(logprobsf, dim=1, descending=True)
    order = jnp.argsort(-logprobsf, axis=1)
    ys = jnp.take_along_axis(logprobsf, order, axis=1)
    cols = min(beam_size_static, vocab)
    rows = beam_size_static if T != 0 else 1
    ys_c = ys[:rows, :cols]
    ix_c = order[:rows, :cols]
    # candidate sum logprob for each (r, c); flattened in original loop order c*rows + r
    cand = beam_logprobs_sum[:rows, None] + ys_c  # [rows, cols]
    flat = cand.T.reshape(-1)  # index = c * rows + r
    top_vals, top_idx = jax.lax.top_k(flat, beam_size_static)
    rows_traced = jnp.where(t != 0, beam_size, 1)
    r_sel = top_idx % rows_traced
    c_sel = top_idx // rows_traced
    sel_words = ix_c[r_sel, c_sel]
    sel_wordprob = ys_c[r_sel, c_sel]
    # copy prefix [:t] from parent beam, keep suffix, write column t
    mask = (jnp.arange(beam_seq.shape[1]) < t)[None, :]
    new_beam_seq = jnp.where(mask, beam_seq[r_sel], beam_seq)
    new_beam_seq = new_beam_seq.at[:, t].set(sel_words.astype(beam_seq.dtype))
    new_beam_seq_logprobs = jnp.where(mask, beam_seq_logprobs[r_sel], beam_seq_logprobs)
    new_beam_seq_logprobs = new_beam_seq_logprobs.at[:, t].set(sel_wordprob)
    new_beam_logprobs_sum = top_vals
    # state reorder: new_state[:, beam, :] = state[:, parent_beam, :]
    new_state = state[:, r_sel, :]
    return new_beam_seq, new_beam_seq_logprobs, new_beam_logprobs_sum, new_state

if __name__ == "__main__":
    import jax
    _d = setup_inputs()
    print(jax.jit(kernel)(*tuple(_d.values())))

</pallas_src>

<mosaic_0001>
#map = affine_map<(d0, d1) -> (0, 0)>
#map1 = affine_map<(d0, d1) -> (0)>
module attributes {stable_mosaic.version = 14 : i64} {
  func.func @_beam_body(%arg0: i32, %arg1: i32, %arg2: memref<16x32768xf32, #tpu.memory_space<hbm>>, %arg3: memref<320xi32, #tpu.memory_space<hbm>>, %arg4: memref<320xf32, #tpu.memory_space<hbm>>, %arg5: memref<16xf32, #tpu.memory_space<hbm>>, %arg6: memref<32x512xf32, #tpu.memory_space<hbm>>, %arg7: memref<16xi32, #tpu.memory_space<hbm>>, %arg8: memref<320xi32, #tpu.memory_space<hbm>>, %arg9: memref<320xf32, #tpu.memory_space<hbm>>, %arg10: memref<16xf32, #tpu.memory_space<hbm>>, %arg11: memref<32x512xf32, #tpu.memory_space<hbm>>, %arg12: memref<32768xf32, #tpu.memory_space<vmem>>, %arg13: memref<16xf32, #tpu.memory_space<vmem>>, %arg14: memref<16xi32, #tpu.memory_space<vmem>>, %arg15: memref<256xf32, #tpu.memory_space<vmem_shared>>, %arg16: memref<256xi32, #tpu.memory_space<vmem_shared>>, %arg17: memref<256xf32, #tpu.memory_space<vmem>>, %arg18: memref<256xi32, #tpu.memory_space<vmem>>, %arg19: memref<16xf32, #tpu.memory_space<vmem>>, %arg20: memref<320xi32, #tpu.memory_space<vmem>>, %arg21: memref<320xf32, #tpu.memory_space<vmem>>, %arg22: memref<16xi32, #tpu.memory_space<vmem>>, %arg23: memref<320xi32, #tpu.memory_space<vmem>>, %arg24: memref<320xf32, #tpu.memory_space<vmem>>, %arg25: memref<32xi32, #tpu.memory_space<vmem>>, %arg26: memref<32x512xf32, #tpu.memory_space<vmem>>, %arg27: memref<!tpu.dma_semaphore, #tpu.memory_space<semaphore_mem>>, %arg28: memref<!tpu.dma_semaphore, #tpu.memory_space<semaphore_mem>>) attributes {dimension_semantics = [#tpu.dimension_semantics<core_parallel>, #tpu.dimension_semantics<subcore_parallel>], iteration_bounds = array<i64: 1, 16>, scalar_prefetch = 0 : i64, scratch_operands = 17 : i64, tpu.core_type = #tpu.core_type<sc_vector_subcore>, window_params = [{transform_indices = #map}, {transform_indices = #map1}, {transform_indices = #map1}, {transform_indices = #map1}, {transform_indices = #map}, {transform_indices = #map1}, {transform_indices = #map1}, {transform_indices = #map1}, {transform_indices = #map1}, {transform_indices = #map}]} {
    %iota3A = tpu.iota {dimensions = array<i32: 0>} : vector<16xi32>
    %broadcast_in_dim3A = arith.constant 0xFF800000 : f32
    %broadcast_in_dim3A_0 = vector.broadcast %broadcast_in_dim3A : f32 to vector<16xf32>
    %eq3A = arith.constant 0 : i32
    %eq3A_1 = arith.cmpi eq, %arg1, %eq3A : i32
    %convert_element_type3A = arith.extui %eq3A_1 : i1 to i32
    %cond3A = arith.constant 0 : i32
    %cond3A_2 = arith.cmpi ne, %convert_element_type3A, %cond3A : i32
    scf.if %cond3A_2 {
      tpu.enqueue_dma source(%arg5 : memref<16xf32, #tpu.memory_space<hbm>>) target(%arg19 : memref<16xf32, #tpu.memory_space<vmem>>) target_semaphore(%arg28 : memref<!tpu.dma_semaphore, #tpu.memory_space<semaphore_mem>>)
      tpu.enqueue_dma source(%arg3 : memref<320xi32, #tpu.memory_space<hbm>>) target(%arg20 : memref<320xi32, #tpu.memory_space<vmem>>) target_semaphore(%arg28 : memref<!tpu.dma_semaphore, #tpu.memory_space<semaphore_mem>>)
      tpu.enqueue_dma source(%arg4 : memref<320xf32, #tpu.memory_space<hbm>>) target(%arg21 : memref<320xf32, #tpu.memory_space<vmem>>) target_semaphore(%arg28 : memref<!tpu.dma_semaphore, #tpu.memory_space<semaphore_mem>>)
      tpu.enqueue_dma source(%arg7 : memref<16xi32, #tpu.memory_space<hbm>>) target(%arg22 : memref<16xi32, #tpu.memory_space<vmem>>) target_semaphore(%arg28 : memref<!tpu.dma_semaphore, #tpu.memory_space<semaphore_mem>>)
    } else {
    }
    %dma_start3A = arith.constant 16384 : i32
    %dma_start3A_3 = tpu.memref_slice %arg12[%dma_start3A] : memref<32768xf32, #tpu.memory_space<vmem>> -> memref<16384xf32, #tpu.memory_space<vmem>>
    %dma_start3A_4 = arith.constant 16384 : i32
    %dma_start3A_5 = tpu.memref_slice %arg2[%arg1, %dma_start3A_4] : memref<16x32768xf32, #tpu.memory_space<hbm>> -> memref<1x16384xf32, #tpu.memory_space<hbm>>
    %dma_start3A_6 = tpu.memref_squeeze %dma_start3A_5 : memref<1x16384xf32, #tpu.memory_space<hbm>> -> memref<16384xf32, #tpu.memory_space<hbm>>
    %dma_start3A_7 = arith.constant 16384 : i32
    %dma_start3A_8 = tpu.memref_slice %arg12[%dma_start3A_7] : memref<32768xf32, #tpu.memory_space<vmem>> -> memref<16384xf32, #tpu.memory_space<vmem>>
    %dma_start3A_9 = arith.constant 16384 : i32
    %dma_start3A_10 = tpu.memref_slice %arg2[%arg1, %dma_start3A_9] : memref<16x32768xf32, #tpu.memory_space<hbm>> -> memref<1x16384xf32, #tpu.memory_space<hbm>>
    %dma_start3A_11 = tpu.memref_squeeze %dma_start3A_10 : memref<1x16384xf32, #tpu.memory_space<hbm>> -> memref<16384xf32, #tpu.memory_space<hbm>>
    tpu.enqueue_dma source(%dma_start3A_11 : memref<16384xf32, #tpu.memory_space<hbm>>) target(%dma_start3A_8 : memref<16384xf32, #tpu.memory_space<vmem>>) target_semaphore(%arg27 : memref<!tpu.dma_semaphore, #tpu.memory_space<semaphore_mem>>)
    "tpu.region"() ({
      %run_scoped3A = tpu.sem_alloc : memref<!tpu.dma_semaphore, #tpu.memory_space<semaphore_mem>>
      %dma_start3A_76 = arith.constant 0 : i32
      %dma_start3A_77 = tpu.memref_slice %arg12[%dma_start3A_76] : memref<32768xf32, #tpu.memory_space<vmem>> -> memref<16384xf32, #tpu.memory_space<vmem>>
      %dma_start3A_78 = arith.constant 0 : i32
      %dma_start3A_79 = tpu.memref_slice %arg2[%arg1, %dma_start3A_78] : memref<16x32768xf32, #tpu.memory_space<hbm>> -> memref<1x16384xf32, #tpu.memory_space<hbm>>
      %dma_start3A_80 = tpu.memref_squeeze %dma_start3A_79 : memref<1x16384xf32, #tpu.memory_space<hbm>> -> memref<16384xf32, #tpu.memory_space<hbm>>
      %dma_start3A_81 = arith.constant 0 : i32
      %dma_start3A_82 = tpu.memref_slice %arg12[%dma_start3A_81] : memref<32768xf32, #tpu.memory_space<vmem>> -> memref<16384xf32, #tpu.memory_space<vmem>>
      %dma_start3A_83 = arith.constant 0 : i32
      %dma_start3A_84 = tpu.memref_slice %arg2[%arg1, %dma_start3A_83] : memref<16x32768xf32, #tpu.memory_space<hbm>> -> memref<1x16384xf32, #tpu.memory_space<hbm>>
      %dma_start3A_85 = tpu.memref_squeeze %dma_start3A_84 : memref<1x16384xf32, #tpu.memory_space<hbm>> -> memref<16384xf32, #tpu.memory_space<hbm>>
      tpu.enqueue_dma source(%dma_start3A_85 : memref<16384xf32, #tpu.memory_space<hbm>>) target(%dma_start3A_82 : memref<16384xf32, #tpu.memory_space<vmem>>) target_semaphore(%run_scoped3A : memref<!tpu.dma_semaphore, #tpu.memory_space<semaphore_mem>>)
      %dma_wait3A_86 = arith.constant 0 : i32
      %dma_wait3A_87 = tpu.memref_slice %arg12[%dma_wait3A_86] : memref<32768xf32, #tpu.memory_space<vmem>> -> memref<16384xf32, #tpu.memory_space<vmem>>
      %dma_wait3A_88 = arith.constant 0 : i32
      %dma_wait3A_89 = tpu.memref_slice %arg2[%arg1, %dma_wait3A_88] : memref<16x32768xf32, #tpu.memory_space<hbm>> -> memref<1x16384xf32, #tpu.memory_space<hbm>>
      %dma_wait3A_90 = tpu.memref_squeeze %dma_wait3A_89 : memref<1x16384xf32, #tpu.memory_space<hbm>> -> memref<16384xf32, #tpu.memory_space<hbm>>
      %dma_wait3A_91 = arith.constant 0 : i32
      %dma_wait3A_92 = tpu.memref_slice %arg12[%dma_wait3A_91] : memref<32768xf32, #tpu.memory_space<vmem>> -> memref<16384xf32, #tpu.memory_space<vmem>>
      %dma_wait3A_93 = arith.constant 0 : i32
      %dma_wait3A_94 = tpu.memref_slice %arg2[%arg1, %dma_wait3A_93] : memref<16x32768xf32, #tpu.memory_space<hbm>> -> memref<1x16384xf32, #tpu.memory_space<hbm>>
      %dma_wait3A_95 = tpu.memref_squeeze %dma_wait3A_94 : memref<1x16384xf32, #tpu.memory_space<hbm>> -> memref<16384xf32, #tpu.memory_space<hbm>>
      tpu.wait_dma2 semaphore(%run_scoped3A : memref<!tpu.dma_semaphore, #tpu.memory_space<semaphore_mem>>) src(%dma_wait3A_95 : memref<16384xf32, #tpu.memory_space<hbm>>) dst(%dma_wait3A_92 : memref<16384xf32, #tpu.memory_space<vmem>>)
      tpu.yield
    }) : () -> ()
    %scan3A = arith.constant 0 : i32
    %scan3A_12 = arith.constant 64 : i32
    %scan3A_13 = arith.addi %scan3A, %scan3A_12 : i32
    %scan3A_14 = arith.constant 1 : i32
    %scan3A_15 = scf.for %scan3A_76 = %scan3A to %scan3A_13 step %scan3A_14 iter_args(%scan3A_77 = %broadcast_in_dim3A_0) -> (vector<16xf32>)  : i32 {
      %mul3A_78 = arith.constant 256 : i32
      %mul3A_79 = arith.muli %scan3A_76, %mul3A_78 : i32
      %add3A_80 = arith.constant 0 : i32
      %add3A_81 = arith.addi %mul3A_79, %add3A_80 : i32
      %get3A = arith.index_cast %add3A_81 : i32 to index
      %get3A_82 = tpu.vector_load %arg12[%get3A] {strides = array<i32>} : memref<32768xf32, #tpu.memory_space<vmem>>, vector<16xf32>,
      %add3A_83 = arith.constant 16 : i32
      %add3A_84 = arith.addi %mul3A_79, %add3A_83 : i32
      %get3A_85 = arith.index_cast %add3A_84 : i32 to index
      %get3A_86 = tpu.vector_load %arg12[%get3A_85] {strides = array<i32>} : memref<32768xf32, #tpu.memory_space<vmem>>, vector<16xf32>,
      %add3A_87 = arith.constant 32 : i32
      %add3A_88 = arith.addi %mul3A_79, %add3A_87 : i32
      %get3A_89 = arith.index_cast %add3A_88 : i32 to index
      %get3A_90 = tpu.vector_load %arg12[%get3A_89] {strides = array<i32>} : memref<32768xf32, #tpu.memory_space<vmem>>, vector<16xf32>,
      %add3A_91 = arith.constant 48 : i32
      %add3A_92 = arith.addi %mul3A_79, %add3A_91 : i32
      %get3A_93 = arith.index_cast %add3A_92 : i32 to index
      %get3A_94 = tpu.vector_load %arg12[%get3A_93] {strides = array<i32>} : memref<32768xf32, #tpu.memory_space<vmem>>, vector<16xf32>,
      %add3A_95 = arith.constant 64 : i32
      %add3A_96 = arith.addi %mul3A_79, %add3A_95 : i32
      %get3A_97 = arith.index_cast %add3A_96 : i32 to index
      %get3A_98 = tpu.vector_load %arg12[%get3A_97] {strides = array<i32>} : memref<32768xf32, #tpu.memory_space<vmem>>, vector<16xf32>,
      %add3A_99 = arith.constant 80 : i32
      %add3A_100 = arith.addi %mul3A_79, %add3A_99 : i32
      %get3A_101 = arith.index_cast %add3A_100 : i32 to index
      %get3A_102 = tpu.vector_load %arg12[%get3A_101] {strides = array<i32>} : memref<32768xf32, #tpu.memory_space<vmem>>, vector<16xf32>,
      %add3A_103 = arith.constant 96 : i32
      %add3A_104 = arith.addi %mul3A_79, %add3A_103 : i32
      %get3A_105 = arith.index_cast %add3A_104 : i32 to index
      %get3A_106 = tpu.vector_load %arg12[%get3A_105] {strides = array<i32>} : memref<32768xf32, #tpu.memory_space<vmem>>, vector<16xf32>,
      %add3A_107 = arith.constant 112 : i32
      %add3A_108 = arith.addi %mul3A_79, %add3A_107 : i32
      %get3A_109 = arith.index_cast %add3A_108 : i32 to index
      %get3A_110 = tpu.vector_load %arg12[%get3A_109] {strides = array<i32>} : memref<32768xf32, #tpu.memory_space<vmem>>, vector<16xf32>,
      %add3A_111 = arith.constant 128 : i32
      %add3A_112 = arith.addi %mul3A_79, %add3A_111 : i32
      %get3A_113 = arith.index_cast %add3A_112 : i32 to index
      %get3A_114 = tpu.vector_load %arg12[%get3A_113] {strides = array<i32>} : memref<32768xf32, #tpu.memory_space<vmem>>, vector<16xf32>,
      %add3A_115 = arith.constant 144 : i32
      %add3A_116 = arith.addi %mul3A_79, %add3A_115 : i32
      %get3A_117 = arith.index_cast %add3A_116 : i32 to index
      %get3A_118 = tpu.vector_load %arg12[%get3A_117] {strides = array<i32>} : memref<32768xf32, #tpu.memory_space<vmem>>, vector<16xf32>,
      %add3A_119 = arith.constant 160 : i32
      %add3A_120 = arith.addi %mul3A_79, %add3A_119 : i32
      %get3A_121 = arith.index_cast %add3A_120 : i32 to index
      %get3A_122 = tpu.vector_load %arg12[%get3A_121] {strides = array<i32>} : memref<32768xf32, #tpu.memory_space<vmem>>, vector<16xf32>,
      %add3A_123 = arith.constant 176 : i32
      %add3A_124 = arith.addi %mul3A_79, %add3A_123 : i32
      %get3A_125 = arith.index_cast %add3A_124 : i32 to index
      %get3A_126 = tpu.vector_load %arg12[%get3A_125] {strides = array<i32>} : memref<32768xf32, #tpu.memory_space<vmem>>, vector<16xf32>,
      %add3A_127 = arith.constant 192 : i32
      %add3A_128 = arith.addi %mul3A_79, %add3A_127 : i32
      %get3A_129 = arith.index_cast %add3A_128 : i32 to index
      %get3A_130 = tpu.vector_load %arg12[%get3A_129] {strides = array<i32>} : memref<32768xf32, #tpu.memory_space<vmem>>, vector<16xf32>,
      %add3A_131 = arith.constant 208 : i32
      %add3A_132 = arith.addi %mul3A_79, %add3A_131 : i32
      %get3A_133 = arith.index_cast %add3A_132 : i32 to index
      %get3A_134 = tpu.vector_load %arg12[%get3A_133] {strides = array<i32>} : memref<32768xf32, #tpu.memory_space<vmem>>, vector<16xf32>,
      %add3A_135 = arith.constant 224 : i32
      %add3A_136 = arith.addi %mul3A_79, %add3A_135 : i32
      %get3A_137 = arith.index_cast %add3A_136 : i32 to index
      %get3A_138 = tpu.vector_load %arg12[%get3A_137] {strides = array<i32>} : memref<32768xf32, #tpu.memory_space<vmem>>, vector<16xf32>,
      %add3A_139 = arith.constant 240 : i32
      %add3A_140 = arith.addi %mul3A_79, %add3A_139 : i32
      %get3A_141 = arith.index_cast %add3A_140 : i32 to index
      %get3A_142 = tpu.vector_load %arg12[%get3A_141] {strides = array<i32>} : memref<32768xf32, #tpu.memory_space<vmem>>, vector<16xf32>,
      %max3A = arith.maximumf %get3A_82, %get3A_86 : vector<16xf32>
      %max3A_143 = arith.maximumf %get3A_90, %get3A_94 : vector<16xf32>
      %max3A_144 = arith.maximumf %get3A_98, %get3A_102 : vector<16xf32>
      %max3A_145 = arith.maximumf %get3A_106, %get3A_110 : vector<16xf32>
      %max3A_146 = arith.maximumf %get3A_114, %get3A_118 : vector<16xf32>
      %max3A_147 = arith.maximumf %get3A_122, %get3A_126 : vector<16xf32>
      %max3A_148 = arith.maximumf %get3A_130, %get3A_134 : vector<16xf32>
      %max3A_149 = arith.maximumf %get3A_138, %get3A_142 : vector<16xf32>
      %max3A_150 = arith.maximumf %max3A, %max3A_143 : vector<16xf32>
      %max3A_151 = arith.maximumf %max3A_144, %max3A_145 : vector<16xf32>
      %max3A_152 = arith.maximumf %max3A_146, %max3A_147 : vector<16xf32>
      %max3A_153 = arith.maximumf %max3A_148, %max3A_149 : vector<16xf32>
      %max3A_154 = arith.maximumf %max3A_150, %max3A_151 : vector<16xf32>
      %max3A_155 = arith.maximumf %max3A_152, %max3A_153 : vector<16xf32>
      %max3A_156 = arith.maximumf %max3A_154, %max3A_155 : vector<16xf32>
      %max3A_157 = arith.maximumf %scan3A_77, %max3A_156 : vector<16xf32>
      scf.yield %max3A_157 : vector<16xf32>
    }
    %scan3A_16 = arith.constant 64 : i32
    %dma_wait3A = arith.constant 16384 : i32
    %dma_wait3A_17 = tpu.memref_slice %arg12[%dma_wait3A] : memref<32768xf32, #tpu.memory_space<vmem>> -> memref<16384xf32, #tpu.memory_space<vmem>>
    %dma_wait3A_18 = arith.constant 16384 : i32
    %dma_wait3A_19 = tpu.memref_slice %arg2[%arg1, %dma_wait3A_18] : memref<16x32768xf32, #tpu.memory_space<hbm>> -> memref<1x16384xf32, #tpu.memory_space<hbm>>
    %dma_wait3A_20 = tpu.memref_squeeze %dma_wait3A_19 : memref<1x16384xf32, #tpu.memory_space<hbm>> -> memref<16384xf32, #tpu.memory_space<hbm>>
    %dma_wait3A_21 = arith.constant 16384 : i32
    %dma_wait3A_22 = tpu.memref_slice %arg12[%dma_wait3A_21] : memref<32768xf32, #tpu.memory_space<vmem>> -> memref<16384xf32, #tpu.memory_space<vmem>>
    %dma_wait3A_23 = arith.constant 16384 : i32
    %dma_wait3A_24 = tpu.memref_slice %arg2[%arg1, %dma_wait3A_23] : memref<16x32768xf32, #tpu.memory_space<hbm>> -> memref<1x16384xf32, #tpu.memory_space<hbm>>
    %dma_wait3A_25 = tpu.memref_squeeze %dma_wait3A_24 : memref<1x16384xf32, #tpu.memory_space<hbm>> -> memref<16384xf32, #tpu.memory_space<hbm>>
    tpu.wait_dma2 semaphore(%arg27 : memref<!tpu.dma_semaphore, #tpu.memory_space<semaphore_mem>>) src(%dma_wait3A_25 : memref<16384xf32, #tpu.memory_space<hbm>>) dst(%dma_wait3A_22 : memref<16384xf32, #tpu.memory_space<vmem>>)
    %scan3A_26 = arith.constant 64 : i32
    %scan3A_27 = arith.constant 64 : i32
    %scan3A_28 = arith.addi %scan3A_26, %scan3A_27 : i32
    %scan3A_29 = arith.constant 1 : i32
    %scan3A_30 = scf.for %scan3A_76 = %scan3A_26 to %scan3A_28 step %scan3A_29 iter_args(%scan3A_77 = %scan3A_15) -> (vector<16xf32>)  : i32 {
      %mul3A_78 = arith.constant 256 : i32
      %mul3A_79 = arith.muli %scan3A_76, %mul3A_78 : i32
      %add3A_80 = arith.constant 0 : i32
      %add3A_81 = arith.addi %mul3A_79, %add3A_80 : i32
      %get3A = arith.index_cast %add3A_81 : i32 to index
      %get3A_82 = tpu.vector_load %arg12[%get3A] {strides = array<i32>} : memref<32768xf32, #tpu.memory_space<vmem>>, vector<16xf32>,
      %add3A_83 = arith.constant 16 : i32
      %add3A_84 = arith.addi %mul3A_79, %add3A_83 : i32
      %get3A_85 = arith.index_cast %add3A_84 : i32 to index
      %get3A_86 = tpu.vector_load %arg12[%get3A_85] {strides = array<i32>} : memref<32768xf32, #tpu.memory_space<vmem>>, vector<16xf32>,
      %add3A_87 = arith.constant 32 : i32
      %add3A_88 = arith.addi %mul3A_79, %add3A_87 : i32
      %get3A_89 = arith.index_cast %add3A_88 : i32 to index
      %get3A_90 = tpu.vector_load %arg12[%get3A_89] {strides = array<i32>} : memref<32768xf32, #tpu.memory_space<vmem>>, vector<16xf32>,
      %add3A_91 = arith.constant 48 : i32
      %add3A_92 = arith.addi %mul3A_79, %add3A_91 : i32
      %get3A_93 = arith.index_cast %add3A_92 : i32 to index
      %get3A_94 = tpu.vector_load %arg12[%get3A_93] {strides = array<i32>} : memref<32768xf32, #tpu.memory_space<vmem>>, vector<16xf32>,
      %add3A_95 = arith.constant 64 : i32
      %add3A_96 = arith.addi %mul3A_79, %add3A_95 : i32
      %get3A_97 = arith.index_cast %add3A_96 : i32 to index
      %get3A_98 = tpu.vector_load %arg12[%get3A_97] {strides = array<i32>} : memref<32768xf32, #tpu.memory_space<vmem>>, vector<16xf32>,
      %add3A_99 = arith.constant 80 : i32
      %add3A_100 = arith.addi %mul3A_79, %add3A_99 : i32
      %get3A_101 = arith.index_cast %add3A_100 : i32 to index
      %get3A_102 = tpu.vector_load %arg12[%get3A_101] {strides = array<i32>} : memref<32768xf32, #tpu.memory_space<vmem>>, vector<16xf32>,
      %add3A_103 = arith.constant 96 : i32
      %add3A_104 = arith.addi %mul3A_79, %add3A_103 : i32
      %get3A_105 = arith.index_cast %add3A_104 : i32 to index
      %get3A_106 = tpu.vector_load %arg12[%get3A_105] {strides = array<i32>} : memref<32768xf32, #tpu.memory_space<vmem>>, vector<16xf32>,
      %add3A_107 = arith.constant 112 : i32
      %add3A_108 = arith.addi %mul3A_79, %add3A_107 : i32
      %get3A_109 = arith.index_cast %add3A_108 : i32 to index
      %get3A_110 = tpu.vector_load %arg12[%get3A_109] {strides = array<i32>} : memref<32768xf32, #tpu.memory_space<vmem>>, vector<16xf32>,
      %add3A_111 = arith.constant 128 : i32
      %add3A_112 = arith.addi %mul3A_79, %add3A_111 : i32
      %get3A_113 = arith.index_cast %add3A_112 : i32 to index
      %get3A_114 = tpu.vector_load %arg12[%get3A_113] {strides = array<i32>} : memref<32768xf32, #tpu.memory_space<vmem>>, vector<16xf32>,
      %add3A_115 = arith.constant 144 : i32
      %add3A_116 = arith.addi %mul3A_79, %add3A_115 : i32
      %get3A_117 = arith.index_cast %add3A_116 : i32 to index
      %get3A_118 = tpu.vector_load %arg12[%get3A_117] {strides = array<i32>} : memref<32768xf32, #tpu.memory_space<vmem>>, vector<16xf32>,
      %add3A_119 = arith.constant 160 : i32
      %add3A_120 = arith.addi %mul3A_79, %add3A_119 : i32
      %get3A_121 = arith.index_cast %add3A_120 : i32 to index
      %get3A_122 = tpu.vector_load %arg12[%get3A_121] {strides = array<i32>} : memref<32768xf32, #tpu.memory_space<vmem>>, vector<16xf32>,
      %add3A_123 = arith.constant 176 : i32
      %add3A_124 = arith.addi %mul3A_79, %add3A_123 : i32
      %get3A_125 = arith.index_cast %add3A_124 : i32 to index
      %get3A_126 = tpu.vector_load %arg12[%get3A_125] {strides = array<i32>} : memref<32768xf32, #tpu.memory_space<vmem>>, vector<16xf32>,
      %add3A_127 = arith.constant 192 : i32
      %add3A_128 = arith.addi %mul3A_79, %add3A_127 : i32
      %get3A_129 = arith.index_cast %add3A_128 : i32 to index
      %get3A_130 = tpu.vector_load %arg12[%get3A_129] {strides = array<i32>} : memref<32768xf32, #tpu.memory_space<vmem>>, vector<16xf32>,
      %add3A_131 = arith.constant 208 : i32
      %add3A_132 = arith.addi %mul3A_79, %add3A_131 : i32
      %get3A_133 = arith.index_cast %add3A_132 : i32 to index
      %get3A_134 = tpu.vector_load %arg12[%get3A_133] {strides = array<i32>} : memref<32768xf32, #tpu.memory_space<vmem>>, vector<16xf32>,
      %add3A_135 = arith.constant 224 : i32
      %add3A_136 = arith.addi %mul3A_79, %add3A_135 : i32
      %get3A_137 = arith.index_cast %add3A_136 : i32 to index
      %get3A_138 = tpu.vector_load %arg12[%get3A_137] {strides = array<i32>} : memref<32768xf32, #tpu.memory_space<vmem>>, vector<16xf32>,
      %add3A_139 = arith.constant 240 : i32
      %add3A_140 = arith.addi %mul3A_79, %add3A_139 : i32
      %get3A_141 = arith.index_cast %add3A_140 : i32 to index
      %get3A_142 = tpu.vector_load %arg12[%get3A_141] {strides = array<i32>} : memref<32768xf32, #tpu.memory_space<vmem>>, vector<16xf32>,
      %max3A = arith.maximumf %get3A_82, %get3A_86 : vector<16xf32>
      %max3A_143 = arith.maximumf %get3A_90, %get3A_94 : vector<16xf32>
      %max3A_144 = arith.maximumf %get3A_98, %get3A_102 : vector<16xf32>
      %max3A_145 = arith.maximumf %get3A_106, %get3A_110 : vector<16xf32>
      %max3A_146 = arith.maximumf %get3A_114, %get3A_118 : vector<16xf32>
      %max3A_147 = arith.maximumf %get3A_122, %get3A_126 : vector<16xf32>
      %max3A_148 = arith.maximumf %get3A_130, %get3A_134 : vector<16xf32>
      %max3A_149 = arith.maximumf %get3A_138, %get3A_142 : vector<16xf32>
      %max3A_150 = arith.maximumf %max3A, %max3A_143 : vector<16xf32>
      %max3A_151 = arith.maximumf %max3A_144, %max3A_145 : vector<16xf32>
      %max3A_152 = arith.maximumf %max3A_146, %max3A_147 : vector<16xf32>
      %max3A_153 = arith.maximumf %max3A_148, %max3A_149 : vector<16xf32>
      %max3A_154 = arith.maximumf %max3A_150, %max3A_151 : vector<16xf32>
      %max3A_155 = arith.maximumf %max3A_152, %max3A_153 : vector<16xf32>
      %max3A_156 = arith.maximumf %max3A_154, %max3A_155 : vector<16xf32>
      %max3A_157 = arith.maximumf %scan3A_77, %max3A_156 : vector<16xf32>
      scf.yield %max3A_157 : vector<16xf32>
    }
    %scan3A_31 = arith.constant 64 : i32
    %sort3A = arith.constant dense<true> : vector<16xi1>
    %sort3A_32, %sort3A_33, %sort3A_34 = tpu.sort %scan3A_30, %scan3A_30 masked %sort3A : (vector<16xf32>, vector<16xf32>, vector<16xi1>) -> (vector<16xi1>, vector<16xf32>, vector<16xf32>)
    %bitcast3A = vector.bitcast %sort3A_33 : vector<16xf32> to vector<16xi32>
    %gt3A = arith.constant 0.000000e+00 : f32
    %gt3A_35 = vector.broadcast %gt3A : f32 to vector<16xf32>
    %gt3A_36 = arith.cmpf ogt, %sort3A_33, %gt3A_35 : vector<16xf32>
    %sub3A = arith.constant 1 : i32
    %sub3A_37 = vector.broadcast %sub3A : i32 to vector<16xi32>
    %sub3A_38 = arith.subi %bitcast3A, %sub3A_37 : vector<16xi32>
    %eq3A_39 = arith.constant 0.000000e+00 : f32
    %eq3A_40 = vector.broadcast %eq3A_39 : f32 to vector<16xf32>
    %eq3A_41 = arith.cmpf oeq, %sort3A_33, %eq3A_40 : vector<16xf32>
    %add3A = arith.constant 1 : i32
    %add3A_42 = vector.broadcast %add3A : i32 to vector<16xi32>
    %add3A_43 = arith.addi %bitcast3A, %add3A_42 : vector<16xi32>
    %jit3A = arith.constant -2147483647 : i32
    %broadcast_in_dim3A_44 = vector.broadcast %jit3A : i32 to vector<16xi32>
    %select_n3A = arith.select %eq3A_41, %broadcast_in_dim3A_44, %add3A_43 : vector<16xi1>, vector<16xi32>
    %select_n3A_45 = arith.select %gt3A_36, %sub3A_38, %select_n3A : vector<16xi1>, vector<16xi32>
    %bitcast3A_46 = vector.bitcast %select_n3A_45 : vector<16xi32> to vector<16xf32>
    %slice3A = vector.extract_strided_slice %bitcast3A_46 {offsets = [0], sizes = [1], strides = [1]} : vector<16xf32> to vector<1xf32>
    %squeeze3A = vector.extract %slice3A[0] : f32 from vector<1xf32>
    %broadcast_in_dim3A_47 = vector.broadcast %squeeze3A : f32 to vector<16xf32>
    %broadcast_in_dim3A_48 = arith.constant 0 : i32
    %broadcast_in_dim3A_49 = vector.broadcast %broadcast_in_dim3A_48 : i32 to vector<16xi32>
    %scan3A_50 = arith.constant 0 : i32
    %scan3A_51 = arith.constant 64 : i32
    %scan3A_52 = arith.addi %scan3A_50, %scan3A_51 : i32
    %scan3A_53 = arith.constant 1 : i32
    %scan3A_54:3 = scf.for %scan3A_76 = %scan3A_50 to %scan3A_52 step %scan3A_53 iter_args(%scan3A_77 = %broadcast_in_dim3A_0, %scan3A_78 = %broadcast_in_dim3A_49, %scan3A_79 = %broadcast_in_dim3A_47) -> (vector<16xf32>, vector<16xi32>, vector<16xf32>)  : i32 {
      %mul3A_80 = arith.constant 512 : i32
      %mul3A_81 = arith.muli %scan3A_76, %mul3A_80 : i32
      %add3A_82 = arith.constant 0 : i32
      %add3A_83 = arith.addi %mul3A_81, %add3A_82 : i32
      %add3A_84 = arith.constant 0 : i32
      %add3A_85 = arith.addi %add3A_83, %add3A_84 : i32
      %get3A = arith.index_cast %add3A_85 : i32 to index
      %get3A_86 = tpu.vector_load %arg12[%get3A] {strides = array<i32>} : memref<32768xf32, #tpu.memory_space<vmem>>, vector<16xf32>,
      %add3A_87 = arith.constant 0 : i32
      %add3A_88 = arith.addi %mul3A_81, %add3A_87 : i32
      %add3A_89 = arith.constant 16 : i32
      %add3A_90 = arith.addi %add3A_88, %add3A_89 : i32
      %get3A_91 = arith.index_cast %add3A_90 : i32 to index
      %get3A_92 = tpu.vector_load %arg12[%get3A_91] {strides = array<i32>} : memref<32768xf32, #tpu.memory_space<vmem>>, vector<16xf32>,
      %add3A_93 = arith.constant 0 : i32
      %add3A_94 = arith.addi %mul3A_81, %add3A_93 : i32
      %add3A_95 = arith.constant 32 : i32
      %add3A_96 = arith.addi %add3A_94, %add3A_95 : i32
      %get3A_97 = arith.index_cast %add3A_96 : i32 to index
      %get3A_98 = tpu.vector_load %arg12[%get3A_97] {strides = array<i32>} : memref<32768xf32, #tpu.memory_space<vmem>>, vector<16xf32>,
      %add3A_99 = arith.constant 0 : i32
      %add3A_100 = arith.addi %mul3A_81, %add3A_99 : i32
      %add3A_101 = arith.constant 48 : i32
      %add3A_102 = arith.addi %add3A_100, %add3A_101 : i32
      %get3A_103 = arith.index_cast %add3A_102 : i32 to index
      %get3A_104 = tpu.vector_load %arg12[%get3A_103] {strides = array<i32>} : memref<32768xf32, #tpu.memory_space<vmem>>, vector<16xf32>,
      %add3A_105 = arith.constant 0 : i32
      %add3A_106 = arith.addi %mul3A_81, %add3A_105 : i32
      %add3A_107 = arith.constant 64 : i32
      %add3A_108 = arith.addi %add3A_106, %add3A_107 : i32
      %get3A_109 = arith.index_cast %add3A_108 : i32 to index
      %get3A_110 = tpu.vector_load %arg12[%get3A_109] {strides = array<i32>} : memref<32768xf32, #tpu.memory_space<vmem>>, vector<16xf32>,
      %add3A_111 = arith.constant 0 : i32
      %add3A_112 = arith.addi %mul3A_81, %add3A_111 : i32
      %add3A_113 = arith.constant 80 : i32
      %add3A_114 = arith.addi %add3A_112, %add3A_113 : i32
      %get3A_115 = arith.index_cast %add3A_114 : i32 to index
      %get3A_116 = tpu.vector_load %arg12[%get3A_115] {strides = array<i32>} : memref<32768xf32, #tpu.memory_space<vmem>>, vector<16xf32>,
      %add3A_117 = arith.constant 0 : i32
      %add3A_118 = arith.addi %mul3A_81, %add3A_117 : i32
      %add3A_119 = arith.constant 96 : i32
      %add3A_120 = arith.addi %add3A_118, %add3A_119 : i32
      %get3A_121 = arith.index_cast %add3A_120 : i32 to index
      %get3A_122 = tpu.vector_load %arg12[%get3A_121] {strides = array<i32>} : memref<32768xf32, #tpu.memory_space<vmem>>, vector<16xf32>,
      %add3A_123 = arith.constant 0 : i32
      %add3A_124 = arith.addi %mul3A_81, %add3A_123 : i32
      %add3A_125 = arith.constant 112 : i32
      %add3A_126 = arith.addi %add3A_124, %add3A_125 : i32
      %get3A_127 = arith.index_cast %add3A_126 : i32 to index
      %get3A_128 = tpu.vector_load %arg12[%get3A_127] {strides = array<i32>} : memref<32768xf32, #tpu.memory_space<vmem>>, vector<16xf32>,
      %add3A_129 = arith.constant 128 : i32
      %add3A_130 = arith.addi %mul3A_81, %add3A_129 : i32
      %add3A_131 = arith.constant 0 : i32
      %add3A_132 = arith.addi %add3A_130, %add3A_131 : i32
      %get3A_133 = arith.index_cast %add3A_132 : i32 to index
      %get3A_134 = tpu.vector_load %arg12[%get3A_133] {strides = array<i32>} : memref<32768xf32, #tpu.memory_space<vmem>>, vector<16xf32>,
      %add3A_135 = arith.constant 128 : i32
      %add3A_136 = arith.addi %mul3A_81, %add3A_135 : i32
      %add3A_137 = arith.constant 16 : i32
      %add3A_138 = arith.addi %add3A_136, %add3A_137 : i32
      %get3A_139 = arith.index_cast %add3A_138 : i32 to index
      %get3A_140 = tpu.vector_load %arg12[%get3A_139] {strides = array<i32>} : memref<32768xf32, #tpu.memory_space<vmem>>, vector<16xf32>,
      %add3A_141 = arith.constant 128 : i32
      %add3A_142 = arith.addi %mul3A_81, %add3A_141 : i32
      %add3A_143 = arith.constant 32 : i32
      %add3A_144 = arith.addi %add3A_142, %add3A_143 : i32
      %get3A_145 = arith.index_cast %add3A_144 : i32 to index
      %get3A_146 = tpu.vector_load %arg12[%get3A_145] {strides = array<i32>} : memref<32768xf32, #tpu.memory_space<vmem>>, vector<16xf32>,
      %add3A_147 = arith.constant 128 : i32
      %add3A_148 = arith.addi %mul3A_81, %add3A_147 : i32
      %add3A_149 = arith.constant 48 : i32
      %add3A_150 = arith.addi %add3A_148, %add3A_149 : i32
      %get3A_151 = arith.index_cast %add3A_150 : i32 to index
      %get3A_152 = tpu.vector_load %arg12[%get3A_151] {strides = array<i32>} : memref<32768xf32, #tpu.memory_space<vmem>>, vector<16xf32>,
      %add3A_153 = arith.constant 128 : i32
      %add3A_154 = arith.addi %mul3A_81, %add3A_153 : i32
      %add3A_155 = arith.constant 64 : i32
      %add3A_156 = arith.addi %add3A_154, %add3A_155 : i32
      %get3A_157 = arith.index_cast %add3A_156 : i32 to index
      %get3A_158 = tpu.vector_load %arg12[%get3A_157] {strides = array<i32>} : memref<32768xf32, #tpu.memory_space<vmem>>, vector<16xf32>,
      %add3A_159 = arith.constant 128 : i32
      %add3A_160 = arith.addi %mul3A_81, %add3A_159 : i32
      %add3A_161 = arith.constant 80 : i32
      %add3A_162 = arith.addi %add3A_160, %add3A_161 : i32
      %get3A_163 = arith.index_cast %add3A_162 : i32 to index
      %get3A_164 = tpu.vector_load %arg12[%get3A_163] {strides = array<i32>} : memref<32768xf32, #tpu.memory_space<vmem>>, vector<16xf32>,
      %add3A_165 = arith.constant 128 : i32
      %add3A_166 = arith.addi %mul3A_81, %add3A_165 : i32
      %add3A_167 = arith.constant 96 : i32
      %add3A_168 = arith.addi %add3A_166, %add3A_167 : i32
      %get3A_169 = arith.index_cast %add3A_168 : i32 to index
      %get3A_170 = tpu.vector_load %arg12[%get3A_169] {strides = array<i32>} : memref<32768xf32, #tpu.memory_space<vmem>>, vector<16xf32>,
      %add3A_171 = arith.constant 128 : i32
      %add3A_172 = arith.addi %mul3A_81, %add3A_171 : i32
      %add3A_173 = arith.constant 112 : i32
      %add3A_174 = arith.addi %add3A_172, %add3A_173 : i32
      %get3A_175 = arith.index_cast %add3A_174 : i32 to index
      %get3A_176 = tpu.vector_load %arg12[%get3A_175] {strides = array<i32>} : memref<32768xf32, #tpu.memory_space<vmem>>, vector<16xf32>,
      %add3A_177 = arith.constant 256 : i32
      %add3A_178 = arith.addi %mul3A_81, %add3A_177 : i32
      %add3A_179 = arith.constant 0 : i32
      %add3A_180 = arith.addi %add3A_178, %add3A_179 : i32
      %get3A_181 = arith.index_cast %add3A_180 : i32 to index
      %get3A_182 = tpu.vector_load %arg12[%get3A_181] {strides = array<i32>} : memref<32768xf32, #tpu.memory_space<vmem>>, vector<16xf32>,
      %add3A_183 = arith.constant 256 : i32
      %add3A_184 = arith.addi %mul3A_81, %add3A_183 : i32
      %add3A_185 = arith.constant 16 : i32
      %add3A_186 = arith.addi %add3A_184, %add3A_185 : i32
      %get3A_187 = arith.index_cast %add3A_186 : i32 to index
      %get3A_188 = tpu.vector_load %arg12[%get3A_187] {strides = array<i32>} : memref<32768xf32, #tpu.memory_space<vmem>>, vector<16xf32>,
      %add3A_189 = arith.constant 256 : i32
      %add3A_190 = arith.addi %mul3A_81, %add3A_189 : i32
      %add3A_191 = arith.constant 32 : i32
      %add3A_192 = arith.addi %add3A_190, %add3A_191 : i32
      %get3A_193 = arith.index_cast %add3A_192 : i32 to index
      %get3A_194 = tpu.vector_load %arg12[%get3A_193] {strides = array<i32>} : memref<32768xf32, #tpu.memory_space<vmem>>, vector<16xf32>,
      %add3A_195 = arith.constant 256 : i32
      %add3A_196 = arith.addi %mul3A_81, %add3A_195 : i32
      %add3A_197 = arith.constant 48 : i32
      %add3A_198 = arith.addi %add3A_196, %add3A_197 : i32
      %get3A_199 = arith.index_cast %add3A_198 : i32 to index
      %get3A_200 = tpu.vector_load %arg12[%get3A_199] {strides = array<i32>} : memref<32768xf32, #tpu.memory_space<vmem>>, vector<16xf32>,
      %add3A_201 = arith.constant 256 : i32
      %add3A_202 = arith.addi %mul3A_81, %add3A_201 : i32
      %add3A_203 = arith.constant 64 : i32
      %add3A_204 = arith.addi %add3A_202, %add3A_203 : i32
      %get3A_205 = arith.index_cast %add3A_204 : i32 to index
      %get3A_206 = tpu.vector_load %arg12[%get3A_205] {strides = array<i32>} : memref<32768xf32, #tpu.memory_space<vmem>>, vector<16xf32>,
      %add3A_207 = arith.constant 256 : i32
      %add3A_208 = arith.addi %mul3A_81, %add3A_207 : i32
      %add3A_209 = arith.constant 80 : i32
      %add3A_210 = arith.addi %add3A_208, %add3A_209 : i32
      %get3A_211 = arith.index_cast %add3A_210 : i32 to index
      %get3A_212 = tpu.vector_load %arg12[%get3A_211] {strides = array<i32>} : memref<32768xf32, #tpu.memory_space<vmem>>, vector<16xf32>,
      %add3A_213 = arith.constant 256 : i32
      %add3A_214 = arith.addi %mul3A_81, %add3A_213 : i32
      %add3A_215 = arith.constant 96 : i32
      %add3A_216 = arith.addi %add3A_214, %add3A_215 : i32
      %get3A_217 = arith.index_cast %add3A_216 : i32 to index
      %get3A_218 = tpu.vector_load %arg12[%get3A_217] {strides = array<i32>} : memref<32768xf32, #tpu.memory_space<vmem>>, vector<16xf32>,
      %add3A_219 = arith.constant 256 : i32
      %add3A_220 = arith.addi %mul3A_81, %add3A_219 : i32
      %add3A_221 = arith.constant 112 : i32
      %add3A_222 = arith.addi %add3A_220, %add3A_221 : i32
      %get3A_223 = arith.index_cast %add3A_222 : i32 to index
      %get3A_224 = tpu.vector_load %arg12[%get3A_223] {strides = array<i32>} : memref<32768xf32, #tpu.memory_space<vmem>>, vector<16xf32>,
      %add3A_225 = arith.constant 384 : i32
      %add3A_226 = arith.addi %mul3A_81, %add3A_225 : i32
      %add3A_227 = arith.constant 0 : i32
      %add3A_228 = arith.addi %add3A_226, %add3A_227 : i32
      %get3A_229 = arith.index_cast %add3A_228 : i32 to index
      %get3A_230 = tpu.vector_load %arg12[%get3A_229] {strides = array<i32>} : memref<32768xf32, #tpu.memory_space<vmem>>, vector<16xf32>,
      %add3A_231 = arith.constant 384 : i32
      %add3A_232 = arith.addi %mul3A_81, %add3A_231 : i32
      %add3A_233 = arith.constant 16 : i32
      %add3A_234 = arith.addi %add3A_232, %add3A_233 : i32
      %get3A_235 = arith.index_cast %add3A_234 : i32 to index
      %get3A_236 = tpu.vector_load %arg12[%get3A_235] {strides = array<i32>} : memref<32768xf32, #tpu.memory_space<vmem>>, vector<16xf32>,
      %add3A_237 = arith.constant 384 : i32
      %add3A_238 = arith.addi %mul3A_81, %add3A_237 : i32
      %add3A_239 = arith.constant 32 : i32
      %add3A_240 = arith.addi %add3A_238, %add3A_239 : i32
      %get3A_241 = arith.index_cast %add3A_240 : i32 to index
      %get3A_242 = tpu.vector_load %arg12[%get3A_241] {strides = array<i32>} : memref<32768xf32, #tpu.memory_space<vmem>>, vector<16xf32>,
      %add3A_243 = arith.constant 384 : i32
      %add3A_244 = arith.addi %mul3A_81, %add3A_243 : i32
      %add3A_245 = arith.constant 48 : i32
      %add3A_246 = arith.addi %add3A_244, %add3A_245 : i32
      %get3A_247 = arith.index_cast %add3A_246 : i32 to index
      %get3A_248 = tpu.vector_load %arg12[%get3A_247] {strides = array<i32>} : memref<32768xf32, #tpu.memory_space<vmem>>, vector<16xf32>,
      %add3A_249 = arith.constant 384 : i32
      %add3A_250 = arith.addi %mul3A_81, %add3A_249 : i32
      %add3A_251 = arith.constant 64 : i32
      %add3A_252 = arith.addi %add3A_250, %add3A_251 : i32
      %get3A_253 = arith.index_cast %add3A_252 : i32 to index
      %get3A_254 = tpu.vector_load %arg12[%get3A_253] {strides = array<i32>} : memref<32768xf32, #tpu.memory_space<vmem>>, vector<16xf32>,
      %add3A_255 = arith.constant 384 : i32
      %add3A_256 = arith.addi %mul3A_81, %add3A_255 : i32
      %add3A_257 = arith.constant 80 : i32
      %add3A_258 = arith.addi %add3A_256, %add3A_257 : i32
      %get3A_259 = arith.index_cast %add3A_258 : i32 to index
      %get3A_260 = tpu.vector_load %arg12[%get3A_259] {strides = array<i32>} : memref<32768xf32, #tpu.memory_space<vmem>>, vector<16xf32>,
      %add3A_261 = arith.constant 384 : i32
      %add3A_262 = arith.addi %mul3A_81, %add3A_261 : i32
      %add3A_263 = arith.constant 96 : i32
      %add3A_264 = arith.addi %add3A_262, %add3A_263 : i32
      %get3A_265 = arith.index_cast %add3A_264 : i32 to index
      %get3A_266 = tpu.vector_load %arg12[%get3A_265] {strides = array<i32>} : memref<32768xf32, #tpu.memory_space<vmem>>, vector<16xf32>,
      %add3A_267 = arith.constant 384 : i32
      %add3A_268 = arith.addi %mul3A_81, %add3A_267 : i32
      %add3A_269 = arith.constant 112 : i32
      %add3A_270 = arith.addi %add3A_268, %add3A_269 : i32
      %get3A_271 = arith.index_cast %add3A_270 : i32 to index
      %get3A_272 = tpu.vector_load %arg12[%get3A_271] {strides = array<i32>} : memref<32768xf32, #tpu.memory_space<vmem>>, vector<16xf32>,
      %max3A = arith.maximumf %get3A_86, %get3A_92 : vector<16xf32>
      %max3A_273 = arith.maximumf %get3A_98, %get3A_104 : vector<16xf32>
      %max3A_274 = arith.maximumf %get3A_110, %get3A_116 : vector<16xf32>
      %max3A_275 = arith.maximumf %get3A_122, %get3A_128 : vector<16xf32>
      %max3A_276 = arith.maximumf %max3A, %max3A_273 : vector<16xf32>
      %max3A_277 = arith.maximumf %max3A_274, %max3A_275 : vector<16xf32>
      %max3A_278 = arith.maximumf %max3A_276, %max3A_277 : vector<16xf32>
      %max3A_279 = arith.maximumf %get3A_134, %get3A_140 : vector<16xf32>
      %max3A_280 = arith.maximumf %get3A_146, %get3A_152 : vector<16xf32>
      %max3A_281 = arith.maximumf %get3A_158, %get3A_164 : vector<16xf32>
      %max3A_282 = arith.maximumf %get3A_170, %get3A_176 : vector<16xf32>
      %max3A_283 = arith.maximumf %max3A_279, %max3A_280 : vector<16xf32>
      %max3A_284 = arith.maximumf %max3A_281, %max3A_282 : vector<16xf32>
      %max3A_285 = arith.maximumf %max3A_283, %max3A_284 : vector<16xf32>
      %max3A_286 = arith.maximumf %get3A_182, %get3A_188 : vector<16xf32>
      %max3A_287 = arith.maximumf %get3A_194, %get3A_200 : vector<16xf32>
      %max3A_288 = arith.maximumf %get3A_206, %get3A_212 : vector<16xf32>
      %max3A_289 = arith.maximumf %get3A_218, %get3A_224 : vector<16xf32>
      %max3A_290 = arith.maximumf %max3A_286, %max3A_287 : vector<16xf32>
      %max3A_291 = arith.maximumf %max3A_288, %max3A_289 : vector<16xf32>
      %max3A_292 = arith.maximumf %max3A_290, %max3A_291 : vector<16xf32>
      %max3A_293 = arith.maximumf %get3A_230, %get3A_236 : vector<16xf32>
      %max3A_294 = arith.maximumf %get3A_242, %get3A_248 : vector<16xf32>
      %max3A_295 = arith.maximumf %get3A_254, %get3A_260 : vector<16xf32>
      %max3A_296 = arith.maximumf %get3A_266, %get3A_272 : vector<16xf32>
      %max3A_297 = arith.maximumf %max3A_293, %max3A_294 : vector<16xf32>
      %max3A_298 = arith.maximumf %max3A_295, %max3A_296 : vector<16xf32>
      %max3A_299 = arith.maximumf %max3A_297, %max3A_298 : vector<16xf32>
      %max3A_300 = arith.maximumf %max3A_278, %max3A_285 : vector<16xf32>
      %max3A_301 = arith.maximumf %max3A_292, %max3A_299 : vector<16xf32>
      %max3A_302 = arith.maximumf %max3A_300, %max3A_301 : vector<16xf32>
      %gt3A_303 = arith.cmpf ogt, %max3A_302, %scan3A_79 : vector<16xf32>
      %reduce_or3A = arith.constant 1.000000e+00 : f32
      %reduce_or3A_304 = arith.constant 0.000000e+00 : f32
      %reduce_or3A_305 = vector.broadcast %reduce_or3A : f32 to vector<16xf32>
      %reduce_or3A_306 = vector.broadcast %reduce_or3A_304 : f32 to vector<16xf32>
      %reduce_or3A_307 = arith.select %gt3A_303, %reduce_or3A_305, %reduce_or3A_306 : vector<16xi1>, vector<16xf32>
      %reduce_or3A_308 = arith.constant true
      %reduce_or3A_309 = vector.broadcast %reduce_or3A_308 : i1 to vector<16xi1>
      %reduce_or3A_310 = tpu.scan <max>, %reduce_or3A_307 masked %reduce_or3A_309 : vector<16xf32>, vector<16xi1> -> vector<16xf32>
      %reduce_or3A_311 = vector.extract %reduce_or3A_310[15] : f32 from vector<16xf32>
      %reduce_or3A_312 = arith.constant 0.000000e+00 : f32
      %reduce_or3A_313 = arith.cmpf ogt, %reduce_or3A_311, %reduce_or3A_312 : f32
      %convert_element_type3A_314 = arith.extui %reduce_or3A_313 : i1 to i32
      %cond3A_315 = arith.constant 0 : i32
      %cond3A_316 = arith.cmpi ne, %convert_element_type3A_314, %cond3A_315 : i32
      %cond3A_317:3 = scf.if %cond3A_316 -> (vector<16xf32>, vector<16xi32>, vector<16xf32>) {
        %max3A_318 = arith.maximumf %max3A_278, %max3A_285 : vector<16xf32>
        %gt3A_319 = arith.cmpf ogt, %max3A_318, %scan3A_79 : vector<16xf32>
        %reduce_or3A_320 = arith.constant 1.000000e+00 : f32
        %reduce_or3A_321 = arith.constant 0.000000e+00 : f32
        %reduce_or3A_322 = vector.broadcast %reduce_or3A_320 : f32 to vector<16xf32>
        %reduce_or3A_323 = vector.broadcast %reduce_or3A_321 : f32 to vector<16xf32>
        %reduce_or3A_324 = arith.select %gt3A_319, %reduce_or3A_322, %reduce_or3A_323 : vector<16xi1>, vector<16xf32>
        %reduce_or3A_325 = arith.constant true
        %reduce_or3A_326 = vector.broadcast %reduce_or3A_325 : i1 to vector<16xi1>
        %reduce_or3A_327 = tpu.scan <max>, %reduce_or3A_324 masked %reduce_or3A_326 : vector<16xf32>, vector<16xi1> -> vector<16xf32>
        %reduce_or3A_328 = vector.extract %reduce_or3A_327[15] : f32 from vector<16xf32>
        %reduce_or3A_329 = arith.constant 0.000000e+00 : f32
        %reduce_or3A_330 = arith.cmpf ogt, %reduce_or3A_328, %reduce_or3A_329 : f32
        %convert_element_type3A_331 = arith.extui %reduce_or3A_330 : i1 to i32
        %cond3A_332 = arith.constant 0 : i32
        %cond3A_333 = arith.cmpi ne, %convert_element_type3A_331, %cond3A_332 : i32
        %cond3A_334:3 = scf.if %cond3A_333 -> (vector<16xf32>, vector<16xi32>, vector<16xf32>) {
          %add3A_352 = arith.constant 0 : i32
          %add3A_353 = arith.addi %mul3A_81, %add3A_352 : i32
          %gt3A_354 = arith.cmpf ogt, %max3A_278, %scan3A_79 : vector<16xf32>
          %reduce_or3A_355 = arith.constant 1.000000e+00 : f32
          %reduce_or3A_356 = arith.constant 0.000000e+00 : f32
          %reduce_or3A_357 = vector.broadcast %reduce_or3A_355 : f32 to vector<16xf32>
          %reduce_or3A_358 = vector.broadcast %reduce_or3A_356 : f32 to vector<16xf32>
          %reduce_or3A_359 = arith.select %gt3A_354, %reduce_or3A_357, %reduce_or3A_358 : vector<16xi1>, vector<16xf32>
          %reduce_or3A_360 = arith.constant true
          %reduce_or3A_361 = vector.broadcast %reduce_or3A_360 : i1 to vector<16xi1>
          %reduce_or3A_362 = tpu.scan <max>, %reduce_or3A_359 masked %reduce_or3A_361 : vector<16xf32>, vector<16xi1> -> vector<16xf32>
          %reduce_or3A_363 = vector.extract %reduce_or3A_362[15] : f32 from vector<16xf32>
          %reduce_or3A_364 = arith.constant 0.000000e+00 : f32
          %reduce_or3A_365 = arith.cmpf ogt, %reduce_or3A_363, %reduce_or3A_364 : f32
          %convert_element_type3A_366 = arith.extui %reduce_or3A_365 : i1 to i32
          %cond3A_367 = arith.constant 0 : i32
          %cond3A_368 = arith.cmpi ne, %convert_element_type3A_366, %cond3A_367 : i32
          %cond3A_369:3 = scf.if %cond3A_368 -> (vector<16xf32>, vector<16xi32>, vector<16xf32>) {
            %add3A_388 = arith.constant 0 : i32
            %add3A_389 = arith.addi %add3A_353, %add3A_388 : i32
            %add3A_390 = vector.broadcast %add3A_389 : i32 to vector<16xi32>
            %add3A_391 = arith.addi %iota3A, %add3A_390 : vector<16xi32>
            %masked_sort3A = arith.constant dense<true> : vector<16xi1>
            %masked_sort3A_392, %masked_sort3A_393, %masked_sort3A_394 = tpu.sort %get3A_86, %add3A_391 masked %masked_sort3A : (vector<16xf32>, vector<16xi32>, vector<16xi1>) -> (vector<16xi1>, vector<16xf32>, vector<16xi32>)
            %rev3A_395 = arith.constant 15 : i32
            %rev3A_396 = vector.broadcast %rev3A_395 : i32 to vector<16xi32>
            %rev3A_397 = tpu.iota {dimensions = array<i32: 0>} : vector<16xi32>
            %rev3A_398 = arith.subi %rev3A_396, %rev3A_397 : vector<16xi32>
            %rev3A_399 = tpu.dynamic_gather %masked_sort3A_393[%rev3A_398] in [0] : vector<16xf32>, vector<16xi32> -> vector<16xf32>
            %rev3A_400 = arith.constant 15 : i32
            %rev3A_401 = vector.broadcast %rev3A_400 : i32 to vector<16xi32>
            %rev3A_402 = tpu.iota {dimensions = array<i32: 0>} : vector<16xi32>
            %rev3A_403 = arith.subi %rev3A_401, %rev3A_402 : vector<16xi32>
            %rev3A_404 = tpu.dynamic_gather %masked_sort3A_394[%rev3A_403] in [0] : vector<16xi32>, vector<16xi32> -> vector<16xi32>
            %ge3A = arith.cmpf oge, %scan3A_77, %rev3A_399 : vector<16xf32>
            %select_n3A_405 = arith.select %ge3A, %scan3A_77, %rev3A_399 : vector<16xi1>, vector<16xf32>
            %select_n3A_406 = arith.select %ge3A, %scan3A_78, %rev3A_404 : vector<16xi1>, vector<16xi32>
            %masked_sort3A_407 = arith.constant dense<true> : vector<16xi1>
            %masked_sort3A_408, %masked_sort3A_409, %masked_sort3A_410 = tpu.sort %select_n3A_405, %select_n3A_406 masked %masked_sort3A_407 : (vector<16xf32>, vector<16xi32>, vector<16xi1>) -> (vector<16xi1>, vector<16xf32>, vector<16xi32>)
            %add3A_411 = arith.constant 16 : i32
            %add3A_412 = arith.addi %add3A_353, %add3A_411 : i32
            %add3A_413 = vector.broadcast %add3A_412 : i32 to vector<16xi32>
            %add3A_414 = arith.addi %iota3A, %add3A_413 : vector<16xi32>
            %masked_sort3A_415 = arith.constant dense<true> : vector<16xi1>
            %masked_sort3A_416, %masked_sort3A_417, %masked_sort3A_418 = tpu.sort %get3A_92, %add3A_414 masked %masked_sort3A_415 : (vector<16xf32>, vector<16xi32>, vector<16xi1>) -> (vector<16xi1>, vector<16xf32>, vector<16xi32>)
            %rev3A_419 = arith.constant 15 : i32
            %rev3A_420 = vector.broadcast %rev3A_419 : i32 to vector<16xi32>
            %rev3A_421 = tpu.iota {dimensions = array<i32: 0>} : vector<16xi32>
            %rev3A_422 = arith.subi %rev3A_420, %rev3A_421 : vector<16xi32>
            %rev3A_423 = tpu.dynamic_gather %masked_sort3A_417[%rev3A_422] in [0] : vector<16xf32>, vector<16xi32> -> vector<16xf32>
            %rev3A_424 = arith.constant 15 : i32
            %rev3A_425 = vector.broadcast %rev3A_424 : i32 to vector<16xi32>
            %rev3A_426 = tpu.iota {dimensions = array<i32: 0>} : vector<16xi32>
            %rev3A_427 = arith.subi %rev3A_425, %rev3A_426 : vector<16xi32>
            %rev3A_428 = tpu.dynamic_gather %masked_sort3A_418[%rev3A_427] in [0] : vector<16xi32>, vector<16xi32> -> vector<16xi32>
            %ge3A_429 = arith.cmpf oge, %masked_sort3A_409, %rev3A_423 : vector<16xf32>
            %select_n3A_430 = arith.select %ge3A_429, %masked_sort3A_409, %rev3A_423 : vector<16xi1>, vector<16xf32>
            %select_n3A_431 = arith.select %ge3A_429, %masked_sort3A_410, %rev3A_428 : vector<16xi1>, vector<16xi32>
            %masked_sort3A_432 = arith.constant dense<true> : vector<16xi1>
            %masked_sort3A_433, %masked_sort3A_434, %masked_sort3A_435 = tpu.sort %select_n3A_430, %select_n3A_431 masked %masked_sort3A_432 : (vector<16xf32>, vector<16xi32>, vector<16xi1>) -> (vector<16xi1>, vector<16xf32>, vector<16xi32>)
            %add3A_436 = arith.constant 32 : i32
            %add3A_437 = arith.addi %add3A_353, %add3A_436 : i32
            %add3A_438 = vector.broadcast %add3A_437 : i32 to vector<16xi32>
            %add3A_439 = arith.addi %iota3A, %add3A_438 : vector<16xi32>
            %masked_sort3A_440 = arith.constant dense<true> : vector<16xi1>
            %masked_sort3A_441, %masked_sort3A_442, %masked_sort3A_443 = tpu.sort %get3A_98, %add3A_439 masked %masked_sort3A_440 : (vector<16xf32>, vector<16xi32>, vector<16xi1>) -> (vector<16xi1>, vector<16xf32>, vector<16xi32>)
            %rev3A_444 = arith.constant 15 : i32
            %rev3A_445 = vector.broadcast %rev3A_444 : i32 to vector<16xi32>
            %rev3A_446 = tpu.iota {dimensions = array<i32: 0>} : vector<16xi32>
            %rev3A_447 = arith.subi %rev3A_445, %rev3A_446 : vector<16xi32>
            %rev3A_448 = tpu.dynamic_gather %masked_sort3A_442[%rev3A_447] in [0] : vector<16xf32>, vector<16xi32> -> vector<16xf32>
            %rev3A_449 = arith.constant 15 : i32
            %rev3A_450 = vector.broadcast %rev3A_449 : i32 to vector<16xi32>
            %rev3A_451 = tpu.iota {dimensions = array<i32: 0>} : vector<16xi32>
            %rev3A_452 = arith.subi %rev3A_450, %rev3A_451 : vector<16xi32>
            %rev3A_453 = tpu.dynamic_gather %masked_sort3A_443[%rev3A_452] in [0] : vector<16xi32>, vector<16xi32> -> vector<16xi32>
            %ge3A_454 = arith.cmpf oge, %masked_sort3A_434, %rev3A_448 : vector<16xf32>
            %select_n3A_455 = arith.select %ge3A_454, %masked_sort3A_434, %rev3A_448 : vector<16xi1>, vector<16xf32>
            %select_n3A_456 = arith.select %ge3A_454, %masked_sort3A_435, %rev3A_453 : vector<16xi1>, vector<16xi32>
            %masked_sort3A_457 = arith.constant dense<true> : vector<16xi1>
            %masked_sort3A_458, %masked_sort3A_459, %masked_sort3A_460 = tpu.sort %select_n3A_455, %select_n3A_456 masked %masked_sort3A_457 : (vector<16xf32>, vector<16xi32>, vector<16xi1>) -> (vector<16xi1>, vector<16xf32>, vector<16xi32>)
            %add3A_461 = arith.constant 48 : i32
            %add3A_462 = arith.addi %add3A_353, %add3A_461 : i32
            %add3A_463 = vector.broadcast %add3A_462 : i32 to vector<16xi32>
            %add3A_464 = arith.addi %iota3A, %add3A_463 : vector<16xi32>
            %masked_sort3A_465 = arith.constant dense<true> : vector<16xi1>
            %masked_sort3A_466, %masked_sort3A_467, %masked_sort3A_468 = tpu.sort %get3A_104, %add3A_464 masked %masked_sort3A_465 : (vector<16xf32>, vector<16xi32>, vector<16xi1>) -> (vector<16xi1>, vector<16xf32>, vector<16xi32>)
            %rev3A_469 = arith.constant 15 : i32
            %rev3A_470 = vector.broadcast %rev3A_469 : i32 to vector<16xi32>
            %rev3A_471 = tpu.iota {dimensions = array<i32: 0>} : vector<16xi32>
            %rev3A_472 = arith.subi %rev3A_470, %rev3A_471 : vector<16xi32>
            %rev3A_473 = tpu.dynamic_gather %masked_sort3A_467[%rev3A_472] in [0] : vector<16xf32>, vector<16xi32> -> vector<16xf32>
            %rev3A_474 = arith.constant 15 : i32
            %rev3A_475 = vector.broadcast %rev3A_474 : i32 to vector<16xi32>
            %rev3A_476 = tpu.iota {dimensions = array<i32: 0>} : vector<16xi32>
            %rev3A_477 = arith.subi %rev3A_475, %rev3A_476 : vector<16xi32>
            %rev3A_478 = tpu.dynamic_gather %masked_sort3A_468[%rev3A_477] in [0] : vector<16xi32>, vector<16xi32> -> vector<16xi32>
            %ge3A_479 = arith.cmpf oge, %masked_sort3A_459, %rev3A_473 : vector<16xf32>
            %select_n3A_480 = arith.select %ge3A_479, %masked_sort3A_459, %rev3A_473 : vector<16xi1>, vector<16xf32>
            %select_n3A_481 = arith.select %ge3A_479, %masked_sort3A_460, %rev3A_478 : vector<16xi1>, vector<16xi32>
            %masked_sort3A_482 = arith.constant dense<true> : vector<16xi1>
            %masked_sort3A_483, %masked_sort3A_484, %masked_sort3A_485 = tpu.sort %select_n3A_480, %select_n3A_481 masked %masked_sort3A_482 : (vector<16xf32>, vector<16xi32>, vector<16xi1>) -> (vector<16xi1>, vector<16xf32>, vector<16xi32>)
            %add3A_486 = arith.constant 64 : i32
            %add3A_487 = arith.addi %add3A_353, %add3A_486 : i32
            %add3A_488 = vector.broadcast %add3A_487 : i32 to vector<16xi32>
            %add3A_489 = arith.addi %iota3A, %add3A_488 : vector<16xi32>
            %masked_sort3A_490 = arith.constant dense<true> : vector<16xi1>
            %masked_sort3A_491, %masked_sort3A_492, %masked_sort3A_493 = tpu.sort %get3A_110, %add3A_489 masked %masked_sort3A_490 : (vector<16xf32>, vector<16xi32>, vector<16xi1>) -> (vector<16xi1>, vector<16xf32>, vector<16xi32>)
            %rev3A_494 = arith.constant 15 : i32
            %rev3A_495 = vector.broadcast %rev3A_494 : i32 to vector<16xi32>
            %rev3A_496 = tpu.iota {dimensions = array<i32: 0>} : vector<16xi32>
            %rev3A_497 = arith.subi %rev3A_495, %rev3A_496 : vector<16xi32>
            %rev3A_498 = tpu.dynamic_gather %masked_sort3A_492[%rev3A_497] in [0] : vector<16xf32>, vector<16xi32> -> vector<16xf32>
            %rev3A_499 = arith.constant 15 : i32
            %rev3A_500 = vector.broadcast %rev3A_499 : i32 to vector<16xi32>
            %rev3A_501 = tpu.iota {dimensions = array<i32: 0>} : vector<16xi32>
            %rev3A_502 = arith.subi %rev3A_500, %rev3A_501 : vector<16xi32>
            %rev3A_503 = tpu.dynamic_gather %masked_sort3A_493[%rev3A_502] in [0] : vector<16xi32>, vector<16xi32> -> vector<16xi32>
            %ge3A_504 = arith.cmpf oge, %masked_sort3A_484, %rev3A_498 : vector<16xf32>
            %select_n3A_505 = arith.select %ge3A_504, %masked_sort3A_484, %rev3A_498 : vector<16xi1>, vector<16xf32>
            %select_n3A_506 = arith.select %ge3A_504, %masked_sort3A_485, %rev3A_503 : vector<16xi1>, vector<16xi32>
            %masked_sort3A_507 = arith.constant dense<true> : vector<16xi1>
            %masked_sort3A_508, %masked_sort3A_509, %masked_sort3A_510 = tpu.sort %select_n3A_505, %select_n3A_506 masked %masked_sort3A_507 : (vector<16xf32>, vector<16xi32>, vector<16xi1>) -> (vector<16xi1>, vector<16xf32>, vector<16xi32>)
            %add3A_511 = arith.constant 80 : i32
            %add3A_512 = arith.addi %add3A_353, %add3A_511 : i32
            %add3A_513 = vector.broadcast %add3A_512 : i32 to vector<16xi32>
            %add3A_514 = arith.addi %iota3A, %add3A_513 : vector<16xi32>
            %masked_sort3A_515 = arith.constant dense<true> : vector<16xi1>
            %masked_sort3A_516, %masked_sort3A_517, %masked_sort3A_518 = tpu.sort %get3A_116, %add3A_514 masked %masked_sort3A_515 : (vector<16xf32>, vector<16xi32>, vector<16xi1>) -> (vector<16xi1>, vector<16xf32>, vector<16xi32>)
            %rev3A_519 = arith.constant 15 : i32
            %rev3A_520 = vector.broadcast %rev3A_519 : i32 to vector<16xi32>
            %rev3A_521 = tpu.iota {dimensions = array<i32: 0>} : vector<16xi32>
            %rev3A_522 = arith.subi %rev3A_520, %rev3A_521 : vector<16xi32>
            %rev3A_523 = tpu.dynamic_gather %masked_sort3A_517[%rev3A_522] in [0] : vector<16xf32>, vector<16xi32> -> vector<16xf32>
            %rev3A_524 = arith.constant 15 : i32
            %rev3A_525 = vector.broadcast %rev3A_524 : i32 to vector<16xi32>
            %rev3A_526 = tpu.iota {dimensions = array<i32: 0>} : vector<16xi32>
            %rev3A_527 = arith.subi %rev3A_525, %rev3A_526 : vector<16xi32>
            %rev3A_528 = tpu.dynamic_gather %masked_sort3A_518[%rev3A_527] in [0] : vector<16xi32>, vector<16xi32> -> vector<16xi32>
            %ge3A_529 = arith.cmpf oge, %masked_sort3A_509, %rev3A_523 : vector<16xf32>
            %select_n3A_530 = arith.select %ge3A_529, %masked_sort3A_509, %rev3A_523 : vector<16xi1>, vector<16xf32>
            %select_n3A_531 = arith.select %ge3A_529, %masked_sort3A_510, %rev3A_528 : vector<16xi1>, vector<16xi32>
            %masked_sort3A_532 = arith.constant dense<true> : vector<16xi1>
            %masked_sort3A_533, %masked_sort3A_534, %masked_sort3A_535 = tpu.sort %select_n3A_530, %select_n3A_531 masked %masked_sort3A_532 : (vector<16xf32>, vector<16xi32>, vector<16xi1>) -> (vector<16xi1>, vector<16xf32>, vector<16xi32>)
            %add3A_536 = arith.constant 96 : i32
            %add3A_537 = arith.addi %add3A_353, %add3A_536 : i32
            %add3A_538 = vector.broadcast %add3A_537 : i32 to vector<16xi32>
            %add3A_539 = arith.addi %iota3A, %add3A_538 : vector<16xi32>
            %masked_sort3A_540 = arith.constant dense<true> : vector<16xi1>
            %masked_sort3A_541, %masked_sort3A_542, %masked_sort3A_543 = tpu.sort %get3A_122, %add3A_539 masked %masked_sort3A_540 : (vector<16xf32>, vector<16xi32>, vector<16xi1>) -> (vector<16xi1>, vector<16xf32>, vector<16xi32>)
            %rev3A_544 = arith.constant 15 : i32
            %rev3A_545 = vector.broadcast %rev3A_544 : i32 to vector<16xi32>
            %rev3A_546 = tpu.iota {dimensions = array<i32: 0>} : vector<16xi32>
            %rev3A_547 = arith.subi %rev3A_545, %rev3A_546 : vector<16xi32>
            %rev3A_548 = tpu.dynamic_gather %masked_sort3A_542[%rev3A_547] in [0] : vector<16xf32>, vector<16xi32> -> vector<16xf32>
            %rev3A_549 = arith.constant 15 : i32
            %rev3A_550 = vector.broadcast %rev3A_549 : i32 to vector<16xi32>
            %rev3A_551 = tpu.iota {dimensions = array<i32: 0>} : vector<16xi32>
            %rev3A_552 = arith.subi %rev3A_550, %rev3A_551 : vector<16xi32>
            %rev3A_553 = tpu.dynamic_gather %masked_sort3A_543[%rev3A_552] in [0] : vector<16xi32>, vector<16xi32> -> vector<16xi32>
            %ge3A_554 = arith.cmpf oge, %masked_sort3A_534, %rev3A_548 : vector<16xf32>
            %select_n3A_555 = arith.select %ge3A_554, %masked_sort3A_534, %rev3A_548 : vector<16xi1>, vector<16xf32>
            %select_n3A_556 = arith.select %ge3A_554, %masked_sort3A_535, %rev3A_553 : vector<16xi1>, vector<16xi32>
            %masked_sort3A_557 = arith.constant dense<true> : vector<16xi1>
            %masked_sort3A_558, %masked_sort3A_559, %masked_sort3A_560 = tpu.sort %select_n3A_555, %select_n3A_556 masked %masked_sort3A_557 : (vector<16xf32>, vector<16xi32>, vector<16xi1>) -> (vector<16xi1>, vector<16xf32>, vector<16xi32>)
            %add3A_561 = arith.constant 112 : i32
            %add3A_562 = arith.addi %add3A_353, %add3A_561 : i32
            %add3A_563 = vector.broadcast %add3A_562 : i32 to vector<16xi32>
            %add3A_564 = arith.addi %iota3A, %add3A_563 : vector<16xi32>
            %masked_sort3A_565 = arith.constant dense<true> : vector<16xi1>
            %masked_sort3A_566, %masked_sort3A_567, %masked_sort3A_568 = tpu.sort %get3A_128, %add3A_564 masked %masked_sort3A_565 : (vector<16xf32>, vector<16xi32>, vector<16xi1>) -> (vector<16xi1>, vector<16xf32>, vector<16xi32>)
            %rev3A_569 = arith.constant 15 : i32
            %rev3A_570 = vector.broadcast %rev3A_569 : i32 to vector<16xi32>
            %rev3A_571 = tpu.iota {dimensions = array<i32: 0>} : vector<16xi32>
            %rev3A_572 = arith.subi %rev3A_570, %rev3A_571 : vector<16xi32>
            %rev3A_573 = tpu.dynamic_gather %masked_sort3A_567[%rev3A_572] in [0] : vector<16xf32>, vector<16xi32> -> vector<16xf32>
            %rev3A_574 = arith.constant 15 : i32
            %rev3A_575 = vector.broadcast %rev3A_574 : i32 to vector<16xi32>
            %rev3A_576 = tpu.iota {dimensions = array<i32: 0>} : vector<16xi32>
            %rev3A_577 = arith.subi %rev3A_575, %rev3A_576 : vector<16xi32>
            %rev3A_578 = tpu.dynamic_gather %masked_sort3A_568[%rev3A_577] in [0] : vector<16xi32>, vector<16xi32> -> vector<16xi32>
            %ge3A_579 = arith.cmpf oge, %masked_sort3A_559, %rev3A_573 : vector<16xf32>
            %select_n3A_580 = arith.select %ge3A_579, %masked_sort3A_559, %rev3A_573 : vector<16xi1>, vector<16xf32>
            %select_n3A_581 = arith.select %ge3A_579, %masked_sort3A_560, %rev3A_578 : vector<16xi1>, vector<16xi32>
            %masked_sort3A_582 = arith.constant dense<true> : vector<16xi1>
            %masked_sort3A_583, %masked_sort3A_584, %masked_sort3A_585 = tpu.sort %select_n3A_580, %select_n3A_581 masked %masked_sort3A_582 : (vector<16xf32>, vector<16xi32>, vector<16xi1>) -> (vector<16xi1>, vector<16xf32>, vector<16xi32>)
            %slice3A_586 = vector.extract_strided_slice %masked_sort3A_584 {offsets = [0], sizes = [1], strides = [1]} : vector<16xf32> to vector<1xf32>
            %squeeze3A_587 = vector.extract %slice3A_586[0] : f32 from vector<1xf32>
            %broadcast_in_dim3A_588 = vector.broadcast %squeeze3A_587 : f32 to vector<16xf32>
            %max3A_589 = arith.maximumf %broadcast_in_dim3A_588, %broadcast_in_dim3A_47 : vector<16xf32>
            scf.yield %masked_sort3A_584, %masked_sort3A_585, %max3A_589 : vector<16xf32>, vector<16xi32>, vector<16xf32>
          } else {
            scf.yield %scan3A_77, %scan3A_78, %scan3A_79 : vector<16xf32>, vector<16xi32>, vector<16xf32>
          }
          %add3A_370 = arith.constant 128 : i32
          %add3A_371 = arith.addi %mul3A_81, %add3A_370 : i32
          %gt3A_372 = arith.cmpf ogt, %max3A_285, %cond3A_369#2 : vector<16xf32>
          %reduce_or3A_373 = arith.constant 1.000000e+00 : f32
          %reduce_or3A_374 = arith.constant 0.000000e+00 : f32
          %reduce_or3A_375 = vector.broadcast %reduce_or3A_373 : f32 to vector<16xf32>
          %reduce_or3A_376 = vector.broadcast %reduce_or3A_374 : f32 to vector<16xf32>
          %reduce_or3A_377 = arith.select %gt3A_372, %reduce_or3A_375, %reduce_or3A_376 : vector<16xi1>, vector<16xf32>
          %reduce_or3A_378 = arith.constant true
          %reduce_or3A_379 = vector.broadcast %reduce_or3A_378 : i1 to vector<16xi1>
          %reduce_or3A_380 = tpu.scan <max>, %reduce_or3A_377 masked %reduce_or3A_379 : vector<16xf32>, vector<16xi1> -> vector<16xf32>
          %reduce_or3A_381 = vector.extract %reduce_or3A_380[15] : f32 from vector<16xf32>
          %reduce_or3A_382 = arith.constant 0.000000e+00 : f32
          %reduce_or3A_383 = arith.cmpf ogt, %reduce_or3A_381, %reduce_or3A_382 : f32
          %convert_element_type3A_384 = arith.extui %reduce_or3A_383 : i1 to i32
          %cond3A_385 = arith.constant 0 : i32
          %cond3A_386 = arith.cmpi ne, %convert_element_type3A_384, %cond3A_385 : i32
          %cond3A_387:3 = scf.if %cond3A_386 -> (vector<16xf32>, vector<16xi32>, vector<16xf32>) {
            %add3A_388 = arith.constant 0 : i32
            %add3A_389 = arith.addi %add3A_371, %add3A_388 : i32
            %add3A_390 = vector.broadcast %add3A_389 : i32 to vector<16xi32>
            %add3A_391 = arith.addi %iota3A, %add3A_390 : vector<16xi32>
            %masked_sort3A = arith.constant dense<true> : vector<16xi1>
            %masked_sort3A_392, %masked_sort3A_393, %masked_sort3A_394 = tpu.sort %get3A_134, %add3A_391 masked %masked_sort3A : (vector<16xf32>, vector<16xi32>, vector<16xi1>) -> (vector<16xi1>, vector<16xf32>, vector<16xi32>)
            %rev3A_395 = arith.constant 15 : i32
            %rev3A_396 = vector.broadcast %rev3A_395 : i32 to vector<16xi32>
            %rev3A_397 = tpu.iota {dimensions = array<i32: 0>} : vector<16xi32>
            %rev3A_398 = arith.subi %rev3A_396, %rev3A_397 : vector<16xi32>
            %rev3A_399 = tpu.dynamic_gather %masked_sort3A_393[%rev3A_398] in [0] : vector<16xf32>, vector<16xi32> -> vector<16xf32>
            %rev3A_400 = arith.constant 15 : i32
            %rev3A_401 = vector.broadcast %rev3A_400 : i32 to vector<16xi32>
            %rev3A_402 = tpu.iota {dimensions = array<i32: 0>} : vector<16xi32>
            %rev3A_403 = arith.subi %rev3A_401, %rev3A_402 : vector<16xi32>
            %rev3A_404 = tpu.dynamic_gather %masked_sort3A_394[%rev3A_403] in [0] : vector<16xi32>, vector<16xi32> -> vector<16xi32>
            %ge3A = arith.cmpf oge, %cond3A_369#0, %rev3A_399 : vector<16xf32>
            %select_n3A_405 = arith.select %ge3A, %cond3A_369#0, %rev3A_399 : vector<16xi1>, vector<16xf32>
            %select_n3A_406 = arith.select %ge3A, %cond3A_369#1, %rev3A_404 : vector<16xi1>, vector<16xi32>
            %masked_sort3A_407 = arith.constant dense<true> : vector<16xi1>
            %masked_sort3A_408, %masked_sort3A_409, %masked_sort3A_410 = tpu.sort %select_n3A_405, %select_n3A_406 masked %masked_sort3A_407 : (vector<16xf32>, vector<16xi32>, vector<16xi1>) -> (vector<16xi1>, vector<16xf32>, vector<16xi32>)
            %add3A_411 = arith.constant 16 : i32
            %add3A_412 = arith.addi %add3A_371, %add3A_411 : i32
            %add3A_413 = vector.broadcast %add3A_412 : i32 to vector<16xi32>
            %add3A_414 = arith.addi %iota3A, %add3A_413 : vector<16xi32>
            %masked_sort3A_415 = arith.constant dense<true> : vector<16xi1>
            %masked_sort3A_416, %masked_sort3A_417, %masked_sort3A_418 = tpu.sort %get3A_140, %add3A_414 masked %masked_sort3A_415 : (vector<16xf32>, vector<16xi32>, vector<16xi1>) -> (vector<16xi1>, vector<16xf32>, vector<16xi32>)
            %rev3A_419 = arith.constant 15 : i32
            %rev3A_420 = vector.broadcast %rev3A_419 : i32 to vector<16xi32>
            %rev3A_421 = tpu.iota {dimensions = array<i32: 0>} : vector<16xi32>
            %rev3A_422 = arith.subi %rev3A_420, %rev3A_421 : vector<16xi32>
            %rev3A_423 = tpu.dynamic_gather %masked_sort3A_417[%rev3A_422] in [0] : vector<16xf32>, vector<16xi32> -> vector<16xf32>
            %rev3A_424 = arith.constant 15 : i32
            %rev3A_425 = vector.broadcast %rev3A_424 : i32 to vector<16xi32>
            %rev3A_426 = tpu.iota {dimensions = array<i32: 0>} : vector<16xi32>
            %rev3A_427 = arith.subi %rev3A_425, %rev3A_426 : vector<16xi32>
            %rev3A_428 = tpu.dynamic_gather %masked_sort3A_418[%rev3A_427] in [0] : vector<16xi32>, vector<16xi32> -> vector<16xi32>
            %ge3A_429 = arith.cmpf oge, %masked_sort3A_409, %rev3A_423 : vector<16xf32>
            %select_n3A_430 = arith.select %ge3A_429, %masked_sort3A_409, %rev3A_423 : vector<16xi1>, vector<16xf32>
            %select_n3A_431 = arith.select %ge3A_429, %masked_sort3A_410, %rev3A_428 : vector<16xi1>, vector<16xi32>
            %masked_sort3A_432 = arith.constant dense<true> : vector<16xi1>
            %masked_sort3A_433, %masked_sort3A_434, %masked_sort3A_435 = tpu.sort %select_n3A_430, %select_n3A_431 masked %masked_sort3A_432 : (vector<16xf32>, vector<16xi32>, vector<16xi1>) -> (vector<16xi1>, vector<16xf32>, vector<16xi32>)
            %add3A_436 = arith.constant 32 : i32
            %add3A_437 = arith.addi %add3A_371, %add3A_436 : i32
            %add3A_438 = vector.broadcast %add3A_437 : i32 to vector<16xi32>
            %add3A_439 = arith.addi %iota3A, %add3A_438 : vector<16xi32>
            %masked_sort3A_440 = arith.constant dense<true> : vector<16xi1>
            %masked_sort3A_441, %masked_sort3A_442, %masked_sort3A_443 = tpu.sort %get3A_146, %add3A_439 masked %masked_sort3A_440 : (vector<16xf32>, vector<16xi32>, vector<16xi1>) -> (vector<16xi1>, vector<16xf32>, vector<16xi32>)
            %rev3A_444 = arith.constant 15 : i32
            %rev3A_445 = vector.broadcast %rev3A_444 : i32 to vector<16xi32>
            %rev3A_446 = tpu.iota {dimensions = array<i32: 0>} : vector<16xi32>
            %rev3A_447 = arith.subi %rev3A_445, %rev3A_446 : vector<16xi32>
            %rev3A_448 = tpu.dynamic_gather %masked_sort3A_442[%rev3A_447] in [0] : vector<16xf32>, vector<16xi32> -> vector<16xf32>
            %rev3A_449 = arith.constant 15 : i32
            %rev3A_450 = vector.broadcast %rev3A_449 : i32 to vector<16xi32>
            %rev3A_451 = tpu.iota {dimensions = array<i32: 0>} : vector<16xi32>
            %rev3A_452 = arith.subi %rev3A_450, %rev3A_451 : vector<16xi32>
            %rev3A_453 = tpu.dynamic_gather %masked_sort3A_443[%rev3A_452] in [0] : vector<16xi32>, vector<16xi32> -> vector<16xi32>
            %ge3A_454 = arith.cmpf oge, %masked_sort3A_434, %rev3A_448 : vector<16xf32>
            %select_n3A_455 = arith.select %ge3A_454, %masked_sort3A_434, %rev3A_448 : vector<16xi1>, vector<16xf32>
            %select_n3A_456 = arith.select %ge3A_454, %masked_sort3A_435, %rev3A_453 : vector<16xi1>, vector<16xi32>
            %masked_sort3A_457 = arith.constant dense<true> : vector<16xi1>
            %masked_sort3A_458, %masked_sort3A_459, %masked_sort3A_460 = tpu.sort %select_n3A_455, %select_n3A_456 masked %masked_sort3A_457 : (vector<16xf32>, vector<16xi32>, vector<16xi1>) -> (vector<16xi1>, vector<16xf32>, vector<16xi32>)
            %add3A_461 = arith.constant 48 : i32
            %add3A_462 = arith.addi %add3A_371, %add3A_461 : i32
            %add3A_463 = vector.broadcast %add3A_462 : i32 to vector<16xi32>
            %add3A_464 = arith.addi %iota3A, %add3A_463 : vector<16xi32>
            %masked_sort3A_465 = arith.constant dense<true> : vector<16xi1>
            %masked_sort3A_466, %masked_sort3A_467, %masked_sort3A_468 = tpu.sort %get3A_152, %add3A_464 masked %masked_sort3A_465 : (vector<16xf32>, vector<16xi32>, vector<16xi1>) -> (vector<16xi1>, vector<16xf32>, vector<16xi32>)
            %rev3A_469 = arith.constant 15 : i32
            %rev3A_470 = vector.broadcast %rev3A_469 : i32 to vector<16xi32>
            %rev3A_471 = tpu.iota {dimensions = array<i32: 0>} : vector<16xi32>
            %rev3A_472 = arith.subi %rev3A_470, %rev3A_471 : vector<16xi32>
            %rev3A_473 = tpu.dynamic_gather %masked_sort3A_467[%rev3A_472] in [0] : vector<16xf32>, vector<16xi32> -> vector<16xf32>
            %rev3A_474 = arith.constant 15 : i32
            %rev3A_475 = vector.broadcast %rev3A_474 : i32 to vector<16xi32>
            %rev3A_476 = tpu.iota {dimensions = array<i32: 0>} : vector<16xi32>
            %rev3A_477 = arith.subi %rev3A_475, %rev3A_476 : vector<16xi32>
            %rev3A_478 = tpu.dynamic_gather %masked_sort3A_468[%rev3A_477] in [0] : vector<16xi32>, vector<16xi32> -> vector<16xi32>
            %ge3A_479 = arith.cmpf oge, %masked_sort3A_459, %rev3A_473 : vector<16xf32>
            %select_n3A_480 = arith.select %ge3A_479, %masked_sort3A_459, %rev3A_473 : vector<16xi1>, vector<16xf32>
            %select_n3A_481 = arith.select %ge3A_479, %masked_sort3A_460, %rev3A_478 : vector<16xi1>, vector<16xi32>
            %masked_sort3A_482 = arith.constant dense<true> : vector<16xi1>
            %masked_sort3A_483, %masked_sort3A_484, %masked_sort3A_485 = tpu.sort %select_n3A_480, %select_n3A_481 masked %masked_sort3A_482 : (vector<16xf32>, vector<16xi32>, vector<16xi1>) -> (vector<16xi1>, vector<16xf32>, vector<16xi32>)
            %add3A_486 = arith.constant 64 : i32
            %add3A_487 = arith.addi %add3A_371, %add3A_486 : i32
            %add3A_488 = vector.broadcast %add3A_487 : i32 to vector<16xi32>
            %add3A_489 = arith.addi %iota3A, %add3A_488 : vector<16xi32>
            %masked_sort3A_490 = arith.constant dense<true> : vector<16xi1>
            %masked_sort3A_491, %masked_sort3A_492, %masked_sort3A_493 = tpu.sort %get3A_158, %add3A_489 masked %masked_sort3A_490 : (vector<16xf32>, vector<16xi32>, vector<16xi1>) -> (vector<16xi1>, vector<16xf32>, vector<16xi32>)
            %rev3A_494 = arith.constant 15 : i32
            %rev3A_495 = vector.broadcast %rev3A_494 : i32 to vector<16xi32>
            %rev3A_496 = tpu.iota {dimensions = array<i32: 0>} : vector<16xi32>
            %rev3A_497 = arith.subi %rev3A_495, %rev3A_496 : vector<16xi32>
            %rev3A_498 = tpu.dynamic_gather %masked_sort3A_492[%rev3A_497] in [0] : vector<16xf32>, vector<16xi32> -> vector<16xf32>
            %rev3A_499 = arith.constant 15 : i32
            %rev3A_500 = vector.broadcast %rev3A_499 : i32 to vector<16xi32>
            %rev3A_501 = tpu.iota {dimensions = array<i32: 0>} : vector<16xi32>
            %rev3A_502 = arith.subi %rev3A_500, %rev3A_501 : vector<16xi32>
            %rev3A_503 = tpu.dynamic_gather %masked_sort3A_493[%rev3A_502] in [0] : vector<16xi32>, vector<16xi32> -> vector<16xi32>
            %ge3A_504 = arith.cmpf oge, %masked_sort3A_484, %rev3A_498 : vector<16xf32>
            %select_n3A_505 = arith.select %ge3A_504, %masked_sort3A_484, %rev3A_498 : vector<16xi1>, vector<16xf32>
            %select_n3A_506 = arith.select %ge3A_504, %masked_sort3A_485, %rev3A_503 : vector<16xi1>, vector<16xi32>
            %masked_sort3A_507 = arith.constant dense<true> : vector<16xi1>
            %masked_sort3A_508, %masked_sort3A_509, %masked_sort3A_510 = tpu.sort %select_n3A_505, %select_n3A_506 masked %masked_sort3A_507 : (vector<16xf32>, vector<16xi32>, vector<16xi1>) -> (vector<16xi1>, vector<16xf32>, vector<16xi32>)
            %add3A_511 = arith.constant 80 : i32
            %add3A_512 = arith.addi %add3A_371, %add3A_511 : i32
            %add3A_513 = vector.broadcast %add3A_512 : i32 to vector<16xi32>
            %add3A_514 = arith.addi %iota3A, %add3A_513 : vector<16xi32>
            %masked_sort3A_515 = arith.constant dense<true> : vector<16xi1>
            %masked_sort3A_516, %masked_sort3A_517, %masked_sort3A_518 = tpu.sort %get3A_164, %add3A_514 masked %masked_sort3A_515 : (vector<16xf32>, vector<16xi32>, vector<16xi1>) -> (vector<16xi1>, vector<16xf32>, vector<16xi32>)
            %rev3A_519 = arith.constant 15 : i32
            %rev3A_520 = vector.broadcast %rev3A_519 : i32 to vector<16xi32>
            %rev3A_521 = tpu.iota {dimensions = array<i32: 0>} : vector<16xi32>
            %rev3A_522 = arith.subi %rev3A_520, %rev3A_521 : vector<16xi32>
            %rev3A_523 = tpu.dynamic_gather %masked_sort3A_517[%rev3A_522] in [0] : vector<16xf32>, vector<16xi32> -> vector<16xf32>
            %rev3A_524 = arith.constant 15 : i32
            %rev3A_525 = vector.broadcast %rev3A_524 : i32 to vector<16xi32>
            %rev3A_526 = tpu.iota {dimensions = array<i32: 0>} : vector<16xi32>
            %rev3A_527 = arith.subi %rev3A_525, %rev3A_526 : vector<16xi32>
            %rev3A_528 = tpu.dynamic_gather %masked_sort3A_518[%rev3A_527] in [0] : vector<16xi32>, vector<16xi32> -> vector<16xi32>
            %ge3A_529 = arith.cmpf oge, %masked_sort3A_509, %rev3A_523 : vector<16xf32>
            %select_n3A_530 = arith.select %ge3A_529, %masked_sort3A_509, %rev3A_523 : vector<16xi1>, vector<16xf32>
            %select_n3A_531 = arith.select %ge3A_529, %masked_sort3A_510, %rev3A_528 : vector<16xi1>, vector<16xi32>
            %masked_sort3A_532 = arith.constant dense<true> : vector<16xi1>
            %masked_sort3A_533, %masked_sort3A_534, %masked_sort3A_535 = tpu.sort %select_n3A_530, %select_n3A_531 masked %masked_sort3A_532 : (vector<16xf32>, vector<16xi32>, vector<16xi1>) -> (vector<16xi1>, vector<16xf32>, vector<16xi32>)
            %add3A_536 = arith.constant 96 : i32
            %add3A_537 = arith.addi %add3A_371, %add3A_536 : i32
            %add3A_538 = vector.broadcast %add3A_537 : i32 to vector<16xi32>
            %add3A_539 = arith.addi %iota3A, %add3A_538 : vector<16xi32>
            %masked_sort3A_540 = arith.constant dense<true> : vector<16xi1>
            %masked_sort3A_541, %masked_sort3A_542, %masked_sort3A_543 = tpu.sort %get3A_170, %add3A_539 masked %masked_sort3A_540 : (vector<16xf32>, vector<16xi32>, vector<16xi1>) -> (vector<16xi1>, vector<16xf32>, vector<16xi32>)
            %rev3A_544 = arith.constant 15 : i32
            %rev3A_545 = vector.broadcast %rev3A_544 : i32 to vector<16xi32>
            %rev3A_546 = tpu.iota {dimensions = array<i32: 0>} : vector<16xi32>
            %rev3A_547 = arith.subi %rev3A_545, %rev3A_546 : vector<16xi32>
            %rev3A_548 = tpu.dynamic_gather %masked_sort3A_542[%rev3A_547] in [0] : vector<16xf32>, vector<16xi32> -> vector<16xf32>
            %rev3A_549 = arith.constant 15 : i32
            %rev3A_550 = vector.broadcast %rev3A_549 : i32 to vector<16xi32>
            %rev3A_551 = tpu.iota {dimensions = array<i32: 0>} : vector<16xi32>
            %rev3A_552 = arith.subi %rev3A_550, %rev3A_551 : vector<16xi32>
            %rev3A_553 = tpu.dynamic_gather %masked_sort3A_543[%rev3A_552] in [0] : vector<16xi32>, vector<16xi32> -> vector<16xi32>
            %ge3A_554 = arith.cmpf oge, %masked_sort3A_534, %rev3A_548 : vector<16xf32>
            %select_n3A_555 = arith.select %ge3A_554, %masked_sort3A_534, %rev3A_548 : vector<16xi1>, vector<16xf32>
            %select_n3A_556 = arith.select %ge3A_554, %masked_sort3A_535, %rev3A_553 : vector<16xi1>, vector<16xi32>
            %masked_sort3A_557 = arith.constant dense<true> : vector<16xi1>
            %masked_sort3A_558, %masked_sort3A_559, %masked_sort3A_560 = tpu.sort %select_n3A_555, %select_n3A_556 masked %masked_sort3A_557 : (vector<16xf32>, vector<16xi32>, vector<16xi1>) -> (vector<16xi1>, vector<16xf32>, vector<16xi32>)
            %add3A_561 = arith.constant 112 : i32
            %add3A_562 = arith.addi %add3A_371, %add3A_561 : i32
            %add3A_563 = vector.broadcast %add3A_562 : i32 to vector<16xi32>
            %add3A_564 = arith.addi %iota3A, %add3A_563 : vector<16xi32>
            %masked_sort3A_565 = arith.constant dense<true> : vector<16xi1>
            %masked_sort3A_566, %masked_sort3A_567, %masked_sort3A_568 = tpu.sort %get3A_176, %add3A_564 masked %masked_sort3A_565 : (vector<16xf32>, vector<16xi32>, vector<16xi1>) -> (vector<16xi1>, vector<16xf32>, vector<16xi32>)
            %rev3A_569 = arith.constant 15 : i32
            %rev3A_570 = vector.broadcast %rev3A_569 : i32 to vector<16xi32>
            %rev3A_571 = tpu.iota {dimensions = array<i32: 0>} : vector<16xi32>
            %rev3A_572 = arith.subi %rev3A_570, %rev3A_571 : vector<16xi32>
            %rev3A_573 = tpu.dynamic_gather %masked_sort3A_567[%rev3A_572] in [0] : vector<16xf32>, vector<16xi32> -> vector<16xf32>
            %rev3A_574 = arith.constant 15 : i32
            %rev3A_575 = vector.broadcast %rev3A_574 : i32 to vector<16xi32>
            %rev3A_576 = tpu.iota {dimensions = array<i32: 0>} : vector<16xi32>
            %rev3A_577 = arith.subi %rev3A_575, %rev3A_576 : vector<16xi32>
            %rev3A_578 = tpu.dynamic_gather %masked_sort3A_568[%rev3A_577] in [0] : vector<16xi32>, vector<16xi32> -> vector<16xi32>
            %ge3A_579 = arith.cmpf oge, %masked_sort3A_559, %rev3A_573 : vector<16xf32>
            %select_n3A_580 = arith.select %ge3A_579, %masked_sort3A_559, %rev3A_573 : vector<16xi1>, vector<16xf32>
            %select_n3A_581 = arith.select %ge3A_579, %masked_sort3A_560, %rev3A_578 : vector<16xi1>, vector<16xi32>
            %masked_sort3A_582 = arith.constant dense<true> : vector<16xi1>
            %masked_sort3A_583, %masked_sort3A_584, %masked_sort3A_585 = tpu.sort %select_n3A_580, %select_n3A_581 masked %masked_sort3A_582 : (vector<16xf32>, vector<16xi32>, vector<16xi1>) -> (vector<16xi1>, vector<16xf32>, vector<16xi32>)
            %slice3A_586 = vector.extract_strided_slice %masked_sort3A_584 {offsets = [0], sizes = [1], strides = [1]} : vector<16xf32> to vector<1xf32>
            %squeeze3A_587 = vector.extract %slice3A_586[0] : f32 from vector<1xf32>
            %broadcast_in_dim3A_588 = vector.broadcast %squeeze3A_587 : f32 to vector<16xf32>
            %max3A_589 = arith.maximumf %broadcast_in_dim3A_588, %broadcast_in_dim3A_47 : vector<16xf32>
            scf.yield %masked_sort3A_584, %masked_sort3A_585, %max3A_589 : vector<16xf32>, vector<16xi32>, vector<16xf32>
          } else {
            scf.yield %cond3A_369#0, %cond3A_369#1, %cond3A_369#2 : vector<16xf32>, vector<16xi32>, vector<16xf32>
          }
          scf.yield %cond3A_387#0, %cond3A_387#1, %cond3A_387#2 : vector<16xf32>, vector<16xi32>, vector<16xf32>
        } else {
          scf.yield %scan3A_77, %scan3A_78, %scan3A_79 : vector<16xf32>, vector<16xi32>, vector<16xf32>
        }
        %max3A_335 = arith.maximumf %max3A_292, %max3A_299 : vector<16xf32>
        %gt3A_336 = arith.cmpf ogt, %max3A_335, %cond3A_334#2 : vector<16xf32>
        %reduce_or3A_337 = arith.constant 1.000000e+00 : f32
        %reduce_or3A_338 = arith.constant 0.000000e+00 : f32
        %reduce_or3A_339 = vector.broadcast %reduce_or3A_337 : f32 to vector<16xf32>
        %reduce_or3A_340 = vector.broadcast %reduce_or3A_338 : f32 to vector<16xf32>
        %reduce_or3A_341 = arith.select %gt3A_336, %reduce_or3A_339, %reduce_or3A_340 : vector<16xi1>, vector<16xf32>
        %reduce_or3A_342 = arith.constant true
        %reduce_or3A_343 = vector.broadcast %reduce_or3A_342 : i1 to vector<16xi1>
        %reduce_or3A_344 = tpu.scan <max>, %reduce_or3A_341 masked %reduce_or3A_343 : vector<16xf32>, vector<16xi1> -> vector<16xf32>
        %reduce_or3A_345 = vector.extract %reduce_or3A_344[15] : f32 from vector<16xf32>
        %reduce_or3A_346 = arith.constant 0.000000e+00 : f32
        %reduce_or3A_347 = arith.cmpf ogt, %reduce_or3A_345, %reduce_or3A_346 : f32
        %convert_element_type3A_348 = arith.extui %reduce_or3A_347 : i1 to i32
        %cond3A_349 = arith.constant 0 : i32
        %cond3A_350 = arith.cmpi ne, %convert_element_type3A_348, %cond3A_349 : i32
        %cond3A_351:3 = scf.if %cond3A_350 -> (vector<16xf32>, vector<16xi32>, vector<16xf32>) {
          %add3A_352 = arith.constant 256 : i32
          %add3A_353 = arith.addi %mul3A_81, %add3A_352 : i32
          %gt3A_354 = arith.cmpf ogt, %max3A_292, %cond3A_334#2 : vector<16xf32>
          %reduce_or3A_355 = arith.constant 1.000000e+00 : f32
          %reduce_or3A_356 = arith.constant 0.000000e+00 : f32
          %reduce_or3A_357 = vector.broadcast %reduce_or3A_355 : f32 to vector<16xf32>
          %reduce_or3A_358 = vector.broadcast %reduce_or3A_356 : f32 to vector<16xf32>
          %reduce_or3A_359 = arith.select %gt3A_354, %reduce_or3A_357, %reduce_or3A_358 : vector<16xi1>, vector<16xf32>
          %reduce_or3A_360 = arith.constant true
          %reduce_or3A_361 = vector.broadcast %reduce_or3A_360 : i1 to vector<16xi1>
          %reduce_or3A_362 = tpu.scan <max>, %reduce_or3A_359 masked %reduce_or3A_361 : vector<16xf32>, vector<16xi1> -> vector<16xf32>
          %reduce_or3A_363 = vector.extract %reduce_or3A_362[15] : f32 from vector<16xf32>
          %reduce_or3A_364 = arith.constant 0.000000e+00 : f32
          %reduce_or3A_365 = arith.cmpf ogt, %reduce_or3A_363, %reduce_or3A_364 : f32
          %convert_element_type3A_366 = arith.extui %reduce_or3A_365 : i1 to i32
          %cond3A_367 = arith.constant 0 : i32
          %cond3A_368 = arith.cmpi ne, %convert_element_type3A_366, %cond3A_367 : i32
          %cond3A_369:3 = scf.if %cond3A_368 -> (vector<16xf32>, vector<16xi32>, vector<16xf32>) {
            %add3A_388 = arith.constant 0 : i32
            %add3A_389 = arith.addi %add3A_353, %add3A_388 : i32
            %add3A_390 = vector.broadcast %add3A_389 : i32 to vector<16xi32>
            %add3A_391 = arith.addi %iota3A, %add3A_390 : vector<16xi32>
            %masked_sort3A = arith.constant dense<true> : vector<16xi1>
            %masked_sort3A_392, %masked_sort3A_393, %masked_sort3A_394 = tpu.sort %get3A_182, %add3A_391 masked %masked_sort3A : (vector<16xf32>, vector<16xi32>, vector<16xi1>) -> (vector<16xi1>, vector<16xf32>, vector<16xi32>)
            %rev3A_395 = arith.constant 15 : i32
            %rev3A_396 = vector.broadcast %rev3A_395 : i32 to vector<16xi32>
            %rev3A_397 = tpu.iota {dimensions = array<i32: 0>} : vector<16xi32>
            %rev3A_398 = arith.subi %rev3A_396, %rev3A_397 : vector<16xi32>
            %rev3A_399 = tpu.dynamic_gather %masked_sort3A_393[%rev3A_398] in [0] : vector<16xf32>, vector<16xi32> -> vector<16xf32>
            %rev3A_400 = arith.constant 15 : i32
            %rev3A_401 = vector.broadcast %rev3A_400 : i32 to vector<16xi32>
            %rev3A_402 = tpu.iota {dimensions = array<i32: 0>} : vector<16xi32>
            %rev3A_403 = arith.subi %rev3A_401, %rev3A_402 : vector<16xi32>
            %rev3A_404 = tpu.dynamic_gather %masked_sort3A_394[%rev3A_403] in [0] : vector<16xi32>, vector<16xi32> -> vector<16xi32>
            %ge3A = arith.cmpf oge, %cond3A_334#0, %rev3A_399 : vector<16xf32>
            %select_n3A_405 = arith.select %ge3A, %cond3A_334#0, %rev3A_399 : vector<16xi1>, vector<16xf32>
            %select_n3A_406 = arith.select %ge3A, %cond3A_334#1, %rev3A_404 : vector<16xi1>, vector<16xi32>
            %masked_sort3A_407 = arith.constant dense<true> : vector<16xi1>
            %masked_sort3A_408, %masked_sort3A_409, %masked_sort3A_410 = tpu.sort %select_n3A_405, %select_n3A_406 masked %masked_sort3A_407 : (vector<16xf32>, vector<16xi32>, vector<16xi1>) -> (vector<16xi1>, vector<16xf32>, vector<16xi32>)
            %add3A_411 = arith.constant 16 : i32
            %add3A_412 = arith.addi %add3A_353, %add3A_411 : i32
            %add3A_413 = vector.broadcast %add3A_412 : i32 to vector<16xi32>
            %add3A_414 = arith.addi %iota3A, %add3A_413 : vector<16xi32>
            %masked_sort3A_415 = arith.constant dense<true> : vector<16xi1>
            %masked_sort3A_416, %masked_sort3A_417, %masked_sort3A_418 = tpu.sort %get3A_188, %add3A_414 masked %masked_sort3A_415 : (vector<16xf32>, vector<16xi32>, vector<16xi1>) -> (vector<16xi1>, vector<16xf32>, vector<16xi32>)
            %rev3A_419 = arith.constant 15 : i32
            %rev3A_420 = vector.broadcast %rev3A_419 : i32 to vector<16xi32>
            %rev3A_421 = tpu.iota {dimensions = array<i32: 0>} : vector<16xi32>
            %rev3A_422 = arith.subi %rev3A_420, %rev3A_421 : vector<16xi32>
            %rev3A_423 = tpu.dynamic_gather %masked_sort3A_417[%rev3A_422] in [0] : vector<16xf32>, vector<16xi32> -> vector<16xf32>
            %rev3A_424 = arith.constant 15 : i32
            %rev3A_425 = vector.broadcast %rev3A_424 : i32 to vector<16xi32>
            %rev3A_426 = tpu.iota {dimensions = array<i32: 0>} : vector<16xi32>
            %rev3A_427 = arith.subi %rev3A_425, %rev3A_426 : vector<16xi32>
            %rev3A_428 = tpu.dynamic_gather %masked_sort3A_418[%rev3A_427] in [0] : vector<16xi32>, vector<16xi32> -> vector<16xi32>
            %ge3A_429 = arith.cmpf oge, %masked_sort3A_409, %rev3A_423 : vector<16xf32>
            %select_n3A_430 = arith.select %ge3A_429, %masked_sort3A_409, %rev3A_423 : vector<16xi1>, vector<16xf32>
            %select_n3A_431 = arith.select %ge3A_429, %masked_sort3A_410, %rev3A_428 : vector<16xi1>, vector<16xi32>
            %masked_sort3A_432 = arith.constant dense<true> : vector<16xi1>
            %masked_sort3A_433, %masked_sort3A_434, %masked_sort3A_435 = tpu.sort %select_n3A_430, %select_n3A_431 masked %masked_sort3A_432 : (vector<16xf32>, vector<16xi32>, vector<16xi1>) -> (vector<16xi1>, vector<16xf32>, vector<16xi32>)
            %add3A_436 = arith.constant 32 : i32
            %add3A_437 = arith.addi %add3A_353, %add3A_436 : i32
            %add3A_438 = vector.broadcast %add3A_437 : i32 to vector<16xi32>
            %add3A_439 = arith.addi %iota3A, %add3A_438 : vector<16xi32>
            %masked_sort3A_440 = arith.constant dense<true> : vector<16xi1>
            %masked_sort3A_441, %masked_sort3A_442, %masked_sort3A_443 = tpu.sort %get3A_194, %add3A_439 masked %masked_sort3A_440 : (vector<16xf32>, vector<16xi32>, vector<16xi1>) -> (vector<16xi1>, vector<16xf32>, vector<16xi32>)
            %rev3A_444 = arith.constant 15 : i32
            %rev3A_445 = vector.broadcast %rev3A_444 : i32 to vector<16xi32>
            %rev3A_446 = tpu.iota {dimensions = array<i32: 0>} : vector<16xi32>
            %rev3A_447 = arith.subi %rev3A_445, %rev3A_446 : vector<16xi32>
            %rev3A_448 = tpu.dynamic_gather %masked_sort3A_442[%rev3A_447] in [0] : vector<16xf32>, vector<16xi32> -> vector<16xf32>
            %rev3A_449 = arith.constant 15 : i32
            %rev3A_450 = vector.broadcast %rev3A_449 : i32 to vector<16xi32>
            %rev3A_451 = tpu.iota {dimensions = array<i32: 0>} : vector<16xi32>
            %rev3A_452 = arith.subi %rev3A_450, %rev3A_451 : vector<16xi32>
            %rev3A_453 = tpu.dynamic_gather %masked_sort3A_443[%rev3A_452] in [0] : vector<16xi32>, vector<16xi32> -> vector<16xi32>
            %ge3A_454 = arith.cmpf oge, %masked_sort3A_434, %rev3A_448 : vector<16xf32>
            %select_n3A_455 = arith.select %ge3A_454, %masked_sort3A_434, %rev3A_448 : vector<16xi1>, vector<16xf32>
            %select_n3A_456 = arith.select %ge3A_454, %masked_sort3A_435, %rev3A_453 : vector<16xi1>, vector<16xi32>
            %masked_sort3A_457 = arith.constant dense<true> : vector<16xi1>
            %masked_sort3A_458, %masked_sort3A_459, %masked_sort3A_460 = tpu.sort %select_n3A_455, %select_n3A_456 masked %masked_sort3A_457 : (vector<16xf32>, vector<16xi32>, vector<16xi1>) -> (vector<16xi1>, vector<16xf32>, vector<16xi32>)
            %add3A_461 = arith.constant 48 : i32
            %add3A_462 = arith.addi %add3A_353, %add3A_461 : i32
            %add3A_463 = vector.broadcast %add3A_462 : i32 to vector<16xi32>
            %add3A_464 = arith.addi %iota3A, %add3A_463 : vector<16xi32>
            %masked_sort3A_465 = arith.constant dense<true> : vector<16xi1>
            %masked_sort3A_466, %masked_sort3A_467, %masked_sort3A_468 = tpu.sort %get3A_200, %add3A_464 masked %masked_sort3A_465 : (vector<16xf32>, vector<16xi32>, vector<16xi1>) -> (vector<16xi1>, vector<16xf32>, vector<16xi32>)
            %rev3A_469 = arith.constant 15 : i32
            %rev3A_470 = vector.broadcast %rev3A_469 : i32 to vector<16xi32>
            %rev3A_471 = tpu.iota {dimensions = array<i32: 0>} : vector<16xi32>
            %rev3A_472 = arith.subi %rev3A_470, %rev3A_471 : vector<16xi32>
            %rev3A_473 = tpu.dynamic_gather %masked_sort3A_467[%rev3A_472] in [0] : vector<16xf32>, vector<16xi32> -> vector<16xf32>
            %rev3A_474 = arith.constant 15 : i32
            %rev3A_475 = vector.broadcast %rev3A_474 : i32 to vector<16xi32>
            %rev3A_476 = tpu.iota {dimensions = array<i32: 0>} : vector<16xi32>
            %rev3A_477 = arith.subi %rev3A_475, %rev3A_476 : vector<16xi32>
            %rev3A_478 = tpu.dynamic_gather %masked_sort3A_468[%rev3A_477] in [0] : vector<16xi32>, vector<16xi32> -> vector<16xi32>
            %ge3A_479 = arith.cmpf oge, %masked_sort3A_459, %rev3A_473 : vector<16xf32>
            %select_n3A_480 = arith.select %ge3A_479, %masked_sort3A_459, %rev3A_473 : vector<16xi1>, vector<16xf32>
            %select_n3A_481 = arith.select %ge3A_479, %masked_sort3A_460, %rev3A_478 : vector<16xi1>, vector<16xi32>
            %masked_sort3A_482 = arith.constant dense<true> : vector<16xi1>
            %masked_sort3A_483, %masked_sort3A_484, %masked_sort3A_485 = tpu.sort %select_n3A_480, %select_n3A_481 masked %masked_sort3A_482 : (vector<16xf32>, vector<16xi32>, vector<16xi1>) -> (vector<16xi1>, vector<16xf32>, vector<16xi32>)
            %add3A_486 = arith.constant 64 : i32
            %add3A_487 = arith.addi %add3A_353, %add3A_486 : i32
            %add3A_488 = vector.broadcast %add3A_487 : i32 to vector<16xi32>
            %add3A_489 = arith.addi %iota3A, %add3A_488 : vector<16xi32>
            %masked_sort3A_490 = arith.constant dense<true> : vector<16xi1>
            %masked_sort3A_491, %masked_sort3A_492, %masked_sort3A_493 = tpu.sort %get3A_206, %add3A_489 masked %masked_sort3A_490 : (vector<16xf32>, vector<16xi32>, vector<16xi1>) -> (vector<16xi1>, vector<16xf32>, vector<16xi32>)
            %rev3A_494 = arith.constant 15 : i32
            %rev3A_495 = vector.broadcast %rev3A_494 : i32 to vector<16xi32>
            %rev3A_496 = tpu.iota {dimensions = array<i32: 0>} : vector<16xi32>
            %rev3A_497 = arith.subi %rev3A_495, %rev3A_496 : vector<16xi32>
            %rev3A_498 = tpu.dynamic_gather %masked_sort3A_492[%rev3A_497] in [0] : vector<16xf32>, vector<16xi32> -> vector<16xf32>
            %rev3A_499 = arith.constant 15 : i32
            %rev3A_500 = vector.broadcast %rev3A_499 : i32 to vector<16xi32>
            %rev3A_501 = tpu.iota {dimensions = array<i32: 0>} : vector<16xi32>
            %rev3A_502 = arith.subi %rev3A_500, %rev3A_501 : vector<16xi32>
            %rev3A_503 = tpu.dynamic_gather %masked_sort3A_493[%rev3A_502] in [0] : vector<16xi32>, vector<16xi32> -> vector<16xi32>
            %ge3A_504 = arith.cmpf oge, %masked_sort3A_484, %rev3A_498 : vector<16xf32>
            %select_n3A_505 = arith.select %ge3A_504, %masked_sort3A_484, %rev3A_498 : vector<16xi1>, vector<16xf32>
            %select_n3A_506 = arith.select %ge3A_504, %masked_sort3A_485, %rev3A_503 : vector<16xi1>, vector<16xi32>
            %masked_sort3A_507 = arith.constant dense<true> : vector<16xi1>
            %masked_sort3A_508, %masked_sort3A_509, %masked_sort3A_510 = tpu.sort %select_n3A_505, %select_n3A_506 masked %masked_sort3A_507 : (vector<16xf32>, vector<16xi32>, vector<16xi1>) -> (vector<16xi1>, vector<16xf32>, vector<16xi32>)
            %add3A_511 = arith.constant 80 : i32
            %add3A_512 = arith.addi %add3A_353, %add3A_511 : i32
            %add3A_513 = vector.broadcast %add3A_512 : i32 to vector<16xi32>
            %add3A_514 = arith.addi %iota3A, %add3A_513 : vector<16xi32>
            %masked_sort3A_515 = arith.constant dense<true> : vector<16xi1>
            %masked_sort3A_516, %masked_sort3A_517, %masked_sort3A_518 = tpu.sort %get3A_212, %add3A_514 masked %masked_sort3A_515 : (vector<16xf32>, vector<16xi32>, vector<16xi1>) -> (vector<16xi1>, vector<16xf32>, vector<16xi32>)
            %rev3A_519 = arith.constant 15 : i32
            %rev3A_520 = vector.broadcast %rev3A_519 : i32 to vector<16xi32>
            %rev3A_521 = tpu.iota {dimensions = array<i32: 0>} : vector<16xi32>
            %rev3A_522 = arith.subi %rev3A_520, %rev3A_521 : vector<16xi32>
            %rev3A_523 = tpu.dynamic_gather %masked_sort3A_517[%rev3A_522] in [0] : vector<16xf32>, vector<16xi32> -> vector<16xf32>
            %rev3A_524 = arith.constant 15 : i32
            %rev3A_525 = vector.broadcast %rev3A_524 : i32 to vector<16xi32>
            %rev3A_526 = tpu.iota {dimensions = array<i32: 0>} : vector<16xi32>
            %rev3A_527 = arith.subi %rev3A_525, %rev3A_526 : vector<16xi32>
            %rev3A_528 = tpu.dynamic_gather %masked_sort3A_518[%rev3A_527] in [0] : vector<16xi32>, vector<16xi32> -> vector<16xi32>
            %ge3A_529 = arith.cmpf oge, %masked_sort3A_509, %rev3A_523 : vector<16xf32>
            %select_n3A_530 = arith.select %ge3A_529, %masked_sort3A_509, %rev3A_523 : vector<16xi1>, vector<16xf32>
            %select_n3A_531 = arith.select %ge3A_529, %masked_sort3A_510, %rev3A_528 : vector<16xi1>, vector<16xi32>
            %masked_sort3A_532 = arith.constant dense<true> : vector<16xi1>
            %masked_sort3A_533, %masked_sort3A_534, %masked_sort3A_535 = tpu.sort %select_n3A_530, %select_n3A_531 masked %masked_sort3A_532 : (vector<16xf32>, vector<16xi32>, vector<16xi1>) -> (vector<16xi1>, vector<16xf32>, vector<16xi32>)
            %add3A_536 = arith.constant 96 : i32
            %add3A_537 = arith.addi %add3A_353, %add3A_536 : i32
            %add3A_538 = vector.broadcast %add3A_537 : i32 to vector<16xi32>
            %add3A_539 = arith.addi %iota3A, %add3A_538 : vector<16xi32>
            %masked_sort3A_540 = arith.constant dense<true> : vector<16xi1>
            %masked_sort3A_541, %masked_sort3A_542, %masked_sort3A_543 = tpu.sort %get3A_218, %add3A_539 masked %masked_sort3A_540 : (vector<16xf32>, vector<16xi32>, vector<16xi1>) -> (vector<16xi1>, vector<16xf32>, vector<16xi32>)
            %rev3A_544 = arith.constant 15 : i32
            %rev3A_545 = vector.broadcast %rev3A_544 : i32 to vector<16xi32>
            %rev3A_546 = tpu.iota {dimensions = array<i32: 0>} : vector<16xi32>
            %rev3A_547 = arith.subi %rev3A_545, %rev3A_546 : vector<16xi32>
            %rev3A_548 = tpu.dynamic_gather %masked_sort3A_542[%rev3A_547] in [0] : vector<16xf32>, vector<16xi32> -> vector<16xf32>
            %rev3A_549 = arith.constant 15 : i32
            %rev3A_550 = vector.broadcast %rev3A_549 : i32 to vector<16xi32>
            %rev3A_551 = tpu.iota {dimensions = array<i32: 0>} : vector<16xi32>
            %rev3A_552 = arith.subi %rev3A_550, %rev3A_551 : vector<16xi32>
            %rev3A_553 = tpu.dynamic_gather %masked_sort3A_543[%rev3A_552] in [0] : vector<16xi32>, vector<16xi32> -> vector<16xi32>
            %ge3A_554 = arith.cmpf oge, %masked_sort3A_534, %rev3A_548 : vector<16xf32>
            %select_n3A_555 = arith.select %ge3A_554, %masked_sort3A_534, %rev3A_548 : vector<16xi1>, vector<16xf32>
            %select_n3A_556 = arith.select %ge3A_554, %masked_sort3A_535, %rev3A_553 : vector<16xi1>, vector<16xi32>
            %masked_sort3A_557 = arith.constant dense<true> : vector<16xi1>
            %masked_sort3A_558, %masked_sort3A_559, %masked_sort3A_560 = tpu.sort %select_n3A_555, %select_n3A_556 masked %masked_sort3A_557 : (vector<16xf32>, vector<16xi32>, vector<16xi1>) -> (vector<16xi1>, vector<16xf32>, vector<16xi32>)
            %add3A_561 = arith.constant 112 : i32
            %add3A_562 = arith.addi %add3A_353, %add3A_561 : i32
            %add3A_563 = vector.broadcast %add3A_562 : i32 to vector<16xi32>
            %add3A_564 = arith.addi %iota3A, %add3A_563 : vector<16xi32>
            %masked_sort3A_565 = arith.constant dense<true> : vector<16xi1>
            %masked_sort3A_566, %masked_sort3A_567, %masked_sort3A_568 = tpu.sort %get3A_224, %add3A_564 masked %masked_sort3A_565 : (vector<16xf32>, vector<16xi32>, vector<16xi1>) -> (vector<16xi1>, vector<16xf32>, vector<16xi32>)
            %rev3A_569 = arith.constant 15 : i32
            %rev3A_570 = vector.broadcast %rev3A_569 : i32 to vector<16xi32>
            %rev3A_571 = tpu.iota {dimensions = array<i32: 0>} : vector<16xi32>
            %rev3A_572 = arith.subi %rev3A_570, %rev3A_571 : vector<16xi32>
            %rev3A_573 = tpu.dynamic_gather %masked_sort3A_567[%rev3A_572] in [0] : vector<16xf32>, vector<16xi32> -> vector<16xf32>
            %rev3A_574 = arith.constant 15 : i32
            %rev3A_575 = vector.broadcast %rev3A_574 : i32 to vector<16xi32>
            %rev3A_576 = tpu.iota {dimensions = array<i32: 0>} : vector<16xi32>
            %rev3A_577 = arith.subi %rev3A_575, %rev3A_576 : vector<16xi32>
            %rev3A_578 = tpu.dynamic_gather %masked_sort3A_568[%rev3A_577] in [0] : vector<16xi32>, vector<16xi32> -> vector<16xi32>
            %ge3A_579 = arith.cmpf oge, %masked_sort3A_559, %rev3A_573 : vector<16xf32>
            %select_n3A_580 = arith.select %ge3A_579, %masked_sort3A_559, %rev3A_573 : vector<16xi1>, vector<16xf32>
            %select_n3A_581 = arith.select %ge3A_579, %masked_sort3A_560, %rev3A_578 : vector<16xi1>, vector<16xi32>
            %masked_sort3A_582 = arith.constant dense<true> : vector<16xi1>
            %masked_sort3A_583, %masked_sort3A_584, %masked_sort3A_585 = tpu.sort %select_n3A_580, %select_n3A_581 masked %masked_sort3A_582 : (vector<16xf32>, vector<16xi32>, vector<16xi1>) -> (vector<16xi1>, vector<16xf32>, vector<16xi32>)
            %slice3A_586 = vector.extract_strided_slice %masked_sort3A_584 {offsets = [0], sizes = [1], strides = [1]} : vector<16xf32> to vector<1xf32>
            %squeeze3A_587 = vector.extract %slice3A_586[0] : f32 from vector<1xf32>
            %broadcast_in_dim3A_588 = vector.broadcast %squeeze3A_587 : f32 to vector<16xf32>
            %max3A_589 = arith.maximumf %broadcast_in_dim3A_588, %broadcast_in_dim3A_47 : vector<16xf32>
            scf.yield %masked_sort3A_584, %masked_sort3A_585, %max3A_589 : vector<16xf32>, vector<16xi32>, vector<16xf32>
          } else {
            scf.yield %cond3A_334#0, %cond3A_334#1, %cond3A_334#2 : vector<16xf32>, vector<16xi32>, vector<16xf32>
          }
          %add3A_370 = arith.constant 384 : i32
          %add3A_371 = arith.addi %mul3A_81, %add3A_370 : i32
          %gt3A_372 = arith.cmpf ogt, %max3A_299, %cond3A_369#2 : vector<16xf32>
          %reduce_or3A_373 = arith.constant 1.000000e+00 : f32
          %reduce_or3A_374 = arith.constant 0.000000e+00 : f32
          %reduce_or3A_375 = vector.broadcast %reduce_or3A_373 : f32 to vector<16xf32>
          %reduce_or3A_376 = vector.broadcast %reduce_or3A_374 : f32 to vector<16xf32>
          %reduce_or3A_377 = arith.select %gt3A_372, %reduce_or3A_375, %reduce_or3A_376 : vector<16xi1>, vector<16xf32>
          %reduce_or3A_378 = arith.constant true
          %reduce_or3A_379 = vector.broadcast %reduce_or3A_378 : i1 to vector<16xi1>
          %reduce_or3A_380 = tpu.scan <max>, %reduce_or3A_377 masked %reduce_or3A_379 : vector<16xf32>, vector<16xi1> -> vector<16xf32>
          %reduce_or3A_381 = vector.extract %reduce_or3A_380[15] : f32 from vector<16xf32>
          %reduce_or3A_382 = arith.constant 0.000000e+00 : f32
          %reduce_or3A_383 = arith.cmpf ogt, %reduce_or3A_381, %reduce_or3A_382 : f32
          %convert_element_type3A_384 = arith.extui %reduce_or3A_383 : i1 to i32
          %cond3A_385 = arith.constant 0 : i32
          %cond3A_386 = arith.cmpi ne, %convert_element_type3A_384, %cond3A_385 : i32
          %cond3A_387:3 = scf.if %cond3A_386 -> (vector<16xf32>, vector<16xi32>, vector<16xf32>) {
            %add3A_388 = arith.constant 0 : i32
            %add3A_389 = arith.addi %add3A_371, %add3A_388 : i32
            %add3A_390 = vector.broadcast %add3A_389 : i32 to vector<16xi32>
            %add3A_391 = arith.addi %iota3A, %add3A_390 : vector<16xi32>
            %masked_sort3A = arith.constant dense<true> : vector<16xi1>
            %masked_sort3A_392, %masked_sort3A_393, %masked_sort3A_394 = tpu.sort %get3A_230, %add3A_391 masked %masked_sort3A : (vector<16xf32>, vector<16xi32>, vector<16xi1>) -> (vector<16xi1>, vector<16xf32>, vector<16xi32>)
            %rev3A_395 = arith.constant 15 : i32
            %rev3A_396 = vector.broadcast %rev3A_395 : i32 to vector<16xi32>
            %rev3A_397 = tpu.iota {dimensions = array<i32: 0>} : vector<16xi32>
            %rev3A_398 = arith.subi %rev3A_396, %rev3A_397 : vector<16xi32>
            %rev3A_399 = tpu.dynamic_gather %masked_sort3A_393[%rev3A_398] in [0] : vector<16xf32>, vector<16xi32> -> vector<16xf32>
            %rev3A_400 = arith.constant 15 : i32
            %rev3A_401 = vector.broadcast %rev3A_400 : i32 to vector<16xi32>
            %rev3A_402 = tpu.iota {dimensions = array<i32: 0>} : vector<16xi32>
            %rev3A_403 = arith.subi %rev3A_401, %rev3A_402 : vector<16xi32>
            %rev3A_404 = tpu.dynamic_gather %masked_sort3A_394[%rev3A_403] in [0] : vector<16xi32>, vector<16xi32> -> vector<16xi32>
            %ge3A = arith.cmpf oge, %cond3A_369#0, %rev3A_399 : vector<16xf32>
            %select_n3A_405 = arith.select %ge3A, %cond3A_369#0, %rev3A_399 : vector<16xi1>, vector<16xf32>
            %select_n3A_406 = arith.select %ge3A, %cond3A_369#1, %rev3A_404 : vector<16xi1>, vector<16xi32>
            %masked_sort3A_407 = arith.constant dense<true> : vector<16xi1>
            %masked_sort3A_408, %masked_sort3A_409, %masked_sort3A_410 = tpu.sort %select_n3A_405, %select_n3A_406 masked %masked_sort3A_407 : (vector<16xf32>, vector<16xi32>, vector<16xi1>) -> (vector<16xi1>, vector<16xf32>, vector<16xi32>)
            %add3A_411 = arith.constant 16 : i32
            %add3A_412 = arith.addi %add3A_371, %add3A_411 : i32
            %add3A_413 = vector.broadcast %add3A_412 : i32 to vector<16xi32>
            %add3A_414 = arith.addi %iota3A, %add3A_413 : vector<16xi32>
            %masked_sort3A_415 = arith.constant dense<true> : vector<16xi1>
            %masked_sort3A_416, %masked_sort3A_417, %masked_sort3A_418 = tpu.sort %get3A_236, %add3A_414 masked %masked_sort3A_415 : (vector<16xf32>, vector<16xi32>, vector<16xi1>) -> (vector<16xi1>, vector<16xf32>, vector<16xi32>)
            %rev3A_419 = arith.constant 15 : i32
            %rev3A_420 = vector.broadcast %rev3A_419 : i32 to vector<16xi32>
            %rev3A_421 = tpu.iota {dimensions = array<i32: 0>} : vector<16xi32>
            %rev3A_422 = arith.subi %rev3A_420, %rev3A_421 : vector<16xi32>
            %rev3A_423 = tpu.dynamic_gather %masked_sort3A_417[%rev3A_422] in [0] : vector<16xf32>, vector<16xi32> -> vector<16xf32>
            %rev3A_424 = arith.constant 15 : i32
            %rev3A_425 = vector.broadcast %rev3A_424 : i32 to vector<16xi32>
            %rev3A_426 = tpu.iota {dimensions = array<i32: 0>} : vector<16xi32>
            %rev3A_427 = arith.subi %rev3A_425, %rev3A_426 : vector<16xi32>
            %rev3A_428 = tpu.dynamic_gather %masked_sort3A_418[%rev3A_427] in [0] : vector<16xi32>, vector<16xi32> -> vector<16xi32>
            %ge3A_429 = arith.cmpf oge, %masked_sort3A_409, %rev3A_423 : vector<16xf32>
            %select_n3A_430 = arith.select %ge3A_429, %masked_sort3A_409, %rev3A_423 : vector<16xi1>, vector<16xf32>
            %select_n3A_431 = arith.select %ge3A_429, %masked_sort3A_410, %rev3A_428 : vector<16xi1>, vector<16xi32>
            %masked_sort3A_432 = arith.constant dense<true> : vector<16xi1>
            %masked_sort3A_433, %masked_sort3A_434, %masked_sort3A_435 = tpu.sort %select_n3A_430, %select_n3A_431 masked %masked_sort3A_432 : (vector<16xf32>, vector<16xi32>, vector<16xi1>) -> (vector<16xi1>, vector<16xf32>, vector<16xi32>)
            %add3A_436 = arith.constant 32 : i32
            %add3A_437 = arith.addi %add3A_371, %add3A_436 : i32
            %add3A_438 = vector.broadcast %add3A_437 : i32 to vector<16xi32>
            %add3A_439 = arith.addi %iota3A, %add3A_438 : vector<16xi32>
            %masked_sort3A_440 = arith.constant dense<true> : vector<16xi1>
            %masked_sort3A_441, %masked_sort3A_442, %masked_sort3A_443 = tpu.sort %get3A_242, %add3A_439 masked %masked_sort3A_440 : (vector<16xf32>, vector<16xi32>, vector<16xi1>) -> (vector<16xi1>, vector<16xf32>, vector<16xi32>)
            %rev3A_444 = arith.constant 15 : i32
            %rev3A_445 = vector.broadcast %rev3A_444 : i32 to vector<16xi32>
            %rev3A_446 = tpu.iota {dimensions = array<i32: 0>} : vector<16xi32>
            %rev3A_447 = arith.subi %rev3A_445, %rev3A_446 : vector<16xi32>
            %rev3A_448 = tpu.dynamic_gather %masked_sort3A_442[%rev3A_447] in [0] : vector<16xf32>, vector<16xi32> -> vector<16xf32>
            %rev3A_449 = arith.constant 15 : i32
            %rev3A_450 = vector.broadcast %rev3A_449 : i32 to vector<16xi32>
            %rev3A_451 = tpu.iota {dimensions = array<i32: 0>} : vector<16xi32>
            %rev3A_452 = arith.subi %rev3A_450, %rev3A_451 : vector<16xi32>
            %rev3A_453 = tpu.dynamic_gather %masked_sort3A_443[%rev3A_452] in [0] : vector<16xi32>, vector<16xi32> -> vector<16xi32>
            %ge3A_454 = arith.cmpf oge, %masked_sort3A_434, %rev3A_448 : vector<16xf32>
            %select_n3A_455 = arith.select %ge3A_454, %masked_sort3A_434, %rev3A_448 : vector<16xi1>, vector<16xf32>
            %select_n3A_456 = arith.select %ge3A_454, %masked_sort3A_435, %rev3A_453 : vector<16xi1>, vector<16xi32>
            %masked_sort3A_457 = arith.constant dense<true> : vector<16xi1>
            %masked_sort3A_458, %masked_sort3A_459, %masked_sort3A_460 = tpu.sort %select_n3A_455, %select_n3A_456 masked %masked_sort3A_457 : (vector<16xf32>, vector<16xi32>, vector<16xi1>) -> (vector<16xi1>, vector<16xf32>, vector<16xi32>)
            %add3A_461 = arith.constant 48 : i32
            %add3A_462 = arith.addi %add3A_371, %add3A_461 : i32
            %add3A_463 = vector.broadcast %add3A_462 : i32 to vector<16xi32>
            %add3A_464 = arith.addi %iota3A, %add3A_463 : vector<16xi32>
            %masked_sort3A_465 = arith.constant dense<true> : vector<16xi1>
            %masked_sort3A_466, %masked_sort3A_467, %masked_sort3A_468 = tpu.sort %get3A_248, %add3A_464 masked %masked_sort3A_465 : (vector<16xf32>, vector<16xi32>, vector<16xi1>) -> (vector<16xi1>, vector<16xf32>, vector<16xi32>)
            %rev3A_469 = arith.constant 15 : i32
            %rev3A_470 = vector.broadcast %rev3A_469 : i32 to vector<16xi32>
            %rev3A_471 = tpu.iota {dimensions = array<i32: 0>} : vector<16xi32>
            %rev3A_472 = arith.subi %rev3A_470, %rev3A_471 : vector<16xi32>
            %rev3A_473 = tpu.dynamic_gather %masked_sort3A_467[%rev3A_472] in [0] : vector<16xf32>, vector<16xi32> -> vector<16xf32>
            %rev3A_474 = arith.constant 15 : i32
            %rev3A_475 = vector.broadcast %rev3A_474 : i32 to vector<16xi32>
            %rev3A_476 = tpu.iota {dimensions = array<i32: 0>} : vector<16xi32>
            %rev3A_477 = arith.subi %rev3A_475, %rev3A_476 : vector<16xi32>
            %rev3A_478 = tpu.dynamic_gather %masked_sort3A_468[%rev3A_477] in [0] : vector<16xi32>, vector<16xi32> -> vector<16xi32>
            %ge3A_479 = arith.cmpf oge, %masked_sort3A_459, %rev3A_473 : vector<16xf32>
            %select_n3A_480 = arith.select %ge3A_479, %masked_sort3A_459, %rev3A_473 : vector<16xi1>, vector<16xf32>
            %select_n3A_481 = arith.select %ge3A_479, %masked_sort3A_460, %rev3A_478 : vector<16xi1>, vector<16xi32>
            %masked_sort3A_482 = arith.constant dense<true> : vector<16xi1>
            %masked_sort3A_483, %masked_sort3A_484, %masked_sort3A_485 = tpu.sort %select_n3A_480, %select_n3A_481 masked %masked_sort3A_482 : (vector<16xf32>, vector<16xi32>, vector<16xi1>) -> (vector<16xi1>, vector<16xf32>, vector<16xi32>)
            %add3A_486 = arith.constant 64 : i32
            %add3A_487 = arith.addi %add3A_371, %add3A_486 : i32
            %add3A_488 = vector.broadcast %add3A_487 : i32 to vector<16xi32>
            %add3A_489 = arith.addi %iota3A, %add3A_488 : vector<16xi32>
            %masked_sort3A_490 = arith.constant dense<true> : vector<16xi1>
            %masked_sort3A_491, %masked_sort3A_492, %masked_sort3A_493 = tpu.sort %get3A_254, %add3A_489 masked %masked_sort3A_490 : (vector<16xf32>, vector<16xi32>, vector<16xi1>) -> (vector<16xi1>, vector<16xf32>, vector<16xi32>)
            %rev3A_494 = arith.constant 15 : i32
            %rev3A_495 = vector.broadcast %rev3A_494 : i32 to vector<16xi32>
            %rev3A_496 = tpu.iota {dimensions = array<i32: 0>} : vector<16xi32>
            %rev3A_497 = arith.subi %rev3A_495, %rev3A_496 : vector<16xi32>
            %rev3A_498 = tpu.dynamic_gather %masked_sort3A_492[%rev3A_497] in [0] : vector<16xf32>, vector<16xi32> -> vector<16xf32>
            %rev3A_499 = arith.constant 15 : i32
            %rev3A_500 = vector.broadcast %rev3A_499 : i32 to vector<16xi32>
            %rev3A_501 = tpu.iota {dimensions = array<i32: 0>} : vector<16xi32>
            %rev3A_502 = arith.subi %rev3A_500, %rev3A_501 : vector<16xi32>
            %rev3A_503 = tpu.dynamic_gather %masked_sort3A_493[%rev3A_502] in [0] : vector<16xi32>, vector<16xi32> -> vector<16xi32>
            %ge3A_504 = arith.cmpf oge, %masked_sort3A_484, %rev3A_498 : vector<16xf32>
            %select_n3A_505 = arith.select %ge3A_504, %masked_sort3A_484, %rev3A_498 : vector<16xi1>, vector<16xf32>
            %select_n3A_506 = arith.select %ge3A_504, %masked_sort3A_485, %rev3A_503 : vector<16xi1>, vector<16xi32>
            %masked_sort3A_507 = arith.constant dense<true> : vector<16xi1>
            %masked_sort3A_508, %masked_sort3A_509, %masked_sort3A_510 = tpu.sort %select_n3A_505, %select_n3A_506 masked %masked_sort3A_507 : (vector<16xf32>, vector<16xi32>, vector<16xi1>) -> (vector<16xi1>, vector<16xf32>, vector<16xi32>)
            %add3A_511 = arith.constant 80 : i32
            %add3A_512 = arith.addi %add3A_371, %add3A_511 : i32
            %add3A_513 = vector.broadcast %add3A_512 : i32 to vector<16xi32>
            %add3A_514 = arith.addi %iota3A, %add3A_513 : vector<16xi32>
            %masked_sort3A_515 = arith.constant dense<true> : vector<16xi1>
            %masked_sort3A_516, %masked_sort3A_517, %masked_sort3A_518 = tpu.sort %get3A_260, %add3A_514 masked %masked_sort3A_515 : (vector<16xf32>, vector<16xi32>, vector<16xi1>) -> (vector<16xi1>, vector<16xf32>, vector<16xi32>)
            %rev3A_519 = arith.constant 15 : i32
            %rev3A_520 = vector.broadcast %rev3A_519 : i32 to vector<16xi32>
            %rev3A_521 = tpu.iota {dimensions = array<i32: 0>} : vector<16xi32>
            %rev3A_522 = arith.subi %rev3A_520, %rev3A_521 : vector<16xi32>
            %rev3A_523 = tpu.dynamic_gather %masked_sort3A_517[%rev3A_522] in [0] : vector<16xf32>, vector<16xi32> -> vector<16xf32>
            %rev3A_524 = arith.constant 15 : i32
            %rev3A_525 = vector.broadcast %rev3A_524 : i32 to vector<16xi32>
            %rev3A_526 = tpu.iota {dimensions = array<i32: 0>} : vector<16xi32>
            %rev3A_527 = arith.subi %rev3A_525, %rev3A_526 : vector<16xi32>
            %rev3A_528 = tpu.dynamic_gather %masked_sort3A_518[%rev3A_527] in [0] : vector<16xi32>, vector<16xi32> -> vector<16xi32>
            %ge3A_529 = arith.cmpf oge, %masked_sort3A_509, %rev3A_523 : vector<16xf32>
            %select_n3A_530 = arith.select %ge3A_529, %masked_sort3A_509, %rev3A_523 : vector<16xi1>, vector<16xf32>
            %select_n3A_531 = arith.select %ge3A_529, %masked_sort3A_510, %rev3A_528 : vector<16xi1>, vector<16xi32>
            %masked_sort3A_532 = arith.constant dense<true> : vector<16xi1>
            %masked_sort3A_533, %masked_sort3A_534, %masked_sort3A_535 = tpu.sort %select_n3A_530, %select_n3A_531 masked %masked_sort3A_532 : (vector<16xf32>, vector<16xi32>, vector<16xi1>) -> (vector<16xi1>, vector<16xf32>, vector<16xi32>)
            %add3A_536 = arith.constant 96 : i32
            %add3A_537 = arith.addi %add3A_371, %add3A_536 : i32
            %add3A_538 = vector.broadcast %add3A_537 : i32 to vector<16xi32>
            %add3A_539 = arith.addi %iota3A, %add3A_538 : vector<16xi32>
            %masked_sort3A_540 = arith.constant dense<true> : vector<16xi1>
            %masked_sort3A_541, %masked_sort3A_542, %masked_sort3A_543 = tpu.sort %get3A_266, %add3A_539 masked %masked_sort3A_540 : (vector<16xf32>, vector<16xi32>, vector<16xi1>) -> (vector<16xi1>, vector<16xf32>, vector<16xi32>)
            %rev3A_544 = arith.constant 15 : i32
            %rev3A_545 = vector.broadcast %rev3A_544 : i32 to vector<16xi32>
            %rev3A_546 = tpu.iota {dimensions = array<i32: 0>} : vector<16xi32>
            %rev3A_547 = arith.subi %rev3A_545, %rev3A_546 : vector<16xi32>
            %rev3A_548 = tpu.dynamic_gather %masked_sort3A_542[%rev3A_547] in [0] : vector<16xf32>, vector<16xi32> -> vector<16xf32>
            %rev3A_549 = arith.constant 15 : i32
            %rev3A_550 = vector.broadcast %rev3A_549 : i32 to vector<16xi32>
            %rev3A_551 = tpu.iota {dimensions = array<i32: 0>} : vector<16xi32>
            %rev3A_552 = arith.subi %rev3A_550, %rev3A_551 : vector<16xi32>
            %rev3A_553 = tpu.dynamic_gather %masked_sort3A_543[%rev3A_552] in [0] : vector<16xi32>, vector<16xi32> -> vector<16xi32>
            %ge3A_554 = arith.cmpf oge, %masked_sort3A_534, %rev3A_548 : vector<16xf32>
            %select_n3A_555 = arith.select %ge3A_554, %masked_sort3A_534, %rev3A_548 : vector<16xi1>, vector<16xf32>
            %select_n3A_556 = arith.select %ge3A_554, %masked_sort3A_535, %rev3A_553 : vector<16xi1>, vector<16xi32>
            %masked_sort3A_557 = arith.constant dense<true> : vector<16xi1>
            %masked_sort3A_558, %masked_sort3A_559, %masked_sort3A_560 = tpu.sort %select_n3A_555, %select_n3A_556 masked %masked_sort3A_557 : (vector<16xf32>, vector<16xi32>, vector<16xi1>) -> (vector<16xi1>, vector<16xf32>, vector<16xi32>)
            %add3A_561 = arith.constant 112 : i32
            %add3A_562 = arith.addi %add3A_371, %add3A_561 : i32
            %add3A_563 = vector.broadcast %add3A_562 : i32 to vector<16xi32>
            %add3A_564 = arith.addi %iota3A, %add3A_563 : vector<16xi32>
            %masked_sort3A_565 = arith.constant dense<true> : vector<16xi1>
            %masked_sort3A_566, %masked_sort3A_567, %masked_sort3A_568 = tpu.sort %get3A_272, %add3A_564 masked %masked_sort3A_565 : (vector<16xf32>, vector<16xi32>, vector<16xi1>) -> (vector<16xi1>, vector<16xf32>, vector<16xi32>)
            %rev3A_569 = arith.constant 15 : i32
            %rev3A_570 = vector.broadcast %rev3A_569 : i32 to vector<16xi32>
            %rev3A_571 = tpu.iota {dimensions = array<i32: 0>} : vector<16xi32>
            %rev3A_572 = arith.subi %rev3A_570, %rev3A_571 : vector<16xi32>
            %rev3A_573 = tpu.dynamic_gather %masked_sort3A_567[%rev3A_572] in [0] : vector<16xf32>, vector<16xi32> -> vector<16xf32>
            %rev3A_574 = arith.constant 15 : i32
            %rev3A_575 = vector.broadcast %rev3A_574 : i32 to vector<16xi32>
            %rev3A_576 = tpu.iota {dimensions = array<i32: 0>} : vector<16xi32>
            %rev3A_577 = arith.subi %rev3A_575, %rev3A_576 : vector<16xi32>
            %rev3A_578 = tpu.dynamic_gather %masked_sort3A_568[%rev3A_577] in [0] : vector<16xi32>, vector<16xi32> -> vector<16xi32>
            %ge3A_579 = arith.cmpf oge, %masked_sort3A_559, %rev3A_573 : vector<16xf32>
            %select_n3A_580 = arith.select %ge3A_579, %masked_sort3A_559, %rev3A_573 : vector<16xi1>, vector<16xf32>
            %select_n3A_581 = arith.select %ge3A_579, %masked_sort3A_560, %rev3A_578 : vector<16xi1>, vector<16xi32>
            %masked_sort3A_582 = arith.constant dense<true> : vector<16xi1>
            %masked_sort3A_583, %masked_sort3A_584, %masked_sort3A_585 = tpu.sort %select_n3A_580, %select_n3A_581 masked %masked_sort3A_582 : (vector<16xf32>, vector<16xi32>, vector<16xi1>) -> (vector<16xi1>, vector<16xf32>, vector<16xi32>)
            %slice3A_586 = vector.extract_strided_slice %masked_sort3A_584 {offsets = [0], sizes = [1], strides = [1]} : vector<16xf32> to vector<1xf32>
            %squeeze3A_587 = vector.extract %slice3A_586[0] : f32 from vector<1xf32>
            %broadcast_in_dim3A_588 = vector.broadcast %squeeze3A_587 : f32 to vector<16xf32>
            %max3A_589 = arith.maximumf %broadcast_in_dim3A_588, %broadcast_in_dim3A_47 : vector<16xf32>
            scf.yield %masked_sort3A_584, %masked_sort3A_585, %max3A_589 : vector<16xf32>, vector<16xi32>, vector<16xf32>
          } else {
            scf.yield %cond3A_369#0, %cond3A_369#1, %cond3A_369#2 : vector<16xf32>, vector<16xi32>, vector<16xf32>
          }
          scf.yield %cond3A_387#0, %cond3A_387#1, %cond3A_387#2 : vector<16xf32>, vector<16xi32>, vector<16xf32>
        } else {
          scf.yield %cond3A_334#0, %cond3A_334#1, %cond3A_334#2 : vector<16xf32>, vector<16xi32>, vector<16xf32>
        }
        scf.yield %cond3A_351#0, %cond3A_351#1, %cond3A_351#2 : vector<16xf32>, vector<16xi32>, vector<16xf32>
      } else {
        scf.yield %scan3A_77, %scan3A_78, %scan3A_79 : vector<16xf32>, vector<16xi32>, vector<16xf32>
      }
      scf.yield %cond3A_317#0, %cond3A_317#1, %cond3A_317#2 : vector<16xf32>, vector<16xi32>, vector<16xf32>
    }
    %scan3A_55 = arith.constant 64 : i32
    %rev3A = arith.constant 15 : i32
    %rev3A_56 = vector.broadcast %rev3A : i32 to vector<16xi32>
    %rev3A_57 = tpu.iota {dimensions = array<i32: 0>} : vector<16xi32>
    %rev3A_58 = arith.subi %rev3A_56, %rev3A_57 : vector<16xi32>
    %rev3A_59 = tpu.dynamic_gather %scan3A_54#0[%rev3A_58] in [0] : vector<16xf32>, vector<16xi32> -> vector<16xf32>
    %swap3A = arith.constant 0 : index
    %swap3A_60 = tpu.vector_load %arg13[%swap3A] {strides = array<i32>} : memref<16xf32, #tpu.memory_space<vmem>>, vector<16xf32>,
    tpu.vector_store %arg13[%swap3A], %rev3A_59 {strides = array<i32>} : memref<16xf32, #tpu.memory_space<vmem>>, vector<16xf32>,
    %rev3A_61 = arith.constant 15 : i32
    %rev3A_62 = vector.broadcast %rev3A_61 : i32 to vector<16xi32>
    %rev3A_63 = tpu.iota {dimensions = array<i32: 0>} : vector<16xi32>
    %rev3A_64 = arith.subi %rev3A_62, %rev3A_63 : vector<16xi32>
    %rev3A_65 = tpu.dynamic_gather %scan3A_54#1[%rev3A_64] in [0] : vector<16xi32>, vector<16xi32> -> vector<16xi32>
    %swap3A_66 = arith.constant 0 : index
    %swap3A_67 = tpu.vector_load %arg14[%swap3A_66] {strides = array<i32>} : memref<16xi32, #tpu.memory_space<vmem>>, vector<16xi32>,
    tpu.vector_store %arg14[%swap3A_66], %rev3A_65 {strides = array<i32>} : memref<16xi32, #tpu.memory_space<vmem>>, vector<16xi32>,
    %mul3A = arith.constant 16 : i32
    %mul3A_68 = arith.muli %arg1, %mul3A : i32
    "tpu.region"() ({
      %run_scoped3A = tpu.sem_alloc : memref<!tpu.dma_semaphore, #tpu.memory_space<semaphore_mem>>
      %dma_start3A_76 = tpu.memref_slice %arg15[%mul3A_68] : memref<256xf32, #tpu.memory_space<vmem_shared>> -> memref<16xf32, #tpu.memory_space<vmem_shared>>
      %dma_start3A_77 = tpu.memref_slice %arg15[%mul3A_68] : memref<256xf32, #tpu.memory_space<vmem_shared>> -> memref<16xf32, #tpu.memory_space<vmem_shared>>
      tpu.enqueue_dma source(%arg13 : memref<16xf32, #tpu.memory_space<vmem>>) target(%dma_start3A_77 : memref<16xf32, #tpu.memory_space<vmem_shared>>) target_semaphore(%run_scoped3A : memref<!tpu.dma_semaphore, #tpu.memory_space<semaphore_mem>>)
      %dma_wait3A_78 = tpu.memref_slice %arg15[%mul3A_68] : memref<256xf32, #tpu.memory_space<vmem_shared>> -> memref<16xf32, #tpu.memory_space<vmem_shared>>
      %dma_wait3A_79 = tpu.memref_slice %arg15[%mul3A_68] : memref<256xf32, #tpu.memory_space<vmem_shared>> -> memref<16xf32, #tpu.memory_space<vmem_shared>>
      tpu.wait_dma2 semaphore(%run_scoped3A : memref<!tpu.dma_semaphore, #tpu.memory_space<semaphore_mem>>) src(%arg13 : memref<16xf32, #tpu.memory_space<vmem>>) dst(%dma_wait3A_79 : memref<16xf32, #tpu.memory_space<vmem_shared>>)
      tpu.yield
    }) : () -> ()
    %mul3A_69 = arith.constant 16 : i32
    %mul3A_70 = arith.muli %arg1, %mul3A_69 : i32
    "tpu.region"() ({
      %run_scoped3A = tpu.sem_alloc : memref<!tpu.dma_semaphore, #tpu.memory_space<semaphore_mem>>
      %dma_start3A_76 = tpu.memref_slice %arg16[%mul3A_70] : memref<256xi32, #tpu.memory_space<vmem_shared>> -> memref<16xi32, #tpu.memory_space<vmem_shared>>
      %dma_start3A_77 = tpu.memref_slice %arg16[%mul3A_70] : memref<256xi32, #tpu.memory_space<vmem_shared>> -> memref<16xi32, #tpu.memory_space<vmem_shared>>
      tpu.enqueue_dma source(%arg14 : memref<16xi32, #tpu.memory_space<vmem>>) target(%dma_start3A_77 : memref<16xi32, #tpu.memory_space<vmem_shared>>) target_semaphore(%run_scoped3A : memref<!tpu.dma_semaphore, #tpu.memory_space<semaphore_mem>>)
      %dma_wait3A_78 = tpu.memref_slice %arg16[%mul3A_70] : memref<256xi32, #tpu.memory_space<vmem_shared>> -> memref<16xi32, #tpu.memory_space<vmem_shared>>
      %dma_wait3A_79 = tpu.memref_slice %arg16[%mul3A_70] : memref<256xi32, #tpu.memory_space<vmem_shared>> -> memref<16xi32, #tpu.memory_space<vmem_shared>>
      tpu.wait_dma2 semaphore(%run_scoped3A : memref<!tpu.dma_semaphore, #tpu.memory_space<semaphore_mem>>) src(%arg14 : memref<16xi32, #tpu.memory_space<vmem>>) dst(%dma_wait3A_79 : memref<16xi32, #tpu.memory_space<vmem_shared>>)
      tpu.yield
    }) : () -> ()
    %barrier3A = arith.constant 0 : index
    tpu.barrier barrier_id(%barrier3A)
    %eq3A_71 = arith.constant 0 : i32
    %eq3A_72 = arith.cmpi eq, %arg1, %eq3A_71 : i32
    %convert_element_type3A_73 = arith.extui %eq3A_72 : i1 to i32
    %cond3A_74 = arith.constant 0 : i32
    %cond3A_75 = arith.cmpi ne, %convert_element_type3A_73, %cond3A_74 : i32
    scf.if %cond3A_75 {
      "tpu.region"() ({
        %run_scoped3A = tpu.sem_alloc : memref<!tpu.dma_semaphore, #tpu.memory_space<semaphore_mem>>
        tpu.enqueue_dma source(%arg15 : memref<256xf32, #tpu.memory_space<vmem_shared>>) target(%arg17 : memref<256xf32, #tpu.memory_space<vmem>>) target_semaphore(%run_scoped3A : memref<!tpu.dma_semaphore, #tpu.memory_space<semaphore_mem>>)
        tpu.wait_dma2 semaphore(%run_scoped3A : memref<!tpu.dma_semaphore, #tpu.memory_space<semaphore_mem>>) src(%arg15 : memref<256xf32, #tpu.memory_space<vmem_shared>>) dst(%arg17 : memref<256xf32, #tpu.memory_space<vmem>>)
        tpu.yield
      }) : () -> ()
      "tpu.region"() ({
        %run_scoped3A = tpu.sem_alloc : memref<!tpu.dma_semaphore, #tpu.memory_space<semaphore_mem>>
        tpu.enqueue_dma source(%arg16 : memref<256xi32, #tpu.memory_space<vmem_shared>>) target(%arg18 : memref<256xi32, #tpu.memory_space<vmem>>) target_semaphore(%run_scoped3A : memref<!tpu.dma_semaphore, #tpu.memory_space<semaphore_mem>>)
        tpu.wait_dma2 semaphore(%run_scoped3A : memref<!tpu.dma_semaphore, #tpu.memory_space<semaphore_mem>>) src(%arg16 : memref<256xi32, #tpu.memory_space<vmem_shared>>) dst(%arg18 : memref<256xi32, #tpu.memory_space<vmem>>)
        tpu.yield
      }) : () -> ()
      tpu.wait_dma2 semaphore(%arg28 : memref<!tpu.dma_semaphore, #tpu.memory_space<semaphore_mem>>) src(%arg5 : memref<16xf32, #tpu.memory_space<hbm>>) dst(%arg19 : memref<16xf32, #tpu.memory_space<vmem>>)
      tpu.wait_dma2 semaphore(%arg28 : memref<!tpu.dma_semaphore, #tpu.memory_space<semaphore_mem>>) src(%arg3 : memref<320xi32, #tpu.memory_space<hbm>>) dst(%arg20 : memref<320xi32, #tpu.memory_space<vmem>>)
      tpu.wait_dma2 semaphore(%arg28 : memref<!tpu.dma_semaphore, #tpu.memory_space<semaphore_mem>>) src(%arg4 : memref<320xf32, #tpu.memory_space<hbm>>) dst(%arg21 : memref<320xf32, #tpu.memory_space<vmem>>)
      tpu.wait_dma2 semaphore(%arg28 : memref<!tpu.dma_semaphore, #tpu.memory_space<semaphore_mem>>) src(%arg7 : memref<16xi32, #tpu.memory_space<hbm>>) dst(%arg22 : memref<16xi32, #tpu.memory_space<vmem>>)
      %get3A = arith.constant 0 : index
      %get3A_76 = tpu.vector_load %arg19[%get3A] {strides = array<i32>} : memref<16xf32, #tpu.memory_space<vmem>>, vector<16xf32>,
      %get3A_77 = arith.constant 0 : index
      %get3A_78 = tpu.vector_load %arg22[%get3A_77] {strides = array<i32>} : memref<16xi32, #tpu.memory_space<vmem>>, vector<16xi32>,
      %mul3A_79 = arith.constant 16 : i32
      %mul3A_80 = vector.broadcast %mul3A_79 : i32 to vector<16xi32>
      %mul3A_81 = arith.muli %iota3A, %mul3A_80 : vector<16xi32>
      %add3A_82 = arith.constant 0 : i32
      %add3A_83 = vector.broadcast %add3A_82 : i32 to vector<16xi32>
      %add3A_84 = arith.addi %mul3A_81, %add3A_83 : vector<16xi32>
      %gather3A = tpu.vector_load_idx %arg17[%add3A_84] : memref<256xf32, #tpu.memory_space<vmem>>[vector<16xi32>], vector<16xf32>,
      %add3A_85 = arith.addf %gather3A, %get3A_76 : vector<16xf32>
      %add3A_86 = arith.constant 0 : i32
      %add3A_87 = vector.broadcast %add3A_86 : i32 to vector<16xi32>
      %add3A_88 = arith.addi %iota3A, %add3A_87 : vector<16xi32>
      %masked_sort3A = arith.constant dense<true> : vector<16xi1>
      %masked_sort3A_89, %masked_sort3A_90, %masked_sort3A_91 = tpu.sort %add3A_85, %add3A_88 masked %masked_sort3A : (vector<16xf32>, vector<16xi32>, vector<16xi1>) -> (vector<16xi1>, vector<16xf32>, vector<16xi32>)
      %mul3A_92 = arith.constant 16 : i32
      %mul3A_93 = vector.broadcast %mul3A_92 : i32 to vector<16xi32>
      %mul3A_94 = arith.muli %iota3A, %mul3A_93 : vector<16xi32>
      %add3A_95 = arith.constant 1 : i32
      %add3A_96 = vector.broadcast %add3A_95 : i32 to vector<16xi32>
      %add3A_97 = arith.addi %mul3A_94, %add3A_96 : vector<16xi32>
      %gather3A_98 = tpu.vector_load_idx %arg17[%add3A_97] : memref<256xf32, #tpu.memory_space<vmem>>[vector<16xi32>], vector<16xf32>,
      %add3A_99 = arith.addf %gather3A_98, %get3A_76 : vector<16xf32>
      %add3A_100 = arith.constant 16 : i32
      %add3A_101 = vector.broadcast %add3A_100 : i32 to vector<16xi32>
      %add3A_102 = arith.addi %iota3A, %add3A_101 : vector<16xi32>
      %masked_sort3A_103 = arith.constant dense<true> : vector<16xi1>
      %masked_sort3A_104, %masked_sort3A_105, %masked_sort3A_106 = tpu.sort %add3A_99, %add3A_102 masked %masked_sort3A_103 : (vector<16xf32>, vector<16xi32>, vector<16xi1>) -> (vector<16xi1>, vector<16xf32>, vector<16xi32>)
      %mul3A_107 = arith.constant 16 : i32
      %mul3A_108 = vector.broadcast %mul3A_107 : i32 to vector<16xi32>
      %mul3A_109 = arith.muli %iota3A, %mul3A_108 : vector<16xi32>
      %add3A_110 = arith.constant 2 : i32
      %add3A_111 = vector.broadcast %add3A_110 : i32 to vector<16xi32>
      %add3A_112 = arith.addi %mul3A_109, %add3A_111 : vector<16xi32>
      %gather3A_113 = tpu.vector_load_idx %arg17[%add3A_112] : memref<256xf32, #tpu.memory_space<vmem>>[vector<16xi32>], vector<16xf32>,
      %add3A_114 = arith.addf %gather3A_113, %get3A_76 : vector<16xf32>
      %add3A_115 = arith.constant 32 : i32
      %add3A_116 = vector.broadcast %add3A_115 : i32 to vector<16xi32>
      %add3A_117 = arith.addi %iota3A, %add3A_116 : vector<16xi32>
      %masked_sort3A_118 = arith.constant dense<true> : vector<16xi1>
      %masked_sort3A_119, %masked_sort3A_120, %masked_sort3A_121 = tpu.sort %add3A_114, %add3A_117 masked %masked_sort3A_118 : (vector<16xf32>, vector<16xi32>, vector<16xi1>) -> (vector<16xi1>, vector<16xf32>, vector<16xi32>)
      %mul3A_122 = arith.constant 16 : i32
      %mul3A_123 = vector.broadcast %mul3A_122 : i32 to vector<16xi32>
      %mul3A_124 = arith.muli %iota3A, %mul3A_123 : vector<16xi32>
      %add3A_125 = arith.constant 3 : i32
      %add3A_126 = vector.broadcast %add3A_125 : i32 to vector<16xi32>
      %add3A_127 = arith.addi %mul3A_124, %add3A_126 : vector<16xi32>
      %gather3A_128 = tpu.vector_load_idx %arg17[%add3A_127] : memref<256xf32, #tpu.memory_space<vmem>>[vector<16xi32>], vector<16xf32>,
      %add3A_129 = arith.addf %gather3A_128, %get3A_76 : vector<16xf32>
      %add3A_130 = arith.constant 48 : i32
      %add3A_131 = vector.broadcast %add3A_130 : i32 to vector<16xi32>
      %add3A_132 = arith.addi %iota3A, %add3A_131 : vector<16xi32>
      %masked_sort3A_133 = arith.constant dense<true> : vector<16xi1>
      %masked_sort3A_134, %masked_sort3A_135, %masked_sort3A_136 = tpu.sort %add3A_129, %add3A_132 masked %masked_sort3A_133 : (vector<16xf32>, vector<16xi32>, vector<16xi1>) -> (vector<16xi1>, vector<16xf32>, vector<16xi32>)
      %mul3A_137 = arith.constant 16 : i32
      %mul3A_138 = vector.broadcast %mul3A_137 : i32 to vector<16xi32>
      %mul3A_139 = arith.muli %iota3A, %mul3A_138 : vector<16xi32>
      %add3A_140 = arith.constant 4 : i32
      %add3A_141 = vector.broadcast %add3A_140 : i32 to vector<16xi32>
      %add3A_142 = arith.addi %mul3A_139, %add3A_141 : vector<16xi32>
      %gather3A_143 = tpu.vector_load_idx %arg17[%add3A_142] : memref<256xf32, #tpu.memory_space<vmem>>[vector<16xi32>], vector<16xf32>,
      %add3A_144 = arith.addf %gather3A_143, %get3A_76 : vector<16xf32>
      %add3A_145 = arith.constant 64 : i32
      %add3A_146 = vector.broadcast %add3A_145 : i32 to vector<16xi32>
      %add3A_147 = arith.addi %iota3A, %add3A_146 : vector<16xi32>
      %masked_sort3A_148 = arith.constant dense<true> : vector<16xi1>
      %masked_sort3A_149, %masked_sort3A_150, %masked_sort3A_151 = tpu.sort %add3A_144, %add3A_147 masked %masked_sort3A_148 : (vector<16xf32>, vector<16xi32>, vector<16xi1>) -> (vector<16xi1>, vector<16xf32>, vector<16xi32>)
      %mul3A_152 = arith.constant 16 : i32
      %mul3A_153 = vector.broadcast %mul3A_152 : i32 to vector<16xi32>
      %mul3A_154 = arith.muli %iota3A, %mul3A_153 : vector<16xi32>
      %add3A_155 = arith.constant 5 : i32
      %add3A_156 = vector.broadcast %add3A_155 : i32 to vector<16xi32>
      %add3A_157 = arith.addi %mul3A_154, %add3A_156 : vector<16xi32>
      %gather3A_158 = tpu.vector_load_idx %arg17[%add3A_157] : memref<256xf32, #tpu.memory_space<vmem>>[vector<16xi32>], vector<16xf32>,
      %add3A_159 = arith.addf %gather3A_158, %get3A_76 : vector<16xf32>
      %add3A_160 = arith.constant 80 : i32
      %add3A_161 = vector.broadcast %add3A_160 : i32 to vector<16xi32>
      %add3A_162 = arith.addi %iota3A, %add3A_161 : vector<16xi32>
      %masked_sort3A_163 = arith.constant dense<true> : vector<16xi1>
      %masked_sort3A_164, %masked_sort3A_165, %masked_sort3A_166 = tpu.sort %add3A_159, %add3A_162 masked %masked_sort3A_163 : (vector<16xf32>, vector<16xi32>, vector<16xi1>) -> (vector<16xi1>, vector<16xf32>, vector<16xi32>)
      %mul3A_167 = arith.constant 16 : i32
      %mul3A_168 = vector.broadcast %mul3A_167 : i32 to vector<16xi32>
      %mul3A_169 = arith.muli %iota3A, %mul3A_168 : vector<16xi32>
      %add3A_170 = arith.constant 6 : i32
      %add3A_171 = vector.broadcast %add3A_170 : i32 to vector<16xi32>
      %add3A_172 = arith.addi %mul3A_169, %add3A_171 : vector<16xi32>
      %gather3A_173 = tpu.vector_load_idx %arg17[%add3A_172] : memref<256xf32, #tpu.memory_space<vmem>>[vector<16xi32>], vector<16xf32>,
      %add3A_174 = arith.addf %gather3A_173, %get3A_76 : vector<16xf32>
      %add3A_175 = arith.constant 96 : i32
      %add3A_176 = vector.broadcast %add3A_175 : i32 to vector<16xi32>
      %add3A_177 = arith.addi %iota3A, %add3A_176 : vector<16xi32>
      %masked_sort3A_178 = arith.constant dense<true> : vector<16xi1>
      %masked_sort3A_179, %masked_sort3A_180, %masked_sort3A_181 = tpu.sort %add3A_174, %add3A_177 masked %masked_sort3A_178 : (vector<16xf32>, vector<16xi32>, vector<16xi1>) -> (vector<16xi1>, vector<16xf32>, vector<16xi32>)
      %mul3A_182 = arith.constant 16 : i32
      %mul3A_183 = vector.broadcast %mul3A_182 : i32 to vector<16xi32>
      %mul3A_184 = arith.muli %iota3A, %mul3A_183 : vector<16xi32>
      %add3A_185 = arith.constant 7 : i32
      %add3A_186 = vector.broadcast %add3A_185 : i32 to vector<16xi32>
      %add3A_187 = arith.addi %mul3A_184, %add3A_186 : vector<16xi32>
      %gather3A_188 = tpu.vector_load_idx %arg17[%add3A_187] : memref<256xf32, #tpu.memory_space<vmem>>[vector<16xi32>], vector<16xf32>,
      %add3A_189 = arith.addf %gather3A_188, %get3A_76 : vector<16xf32>
      %add3A_190 = arith.constant 112 : i32
      %add3A_191 = vector.broadcast %add3A_190 : i32 to vector<16xi32>
      %add3A_192 = arith.addi %iota3A, %add3A_191 : vector<16xi32>
      %masked_sort3A_193 = arith.constant dense<true> : vector<16xi1>
      %masked_sort3A_194, %masked_sort3A_195, %masked_sort3A_196 = tpu.sort %add3A_189, %add3A_192 masked %masked_sort3A_193 : (vector<16xf32>, vector<16xi32>, vector<16xi1>) -> (vector<16xi1>, vector<16xf32>, vector<16xi32>)
      %mul3A_197 = arith.constant 16 : i32
      %mul3A_198 = vector.broadcast %mul3A_197 : i32 to vector<16xi32>
      %mul3A_199 = arith.muli %iota3A, %mul3A_198 : vector<16xi32>
      %add3A_200 = arith.constant 8 : i32
      %add3A_201 = vector.broadcast %add3A_200 : i32 to vector<16xi32>
      %add3A_202 = arith.addi %mul3A_199, %add3A_201 : vector<16xi32>
      %gather3A_203 = tpu.vector_load_idx %arg17[%add3A_202] : memref<256xf32, #tpu.memory_space<vmem>>[vector<16xi32>], vector<16xf32>,
      %add3A_204 = arith.addf %gather3A_203, %get3A_76 : vector<16xf32>
      %add3A_205 = arith.constant 128 : i32
      %add3A_206 = vector.broadcast %add3A_205 : i32 to vector<16xi32>
      %add3A_207 = arith.addi %iota3A, %add3A_206 : vector<16xi32>
      %masked_sort3A_208 = arith.constant dense<true> : vector<16xi1>
      %masked_sort3A_209, %masked_sort3A_210, %masked_sort3A_211 = tpu.sort %add3A_204, %add3A_207 masked %masked_sort3A_208 : (vector<16xf32>, vector<16xi32>, vector<16xi1>) -> (vector<16xi1>, vector<16xf32>, vector<16xi32>)
      %mul3A_212 = arith.constant 16 : i32
      %mul3A_213 = vector.broadcast %mul3A_212 : i32 to vector<16xi32>
      %mul3A_214 = arith.muli %iota3A, %mul3A_213 : vector<16xi32>
      %add3A_215 = arith.constant 9 : i32
      %add3A_216 = vector.broadcast %add3A_215 : i32 to vector<16xi32>
      %add3A_217 = arith.addi %mul3A_214, %add3A_216 : vector<16xi32>
      %gather3A_218 = tpu.vector_load_idx %arg17[%add3A_217] : memref<256xf32, #tpu.memory_space<vmem>>[vector<16xi32>], vector<16xf32>,
      %add3A_219 = arith.addf %gather3A_218, %get3A_76 : vector<16xf32>
      %add3A_220 = arith.constant 144 : i32
      %add3A_221 = vector.broadcast %add3A_220 : i32 to vector<16xi32>
      %add3A_222 = arith.addi %iota3A, %add3A_221 : vector<16xi32>
      %masked_sort3A_223 = arith.constant dense<true> : vector<16xi1>
      %masked_sort3A_224, %masked_sort3A_225, %masked_sort3A_226 = tpu.sort %add3A_219, %add3A_222 masked %masked_sort3A_223 : (vector<16xf32>, vector<16xi32>, vector<16xi1>) -> (vector<16xi1>, vector<16xf32>, vector<16xi32>)
      %mul3A_227 = arith.constant 16 : i32
      %mul3A_228 = vector.broadcast %mul3A_227 : i32 to vector<16xi32>
      %mul3A_229 = arith.muli %iota3A, %mul3A_228 : vector<16xi32>
      %add3A_230 = arith.constant 10 : i32
      %add3A_231 = vector.broadcast %add3A_230 : i32 to vector<16xi32>
      %add3A_232 = arith.addi %mul3A_229, %add3A_231 : vector<16xi32>
      %gather3A_233 = tpu.vector_load_idx %arg17[%add3A_232] : memref<256xf32, #tpu.memory_space<vmem>>[vector<16xi32>], vector<16xf32>,
      %add3A_234 = arith.addf %gather3A_233, %get3A_76 : vector<16xf32>
      %add3A_235 = arith.constant 160 : i32
      %add3A_236 = vector.broadcast %add3A_235 : i32 to vector<16xi32>
      %add3A_237 = arith.addi %iota3A, %add3A_236 : vector<16xi32>
      %masked_sort3A_238 = arith.constant dense<true> : vector<16xi1>
      %masked_sort3A_239, %masked_sort3A_240, %masked_sort3A_241 = tpu.sort %add3A_234, %add3A_237 masked %masked_sort3A_238 : (vector<16xf32>, vector<16xi32>, vector<16xi1>) -> (vector<16xi1>, vector<16xf32>, vector<16xi32>)
      %mul3A_242 = arith.constant 16 : i32
      %mul3A_243 = vector.broadcast %mul3A_242 : i32 to vector<16xi32>
      %mul3A_244 = arith.muli %iota3A, %mul3A_243 : vector<16xi32>
      %add3A_245 = arith.constant 11 : i32
      %add3A_246 = vector.broadcast %add3A_245 : i32 to vector<16xi32>
      %add3A_247 = arith.addi %mul3A_244, %add3A_246 : vector<16xi32>
      %gather3A_248 = tpu.vector_load_idx %arg17[%add3A_247] : memref<256xf32, #tpu.memory_space<vmem>>[vector<16xi32>], vector<16xf32>,
      %add3A_249 = arith.addf %gather3A_248, %get3A_76 : vector<16xf32>
      %add3A_250 = arith.constant 176 : i32
      %add3A_251 = vector.broadcast %add3A_250 : i32 to vector<16xi32>
      %add3A_252 = arith.addi %iota3A, %add3A_251 : vector<16xi32>
      %masked_sort3A_253 = arith.constant dense<true> : vector<16xi1>
      %masked_sort3A_254, %masked_sort3A_255, %masked_sort3A_256 = tpu.sort %add3A_249, %add3A_252 masked %masked_sort3A_253 : (vector<16xf32>, vector<16xi32>, vector<16xi1>) -> (vector<16xi1>, vector<16xf32>, vector<16xi32>)
      %mul3A_257 = arith.constant 16 : i32
      %mul3A_258 = vector.broadcast %mul3A_257 : i32 to vector<16xi32>
      %mul3A_259 = arith.muli %iota3A, %mul3A_258 : vector<16xi32>
      %add3A_260 = arith.constant 12 : i32
      %add3A_261 = vector.broadcast %add3A_260 : i32 to vector<16xi32>
      %add3A_262 = arith.addi %mul3A_259, %add3A_261 : vector<16xi32>
      %gather3A_263 = tpu.vector_load_idx %arg17[%add3A_262] : memref<256xf32, #tpu.memory_space<vmem>>[vector<16xi32>], vector<16xf32>,
      %add3A_264 = arith.addf %gather3A_263, %get3A_76 : vector<16xf32>
      %add3A_265 = arith.constant 192 : i32
      %add3A_266 = vector.broadcast %add3A_265 : i32 to vector<16xi32>
      %add3A_267 = arith.addi %iota3A, %add3A_266 : vector<16xi32>
      %masked_sort3A_268 = arith.constant dense<true> : vector<16xi1>
      %masked_sort3A_269, %masked_sort3A_270, %masked_sort3A_271 = tpu.sort %add3A_264, %add3A_267 masked %masked_sort3A_268 : (vector<16xf32>, vector<16xi32>, vector<16xi1>) -> (vector<16xi1>, vector<16xf32>, vector<16xi32>)
      %mul3A_272 = arith.constant 16 : i32
      %mul3A_273 = vector.broadcast %mul3A_272 : i32 to vector<16xi32>
      %mul3A_274 = arith.muli %iota3A, %mul3A_273 : vector<16xi32>
      %add3A_275 = arith.constant 13 : i32
      %add3A_276 = vector.broadcast %add3A_275 : i32 to vector<16xi32>
      %add3A_277 = arith.addi %mul3A_274, %add3A_276 : vector<16xi32>
      %gather3A_278 = tpu.vector_load_idx %arg17[%add3A_277] : memref<256xf32, #tpu.memory_space<vmem>>[vector<16xi32>], vector<16xf32>,
      %add3A_279 = arith.addf %gather3A_278, %get3A_76 : vector<16xf32>
      %add3A_280 = arith.constant 208 : i32
      %add3A_281 = vector.broadcast %add3A_280 : i32 to vector<16xi32>
      %add3A_282 = arith.addi %iota3A, %add3A_281 : vector<16xi32>
      %masked_sort3A_283 = arith.constant dense<true> : vector<16xi1>
      %masked_sort3A_284, %masked_sort3A_285, %masked_sort3A_286 = tpu.sort %add3A_279, %add3A_282 masked %masked_sort3A_283 : (vector<16xf32>, vector<16xi32>, vector<16xi1>) -> (vector<16xi1>, vector<16xf32>, vector<16xi32>)
      %mul3A_287 = arith.constant 16 : i32
      %mul3A_288 = vector.broadcast %mul3A_287 : i32 to vector<16xi32>
      %mul3A_289 = arith.muli %iota3A, %mul3A_288 : vector<16xi32>
      %add3A_290 = arith.constant 14 : i32
      %add3A_291 = vector.broadcast %add3A_290 : i32 to vector<16xi32>
      %add3A_292 = arith.addi %mul3A_289, %add3A_291 : vector<16xi32>
      %gather3A_293 = tpu.vector_load_idx %arg17[%add3A_292] : memref<256xf32, #tpu.memory_space<vmem>>[vector<16xi32>], vector<16xf32>,
      %add3A_294 = arith.addf %gather3A_293, %get3A_76 : vector<16xf32>
      %add3A_295 = arith.constant 224 : i32
      %add3A_296 = vector.broadcast %add3A_295 : i32 to vector<16xi32>
      %add3A_297 = arith.addi %iota3A, %add3A_296 : vector<16xi32>
      %masked_sort3A_298 = arith.constant dense<true> : vector<16xi1>
      %masked_sort3A_299, %masked_sort3A_300, %masked_sort3A_301 = tpu.sort %add3A_294, %add3A_297 masked %masked_sort3A_298 : (vector<16xf32>, vector<16xi32>, vector<16xi1>) -> (vector<16xi1>, vector<16xf32>, vector<16xi32>)
      %mul3A_302 = arith.constant 16 : i32
      %mul3A_303 = vector.broadcast %mul3A_302 : i32 to vector<16xi32>
      %mul3A_304 = arith.muli %iota3A, %mul3A_303 : vector<16xi32>
      %add3A_305 = arith.constant 15 : i32
      %add3A_306 = vector.broadcast %add3A_305 : i32 to vector<16xi32>
      %add3A_307 = arith.addi %mul3A_304, %add3A_306 : vector<16xi32>
      %gather3A_308 = tpu.vector_load_idx %arg17[%add3A_307] : memref<256xf32, #tpu.memory_space<vmem>>[vector<16xi32>], vector<16xf32>,
      %add3A_309 = arith.addf %gather3A_308, %get3A_76 : vector<16xf32>
      %add3A_310 = arith.constant 240 : i32
      %add3A_311 = vector.broadcast %add3A_310 : i32 to vector<16xi32>
      %add3A_312 = arith.addi %iota3A, %add3A_311 : vector<16xi32>
      %masked_sort3A_313 = arith.constant dense<true> : vector<16xi1>
      %masked_sort3A_314, %masked_sort3A_315, %masked_sort3A_316 = tpu.sort %add3A_309, %add3A_312 masked %masked_sort3A_313 : (vector<16xf32>, vector<16xi32>, vector<16xi1>) -> (vector<16xi1>, vector<16xf32>, vector<16xi32>)
      %rev3A_317 = arith.constant 15 : i32
      %rev3A_318 = vector.broadcast %rev3A_317 : i32 to vector<16xi32>
      %rev3A_319 = tpu.iota {dimensions = array<i32: 0>} : vector<16xi32>
      %rev3A_320 = arith.subi %rev3A_318, %rev3A_319 : vector<16xi32>
      %rev3A_321 = tpu.dynamic_gather %masked_sort3A_105[%rev3A_320] in [0] : vector<16xf32>, vector<16xi32> -> vector<16xf32>
      %rev3A_322 = arith.constant 15 : i32
      %rev3A_323 = vector.broadcast %rev3A_322 : i32 to vector<16xi32>
      %rev3A_324 = tpu.iota {dimensions = array<i32: 0>} : vector<16xi32>
      %rev3A_325 = arith.subi %rev3A_323, %rev3A_324 : vector<16xi32>
      %rev3A_326 = tpu.dynamic_gather %masked_sort3A_106[%rev3A_325] in [0] : vector<16xi32>, vector<16xi32> -> vector<16xi32>
      %ge3A = arith.cmpf oge, %masked_sort3A_90, %rev3A_321 : vector<16xf32>
      %select_n3A_327 = arith.select %ge3A, %masked_sort3A_90, %rev3A_321 : vector<16xi1>, vector<16xf32>
      %select_n3A_328 = arith.select %ge3A, %masked_sort3A_91, %rev3A_326 : vector<16xi1>, vector<16xi32>
      %masked_sort3A_329 = arith.constant dense<true> : vector<16xi1>
      %masked_sort3A_330, %masked_sort3A_331, %masked_sort3A_332 = tpu.sort %select_n3A_327, %select_n3A_328 masked %masked_sort3A_329 : (vector<16xf32>, vector<16xi32>, vector<16xi1>) -> (vector<16xi1>, vector<16xf32>, vector<16xi32>)
      %rev3A_333 = arith.constant 15 : i32
      %rev3A_334 = vector.broadcast %rev3A_333 : i32 to vector<16xi32>
      %rev3A_335 = tpu.iota {dimensions = array<i32: 0>} : vector<16xi32>
      %rev3A_336 = arith.subi %rev3A_334, %rev3A_335 : vector<16xi32>
      %rev3A_337 = tpu.dynamic_gather %masked_sort3A_135[%rev3A_336] in [0] : vector<16xf32>, vector<16xi32> -> vector<16xf32>
      %rev3A_338 = arith.constant 15 : i32
      %rev3A_339 = vector.broadcast %rev3A_338 : i32 to vector<16xi32>
      %rev3A_340 = tpu.iota {dimensions = array<i32: 0>} : vector<16xi32>
      %rev3A_341 = arith.subi %rev3A_339, %rev3A_340 : vector<16xi32>
      %rev3A_342 = tpu.dynamic_gather %masked_sort3A_136[%rev3A_341] in [0] : vector<16xi32>, vector<16xi32> -> vector<16xi32>
      %ge3A_343 = arith.cmpf oge, %masked_sort3A_120, %rev3A_337 : vector<16xf32>
      %select_n3A_344 = arith.select %ge3A_343, %masked_sort3A_120, %rev3A_337 : vector<16xi1>, vector<16xf32>
      %select_n3A_345 = arith.select %ge3A_343, %masked_sort3A_121, %rev3A_342 : vector<16xi1>, vector<16xi32>
      %masked_sort3A_346 = arith.constant dense<true> : vector<16xi1>
      %masked_sort3A_347, %masked_sort3A_348, %masked_sort3A_349 = tpu.sort %select_n3A_344, %select_n3A_345 masked %masked_sort3A_346 : (vector<16xf32>, vector<16xi32>, vector<16xi1>) -> (vector<16xi1>, vector<16xf32>, vector<16xi32>)
      %rev3A_350 = arith.constant 15 : i32
      %rev3A_351 = vector.broadcast %rev3A_350 : i32 to vector<16xi32>
      %rev3A_352 = tpu.iota {dimensions = array<i32: 0>} : vector<16xi32>
      %rev3A_353 = arith.subi %rev3A_351, %rev3A_352 : vector<16xi32>
      %rev3A_354 = tpu.dynamic_gather %masked_sort3A_165[%rev3A_353] in [0] : vector<16xf32>, vector<16xi32> -> vector<16xf32>
      %rev3A_355 = arith.constant 15 : i32
      %rev3A_356 = vector.broadcast %rev3A_355 : i32 to vector<16xi32>
      %rev3A_357 = tpu.iota {dimensions = array<i32: 0>} : vector<16xi32>
      %rev3A_358 = arith.subi %rev3A_356, %rev3A_357 : vector<16xi32>
      %rev3A_359 = tpu.dynamic_gather %masked_sort3A_166[%rev3A_358] in [0] : vector<16xi32>, vector<16xi32> -> vector<16xi32>
      %ge3A_360 = arith.cmpf oge, %masked_sort3A_150, %rev3A_354 : vector<16xf32>
      %select_n3A_361 = arith.select %ge3A_360, %masked_sort3A_150, %rev3A_354 : vector<16xi1>, vector<16xf32>
      %select_n3A_362 = arith.select %ge3A_360, %masked_sort3A_151, %rev3A_359 : vector<16xi1>, vector<16xi32>
      %masked_sort3A_363 = arith.constant dense<true> : vector<16xi1>
      %masked_sort3A_364, %masked_sort3A_365, %masked_sort3A_366 = tpu.sort %select_n3A_361, %select_n3A_362 masked %masked_sort3A_363 : (vector<16xf32>, vector<16xi32>, vector<16xi1>) -> (vector<16xi1>, vector<16xf32>, vector<16xi32>)
      %rev3A_367 = arith.constant 15 : i32
      %rev3A_368 = vector.broadcast %rev3A_367 : i32 to vector<16xi32>
      %rev3A_369 = tpu.iota {dimensions = array<i32: 0>} : vector<16xi32>
      %rev3A_370 = arith.subi %rev3A_368, %rev3A_369 : vector<16xi32>
      %rev3A_371 = tpu.dynamic_gather %masked_sort3A_195[%rev3A_370] in [0] : vector<16xf32>, vector<16xi32> -> vector<16xf32>
      %rev3A_372 = arith.constant 15 : i32
      %rev3A_373 = vector.broadcast %rev3A_372 : i32 to vector<16xi32>
      %rev3A_374 = tpu.iota {dimensions = array<i32: 0>} : vector<16xi32>
      %rev3A_375 = arith.subi %rev3A_373, %rev3A_374 : vector<16xi32>
      %rev3A_376 = tpu.dynamic_gather %masked_sort3A_196[%rev3A_375] in [0] : vector<16xi32>, vector<16xi32> -> vector<16xi32>
      %ge3A_377 = arith.cmpf oge, %masked_sort3A_180, %rev3A_371 : vector<16xf32>
      %select_n3A_378 = arith.select %ge3A_377, %masked_sort3A_180, %rev3A_371 : vector<16xi1>, vector<16xf32>
      %select_n3A_379 = arith.select %ge3A_377, %masked_sort3A_181, %rev3A_376 : vector<16xi1>, vector<16xi32>
      %masked_sort3A_380 = arith.constant dense<true> : vector<16xi1>
      %masked_sort3A_381, %masked_sort3A_382, %masked_sort3A_383 = tpu.sort %select_n3A_378, %select_n3A_379 masked %masked_sort3A_380 : (vector<16xf32>, vector<16xi32>, vector<16xi1>) -> (vector<16xi1>, vector<16xf32>, vector<16xi32>)
      %rev3A_384 = arith.constant 15 : i32
      %rev3A_385 = vector.broadcast %rev3A_384 : i32 to vector<16xi32>
      %rev3A_386 = tpu.iota {dimensions = array<i32: 0>} : vector<16xi32>
      %rev3A_387 = arith.subi %rev3A_385, %rev3A_386 : vector<16xi32>
      %rev3A_388 = tpu.dynamic_gather %masked_sort3A_225[%rev3A_387] in [0] : vector<16xf32>, vector<16xi32> -> vector<16xf32>
      %rev3A_389 = arith.constant 15 : i32
      %rev3A_390 = vector.broadcast %rev3A_389 : i32 to vector<16xi32>
      %rev3A_391 = tpu.iota {dimensions = array<i32: 0>} : vector<16xi32>
      %rev3A_392 = arith.subi %rev3A_390, %rev3A_391 : vector<16xi32>
      %rev3A_393 = tpu.dynamic_gather %masked_sort3A_226[%rev3A_392] in [0] : vector<16xi32>, vector<16xi32> -> vector<16xi32>
      %ge3A_394 = arith.cmpf oge, %masked_sort3A_210, %rev3A_388 : vector<16xf32>
      %select_n3A_395 = arith.select %ge3A_394, %masked_sort3A_210, %rev3A_388 : vector<16xi1>, vector<16xf32>
      %select_n3A_396 = arith.select %ge3A_394, %masked_sort3A_211, %rev3A_393 : vector<16xi1>, vector<16xi32>
      %masked_sort3A_397 = arith.constant dense<true> : vector<16xi1>
      %masked_sort3A_398, %masked_sort3A_399, %masked_sort3A_400 = tpu.sort %select_n3A_395, %select_n3A_396 masked %masked_sort3A_397 : (vector<16xf32>, vector<16xi32>, vector<16xi1>) -> (vector<16xi1>, vector<16xf32>, vector<16xi32>)
      %rev3A_401 = arith.constant 15 : i32
      %rev3A_402 = vector.broadcast %rev3A_401 : i32 to vector<16xi32>
      %rev3A_403 = tpu.iota {dimensions = array<i32: 0>} : vector<16xi32>
      %rev3A_404 = arith.subi %rev3A_402, %rev3A_403 : vector<16xi32>
      %rev3A_405 = tpu.dynamic_gather %masked_sort3A_255[%rev3A_404] in [0] : vector<16xf32>, vector<16xi32> -> vector<16xf32>
      %rev3A_406 = arith.constant 15 : i32
      %rev3A_407 = vector.broadcast %rev3A_406 : i32 to vector<16xi32>
      %rev3A_408 = tpu.iota {dimensions = array<i32: 0>} : vector<16xi32>
      %rev3A_409 = arith.subi %rev3A_407, %rev3A_408 : vector<16xi32>
      %rev3A_410 = tpu.dynamic_gather %masked_sort3A_256[%rev3A_409] in [0] : vector<16xi32>, vector<16xi32> -> vector<16xi32>
      %ge3A_411 = arith.cmpf oge, %masked_sort3A_240, %rev3A_405 : vector<16xf32>
      %select_n3A_412 = arith.select %ge3A_411, %masked_sort3A_240, %rev3A_405 : vector<16xi1>, vector<16xf32>
      %select_n3A_413 = arith.select %ge3A_411, %masked_sort3A_241, %rev3A_410 : vector<16xi1>, vector<16xi32>
      %masked_sort3A_414 = arith.constant dense<true> : vector<16xi1>
      %masked_sort3A_415, %masked_sort3A_416, %masked_sort3A_417 = tpu.sort %select_n3A_412, %select_n3A_413 masked %masked_sort3A_414 : (vector<16xf32>, vector<16xi32>, vector<16xi1>) -> (vector<16xi1>, vector<16xf32>, vector<16xi32>)
      %rev3A_418 = arith.constant 15 : i32
      %rev3A_419 = vector.broadcast %rev3A_418 : i32 to vector<16xi32>
      %rev3A_420 = tpu.iota {dimensions = array<i32: 0>} : vector<16xi32>
      %rev3A_421 = arith.subi %rev3A_419, %rev3A_420 : vector<16xi32>
      %rev3A_422 = tpu.dynamic_gather %masked_sort3A_285[%rev3A_421] in [0] : vector<16xf32>, vector<16xi32> -> vector<16xf32>
      %rev3A_423 = arith.constant 15 : i32
      %rev3A_424 = vector.broadcast %rev3A_423 : i32 to vector<16xi32>
      %rev3A_425 = tpu.iota {dimensions = array<i32: 0>} : vector<16xi32>
      %rev3A_426 = arith.subi %rev3A_424, %rev3A_425 : vector<16xi32>
      %rev3A_427 = tpu.dynamic_gather %masked_sort3A_286[%rev3A_426] in [0] : vector<16xi32>, vector<16xi32> -> vector<16xi32>
      %ge3A_428 = arith.cmpf oge, %masked_sort3A_270, %rev3A_422 : vector<16xf32>
      %select_n3A_429 = arith.select %ge3A_428, %masked_sort3A_270, %rev3A_422 : vector<16xi1>, vector<16xf32>
      %select_n3A_430 = arith.select %ge3A_428, %masked_sort3A_271, %rev3A_427 : vector<16xi1>, vector<16xi32>
      %masked_sort3A_431 = arith.constant dense<true> : vector<16xi1>
      %masked_sort3A_432, %masked_sort3A_433, %masked_sort3A_434 = tpu.sort %select_n3A_429, %select_n3A_430 masked %masked_sort3A_431 : (vector<16xf32>, vector<16xi32>, vector<16xi1>) -> (vector<16xi1>, vector<16xf32>, vector<16xi32>)
      %rev3A_435 = arith.constant 15 : i32
      %rev3A_436 = vector.broadcast %rev3A_435 : i32 to vector<16xi32>
      %rev3A_437 = tpu.iota {dimensions = array<i32: 0>} : vector<16xi32>
      %rev3A_438 = arith.subi %rev3A_436, %rev3A_437 : vector<16xi32>
      %rev3A_439 = tpu.dynamic_gather %masked_sort3A_315[%rev3A_438] in [0] : vector<16xf32>, vector<16xi32> -> vector<16xf32>
      %rev3A_440 = arith.constant 15 : i32
      %rev3A_441 = vector.broadcast %rev3A_440 : i32 to vector<16xi32>
      %rev3A_442 = tpu.iota {dimensions = array<i32: 0>} : vector<16xi32>
      %rev3A_443 = arith.subi %rev3A_441, %rev3A_442 : vector<16xi32>
      %rev3A_444 = tpu.dynamic_gather %masked_sort3A_316[%rev3A_443] in [0] : vector<16xi32>, vector<16xi32> -> vector<16xi32>
      %ge3A_445 = arith.cmpf oge, %masked_sort3A_300, %rev3A_439 : vector<16xf32>
      %select_n3A_446 = arith.select %ge3A_445, %masked_sort3A_300, %rev3A_439 : vector<16xi1>, vector<16xf32>
      %select_n3A_447 = arith.select %ge3A_445, %masked_sort3A_301, %rev3A_444 : vector<16xi1>, vector<16xi32>
      %masked_sort3A_448 = arith.constant dense<true> : vector<16xi1>
      %masked_sort3A_449, %masked_sort3A_450, %masked_sort3A_451 = tpu.sort %select_n3A_446, %select_n3A_447 masked %masked_sort3A_448 : (vector<16xf32>, vector<16xi32>, vector<16xi1>) -> (vector<16xi1>, vector<16xf32>, vector<16xi32>)
      %rev3A_452 = arith.constant 15 : i32
      %rev3A_453 = vector.broadcast %rev3A_452 : i32 to vector<16xi32>
      %rev3A_454 = tpu.iota {dimensions = array<i32: 0>} : vector<16xi32>
      %rev3A_455 = arith.subi %rev3A_453, %rev3A_454 : vector<16xi32>
      %rev3A_456 = tpu.dynamic_gather %masked_sort3A_348[%rev3A_455] in [0] : vector<16xf32>, vector<16xi32> -> vector<16xf32>
      %rev3A_457 = arith.constant 15 : i32
      %rev3A_458 = vector.broadcast %rev3A_457 : i32 to vector<16xi32>
      %rev3A_459 = tpu.iota {dimensions = array<i32: 0>} : vector<16xi32>
      %rev3A_460 = arith.subi %rev3A_458, %rev3A_459 : vector<16xi32>
      %rev3A_461 = tpu.dynamic_gather %masked_sort3A_349[%rev3A_460] in [0] : vector<16xi32>, vector<16xi32> -> vector<16xi32>
      %ge3A_462 = arith.cmpf oge, %masked_sort3A_331, %rev3A_456 : vector<16xf32>
      %select_n3A_463 = arith.select %ge3A_462, %masked_sort3A_331, %rev3A_456 : vector<16xi1>, vector<16xf32>
      %select_n3A_464 = arith.select %ge3A_462, %masked_sort3A_332, %rev3A_461 : vector<16xi1>, vector<16xi32>
      %masked_sort3A_465 = arith.constant dense<true> : vector<16xi1>
      %masked_sort3A_466, %masked_sort3A_467, %masked_sort3A_468 = tpu.sort %select_n3A_463, %select_n3A_464 masked %masked_sort3A_465 : (vector<16xf32>, vector<16xi32>, vector<16xi1>) -> (vector<16xi1>, vector<16xf32>, vector<16xi32>)
      %rev3A_469 = arith.constant 15 : i32
      %rev3A_470 = vector.broadcast %rev3A_469 : i32 to vector<16xi32>
      %rev3A_471 = tpu.iota {dimensions = array<i32: 0>} : vector<16xi32>
      %rev3A_472 = arith.subi %rev3A_470, %rev3A_471 : vector<16xi32>
      %rev3A_473 = tpu.dynamic_gather %masked_sort3A_382[%rev3A_472] in [0] : vector<16xf32>, vector<16xi32> -> vector<16xf32>
      %rev3A_474 = arith.constant 15 : i32
      %rev3A_475 = vector.broadcast %rev3A_474 : i32 to vector<16xi32>
      %rev3A_476 = tpu.iota {dimensions = array<i32: 0>} : vector<16xi32>
      %rev3A_477 = arith.subi %rev3A_475, %rev3A_476 : vector<16xi32>
      %rev3A_478 = tpu.dynamic_gather %masked_sort3A_383[%rev3A_477] in [0] : vector<16xi32>, vector<16xi32> -> vector<16xi32>
      %ge3A_479 = arith.cmpf oge, %masked_sort3A_365, %rev3A_473 : vector<16xf32>
      %select_n3A_480 = arith.select %ge3A_479, %masked_sort3A_365, %rev3A_473 : vector<16xi1>, vector<16xf32>
      %select_n3A_481 = arith.select %ge3A_479, %masked_sort3A_366, %rev3A_478 : vector<16xi1>, vector<16xi32>
      %masked_sort3A_482 = arith.constant dense<true> : vector<16xi1>
      %masked_sort3A_483, %masked_sort3A_484, %masked_sort3A_485 = tpu.sort %select_n3A_480, %select_n3A_481 masked %masked_sort3A_482 : (vector<16xf32>, vector<16xi32>, vector<16xi1>) -> (vector<16xi1>, vector<16xf32>, vector<16xi32>)
      %rev3A_486 = arith.constant 15 : i32
      %rev3A_487 = vector.broadcast %rev3A_486 : i32 to vector<16xi32>
      %rev3A_488 = tpu.iota {dimensions = array<i32: 0>} : vector<16xi32>
      %rev3A_489 = arith.subi %rev3A_487, %rev3A_488 : vector<16xi32>
      %rev3A_490 = tpu.dynamic_gather %masked_sort3A_416[%rev3A_489] in [0] : vector<16xf32>, vector<16xi32> -> vector<16xf32>
      %rev3A_491 = arith.constant 15 : i32
      %rev3A_492 = vector.broadcast %rev3A_491 : i32 to vector<16xi32>
      %rev3A_493 = tpu.iota {dimensions = array<i32: 0>} : vector<16xi32>
      %rev3A_494 = arith.subi %rev3A_492, %rev3A_493 : vector<16xi32>
      %rev3A_495 = tpu.dynamic_gather %masked_sort3A_417[%rev3A_494] in [0] : vector<16xi32>, vector<16xi32> -> vector<16xi32>
      %ge3A_496 = arith.cmpf oge, %masked_sort3A_399, %rev3A_490 : vector<16xf32>
      %select_n3A_497 = arith.select %ge3A_496, %masked_sort3A_399, %rev3A_490 : vector<16xi1>, vector<16xf32>
      %select_n3A_498 = arith.select %ge3A_496, %masked_sort3A_400, %rev3A_495 : vector<16xi1>, vector<16xi32>
      %masked_sort3A_499 = arith.constant dense<true> : vector<16xi1>
      %masked_sort3A_500, %masked_sort3A_501, %masked_sort3A_502 = tpu.sort %select_n3A_497, %select_n3A_498 masked %masked_sort3A_499 : (vector<16xf32>, vector<16xi32>, vector<16xi1>) -> (vector<16xi1>, vector<16xf32>, vector<16xi32>)
      %rev3A_503 = arith.constant 15 : i32
      %rev3A_504 = vector.broadcast %rev3A_503 : i32 to vector<16xi32>
      %rev3A_505 = tpu.iota {dimensions = array<i32: 0>} : vector<16xi32>
      %rev3A_506 = arith.subi %rev3A_504, %rev3A_505 : vector<16xi32>
      %rev3A_507 = tpu.dynamic_gather %masked_sort3A_450[%rev3A_506] in [0] : vector<16xf32>, vector<16xi32> -> vector<16xf32>
      %rev3A_508 = arith.constant 15 : i32
      %rev3A_509 = vector.broadcast %rev3A_508 : i32 to vector<16xi32>
      %rev3A_510 = tpu.iota {dimensions = array<i32: 0>} : vector<16xi32>
      %rev3A_511 = arith.subi %rev3A_509, %rev3A_510 : vector<16xi32>
      %rev3A_512 = tpu.dynamic_gather %masked_sort3A_451[%rev3A_511] in [0] : vector<16xi32>, vector<16xi32> -> vector<16xi32>
      %ge3A_513 = arith.cmpf oge, %masked_sort3A_433, %rev3A_507 : vector<16xf32>
      %select_n3A_514 = arith.select %ge3A_513, %masked_sort3A_433, %rev3A_507 : vector<16xi1>, vector<16xf32>
      %select_n3A_515 = arith.select %ge3A_513, %masked_sort3A_434, %rev3A_512 : vector<16xi1>, vector<16xi32>
      %masked_sort3A_516 = arith.constant dense<true> : vector<16xi1>
      %masked_sort3A_517, %masked_sort3A_518, %masked_sort3A_519 = tpu.sort %select_n3A_514, %select_n3A_515 masked %masked_sort3A_516 : (vector<16xf32>, vector<16xi32>, vector<16xi1>) -> (vector<16xi1>, vector<16xf32>, vector<16xi32>)
      %rev3A_520 = arith.constant 15 : i32
      %rev3A_521 = vector.broadcast %rev3A_520 : i32 to vector<16xi32>
      %rev3A_522 = tpu.iota {dimensions = array<i32: 0>} : vector<16xi32>
      %rev3A_523 = arith.subi %rev3A_521, %rev3A_522 : vector<16xi32>
      %rev3A_524 = tpu.dynamic_gather %masked_sort3A_484[%rev3A_523] in [0] : vector<16xf32>, vector<16xi32> -> vector<16xf32>
      %rev3A_525 = arith.constant 15 : i32
      %rev3A_526 = vector.broadcast %rev3A_525 : i32 to vector<16xi32>
      %rev3A_527 = tpu.iota {dimensions = array<i32: 0>} : vector<16xi32>
      %rev3A_528 = arith.subi %rev3A_526, %rev3A_527 : vector<16xi32>
      %rev3A_529 = tpu.dynamic_gather %masked_sort3A_485[%rev3A_528] in [0] : vector<16xi32>, vector<16xi32> -> vector<16xi32>
      %ge3A_530 = arith.cmpf oge, %masked_sort3A_467, %rev3A_524 : vector<16xf32>
      %select_n3A_531 = arith.select %ge3A_530, %masked_sort3A_467, %rev3A_524 : vector<16xi1>, vector<16xf32>
      %select_n3A_532 = arith.select %ge3A_530, %masked_sort3A_468, %rev3A_529 : vector<16xi1>, vector<16xi32>
      %masked_sort3A_533 = arith.constant dense<true> : vector<16xi1>
      %masked_sort3A_534, %masked_sort3A_535, %masked_sort3A_536 = tpu.sort %select_n3A_531, %select_n3A_532 masked %masked_sort3A_533 : (vector<16xf32>, vector<16xi32>, vector<16xi1>) -> (vector<16xi1>, vector<16xf32>, vector<16xi32>)
      %rev3A_537 = arith.constant 15 : i32
      %rev3A_538 = vector.broadcast %rev3A_537 : i32 to vector<16xi32>
      %rev3A_539 = tpu.iota {dimensions = array<i32: 0>} : vector<16xi32>
      %rev3A_540 = arith.subi %rev3A_538, %rev3A_539 : vector<16xi32>
      %rev3A_541 = tpu.dynamic_gather %masked_sort3A_518[%rev3A_540] in [0] : vector<16xf32>, vector<16xi32> -> vector<16xf32>
      %rev3A_542 = arith.constant 15 : i32
      %rev3A_543 = vector.broadcast %rev3A_542 : i32 to vector<16xi32>
      %rev3A_544 = tpu.iota {dimensions = array<i32: 0>} : vector<16xi32>
      %rev3A_545 = arith.subi %rev3A_543, %rev3A_544 : vector<16xi32>
      %rev3A_546 = tpu.dynamic_gather %masked_sort3A_519[%rev3A_545] in [0] : vector<16xi32>, vector<16xi32> -> vector<16xi32>
      %ge3A_547 = arith.cmpf oge, %masked_sort3A_501, %rev3A_541 : vector<16xf32>
      %select_n3A_548 = arith.select %ge3A_547, %masked_sort3A_501, %rev3A_541 : vector<16xi1>, vector<16xf32>
      %select_n3A_549 = arith.select %ge3A_547, %masked_sort3A_502, %rev3A_546 : vector<16xi1>, vector<16xi32>
      %masked_sort3A_550 = arith.constant dense<true> : vector<16xi1>
      %masked_sort3A_551, %masked_sort3A_552, %masked_sort3A_553 = tpu.sort %select_n3A_548, %select_n3A_549 masked %masked_sort3A_550 : (vector<16xf32>, vector<16xi32>, vector<16xi1>) -> (vector<16xi1>, vector<16xf32>, vector<16xi32>)
      %rev3A_554 = arith.constant 15 : i32
      %rev3A_555 = vector.broadcast %rev3A_554 : i32 to vector<16xi32>
      %rev3A_556 = tpu.iota {dimensions = array<i32: 0>} : vector<16xi32>
      %rev3A_557 = arith.subi %rev3A_555, %rev3A_556 : vector<16xi32>
      %rev3A_558 = tpu.dynamic_gather %masked_sort3A_552[%rev3A_557] in [0] : vector<16xf32>, vector<16xi32> -> vector<16xf32>
      %rev3A_559 = arith.constant 15 : i32
      %rev3A_560 = vector.broadcast %rev3A_559 : i32 to vector<16xi32>
      %rev3A_561 = tpu.iota {dimensions = array<i32: 0>} : vector<16xi32>
      %rev3A_562 = arith.subi %rev3A_560, %rev3A_561 : vector<16xi32>
      %rev3A_563 = tpu.dynamic_gather %masked_sort3A_553[%rev3A_562] in [0] : vector<16xi32>, vector<16xi32> -> vector<16xi32>
      %ge3A_564 = arith.cmpf oge, %masked_sort3A_535, %rev3A_558 : vector<16xf32>
      %select_n3A_565 = arith.select %ge3A_564, %masked_sort3A_535, %rev3A_558 : vector<16xi1>, vector<16xf32>
      %select_n3A_566 = arith.select %ge3A_564, %masked_sort3A_536, %rev3A_563 : vector<16xi1>, vector<16xi32>
      %masked_sort3A_567 = arith.constant dense<true> : vector<16xi1>
      %masked_sort3A_568, %masked_sort3A_569, %masked_sort3A_570 = tpu.sort %select_n3A_565, %select_n3A_566 masked %masked_sort3A_567 : (vector<16xf32>, vector<16xi32>, vector<16xi1>) -> (vector<16xi1>, vector<16xf32>, vector<16xi32>)
      %rev3A_571 = arith.constant 15 : i32
      %rev3A_572 = vector.broadcast %rev3A_571 : i32 to vector<16xi32>
      %rev3A_573 = tpu.iota {dimensions = array<i32: 0>} : vector<16xi32>
      %rev3A_574 = arith.subi %rev3A_572, %rev3A_573 : vector<16xi32>
      %rev3A_575 = tpu.dynamic_gather %masked_sort3A_569[%rev3A_574] in [0] : vector<16xf32>, vector<16xi32> -> vector<16xf32>
      %rev3A_576 = arith.constant 15 : i32
      %rev3A_577 = vector.broadcast %rev3A_576 : i32 to vector<16xi32>
      %rev3A_578 = tpu.iota {dimensions = array<i32: 0>} : vector<16xi32>
      %rev3A_579 = arith.subi %rev3A_577, %rev3A_578 : vector<16xi32>
      %rev3A_580 = tpu.dynamic_gather %masked_sort3A_570[%rev3A_579] in [0] : vector<16xi32>, vector<16xi32> -> vector<16xi32>
      %and3A = arith.constant 15 : i32
      %and3A_581 = vector.broadcast %and3A : i32 to vector<16xi32>
      %and3A_582 = arith.andi %rev3A_580, %and3A_581 : vector<16xi32>
      %shift_right_logical3A = arith.constant 4 : i32
      %shift_right_logical3A_583 = vector.broadcast %shift_right_logical3A : i32 to vector<16xi32>
      %shift_right_logical3A_584 = arith.shrui %rev3A_580, %shift_right_logical3A_583 : vector<16xi32>
      %mul3A_585 = arith.constant 16 : i32
      %mul3A_586 = vector.broadcast %mul3A_585 : i32 to vector<16xi32>
      %mul3A_587 = arith.muli %and3A_582, %mul3A_586 : vector<16xi32>
      %add3A_588 = arith.addi %mul3A_587, %shift_right_logical3A_584 : vector<16xi32>
      %gather3A_589 = tpu.vector_load_idx %arg18[%add3A_588] : memref<256xi32, #tpu.memory_space<vmem>>[vector<16xi32>], vector<16xi32>,
      %mul3A_590 = arith.constant 16 : i32
      %mul3A_591 = vector.broadcast %mul3A_590 : i32 to vector<16xi32>
      %mul3A_592 = arith.muli %and3A_582, %mul3A_591 : vector<16xi32>
      %add3A_593 = arith.addi %mul3A_592, %shift_right_logical3A_584 : vector<16xi32>
      %gather3A_594 = tpu.vector_load_idx %arg17[%add3A_593] : memref<256xf32, #tpu.memory_space<vmem>>[vector<16xi32>], vector<16xf32>,
      %swap3A_595 = arith.constant 0 : index
      %swap3A_596 = tpu.vector_load %arg13[%swap3A_595] {strides = array<i32>} : memref<16xf32, #tpu.memory_space<vmem>>, vector<16xf32>,
      tpu.vector_store %arg13[%swap3A_595], %rev3A_575 {strides = array<i32>} : memref<16xf32, #tpu.memory_space<vmem>>, vector<16xf32>,
      tpu.enqueue_dma source(%arg13 : memref<16xf32, #tpu.memory_space<vmem>>) target(%arg10 : memref<16xf32, #tpu.memory_space<hbm>>) target_semaphore(%arg28 : memref<!tpu.dma_semaphore, #tpu.memory_space<semaphore_mem>>)
      %broadcast_in_dim3A_597 = arith.constant 0 : i32
      %broadcast_in_dim3A_598 = vector.broadcast %broadcast_in_dim3A_597 : i32 to vector<16xi32>
      %lt3A = arith.cmpi slt, %broadcast_in_dim3A_598, %get3A_78 : vector<16xi32>
      %eq3A_599 = arith.cmpi eq, %broadcast_in_dim3A_598, %get3A_78 : vector<16xi32>
      %select_n3A_600 = arith.select %lt3A, %and3A_582, %iota3A : vector<16xi1>, vector<16xi32>
      %mul3A_601 = arith.constant 20 : i32
      %mul3A_602 = vector.broadcast %mul3A_601 : i32 to vector<16xi32>
      %mul3A_603 = arith.muli %select_n3A_600, %mul3A_602 : vector<16xi32>
      %add3A_604 = arith.constant 0 : i32
      %add3A_605 = vector.broadcast %add3A_604 : i32 to vector<16xi32>
      %add3A_606 = arith.addi %mul3A_603, %add3A_605 : vector<16xi32>
      %gather3A_607 = tpu.vector_load_idx %arg20[%add3A_606] : memref<320xi32, #tpu.memory_space<vmem>>[vector<16xi32>], vector<16xi32>,
      %select_n3A_608 = arith.select %eq3A_599, %gather3A_589, %gather3A_607 : vector<16xi1>, vector<16xi32>
      %mul3A_609 = arith.constant 20 : i32
      %mul3A_610 = vector.broadcast %mul3A_609 : i32 to vector<16xi32>
      %mul3A_611 = arith.muli %iota3A, %mul3A_610 : vector<16xi32>
      %add3A_612 = arith.constant 0 : i32
      %add3A_613 = vector.broadcast %add3A_612 : i32 to vector<16xi32>
      %add3A_614 = arith.addi %mul3A_611, %add3A_613 : vector<16xi32>
      tpu.vector_store_idx %arg23[%add3A_614], %select_n3A_608 : memref<320xi32, #tpu.memory_space<vmem>>[vector<16xi32>], vector<16xi32>,
      %mul3A_615 = arith.constant 20 : i32
      %mul3A_616 = vector.broadcast %mul3A_615 : i32 to vector<16xi32>
      %mul3A_617 = arith.muli %select_n3A_600, %mul3A_616 : vector<16xi32>
      %add3A_618 = arith.constant 0 : i32
      %add3A_619 = vector.broadcast %add3A_618 : i32 to vector<16xi32>
      %add3A_620 = arith.addi %mul3A_617, %add3A_619 : vector<16xi32>
      %gather3A_621 = tpu.vector_load_idx %arg21[%add3A_620] : memref<320xf32, #tpu.memory_space<vmem>>[vector<16xi32>], vector<16xf32>,
      %select_n3A_622 = arith.select %eq3A_599, %gather3A_594, %gather3A_621 : vector<16xi1>, vector<16xf32>
      %mul3A_623 = arith.constant 20 : i32
      %mul3A_624 = vector.broadcast %mul3A_623 : i32 to vector<16xi32>
      %mul3A_625 = arith.muli %iota3A, %mul3A_624 : vector<16xi32>
      %add3A_626 = arith.constant 0 : i32
      %add3A_627 = vector.broadcast %add3A_626 : i32 to vector<16xi32>
      %add3A_628 = arith.addi %mul3A_625, %add3A_627 : vector<16xi32>
      tpu.vector_store_idx %arg24[%add3A_628], %select_n3A_622 : memref<320xf32, #tpu.memory_space<vmem>>[vector<16xi32>], vector<16xf32>,
      %broadcast_in_dim3A_629 = arith.constant 1 : i32
      %broadcast_in_dim3A_630 = vector.broadcast %broadcast_in_dim3A_629 : i32 to vector<16xi32>
      %lt3A_631 = arith.cmpi slt, %broadcast_in_dim3A_630, %get3A_78 : vector<16xi32>
      %eq3A_632 = arith.cmpi eq, %broadcast_in_dim3A_630, %get3A_78 : vector<16xi32>
      %select_n3A_633 = arith.select %lt3A_631, %and3A_582, %iota3A : vector<16xi1>, vector<16xi32>
      %mul3A_634 = arith.constant 20 : i32
      %mul3A_635 = vector.broadcast %mul3A_634 : i32 to vector<16xi32>
      %mul3A_636 = arith.muli %select_n3A_633, %mul3A_635 : vector<16xi32>
      %add3A_637 = arith.constant 1 : i32
      %add3A_638 = vector.broadcast %add3A_637 : i32 to vector<16xi32>
      %add3A_639 = arith.addi %mul3A_636, %add3A_638 : vector<16xi32>
      %gather3A_640 = tpu.vector_load_idx %arg20[%add3A_639] : memref<320xi32, #tpu.memory_space<vmem>>[vector<16xi32>], vector<16xi32>,
      %select_n3A_641 = arith.select %eq3A_632, %gather3A_589, %gather3A_640 : vector<16xi1>, vector<16xi32>
      %mul3A_642 = arith.constant 20 : i32
      %mul3A_643 = vector.broadcast %mul3A_642 : i32 to vector<16xi32>
      %mul3A_644 = arith.muli %iota3A, %mul3A_643 : vector<16xi32>
      %add3A_645 = arith.constant 1 : i32
      %add3A_646 = vector.broadcast %add3A_645 : i32 to vector<16xi32>
      %add3A_647 = arith.addi %mul3A_644, %add3A_646 : vector<16xi32>
      tpu.vector_store_idx %arg23[%add3A_647], %select_n3A_641 : memref<320xi32, #tpu.memory_space<vmem>>[vector<16xi32>], vector<16xi32>,
      %mul3A_648 = arith.constant 20 : i32
      %mul3A_649 = vector.broadcast %mul3A_648 : i32 to vector<16xi32>
      %mul3A_650 = arith.muli %select_n3A_633, %mul3A_649 : vector<16xi32>
      %add3A_651 = arith.constant 1 : i32
      %add3A_652 = vector.broadcast %add3A_651 : i32 to vector<16xi32>
      %add3A_653 = arith.addi %mul3A_650, %add3A_652 : vector<16xi32>
      %gather3A_654 = tpu.vector_load_idx %arg21[%add3A_653] : memref<320xf32, #tpu.memory_space<vmem>>[vector<16xi32>], vector<16xf32>,
      %select_n3A_655 = arith.select %eq3A_632, %gather3A_594, %gather3A_654 : vector<16xi1>, vector<16xf32>
      %mul3A_656 = arith.constant 20 : i32
      %mul3A_657 = vector.broadcast %mul3A_656 : i32 to vector<16xi32>
      %mul3A_658 = arith.muli %iota3A, %mul3A_657 : vector<16xi32>
      %add3A_659 = arith.constant 1 : i32
      %add3A_660 = vector.broadcast %add3A_659 : i32 to vector<16xi32>
      %add3A_661 = arith.addi %mul3A_658, %add3A_660 : vector<16xi32>
      tpu.vector_store_idx %arg24[%add3A_661], %select_n3A_655 : memref<320xf32, #tpu.memory_space<vmem>>[vector<16xi32>], vector<16xf32>,
      %broadcast_in_dim3A_662 = arith.constant 2 : i32
      %broadcast_in_dim3A_663 = vector.broadcast %broadcast_in_dim3A_662 : i32 to vector<16xi32>
      %lt3A_664 = arith.cmpi slt, %broadcast_in_dim3A_663, %get3A_78 : vector<16xi32>
      %eq3A_665 = arith.cmpi eq, %broadcast_in_dim3A_663, %get3A_78 : vector<16xi32>
      %select_n3A_666 = arith.select %lt3A_664, %and3A_582, %iota3A : vector<16xi1>, vector<16xi32>
      %mul3A_667 = arith.constant 20 : i32
      %mul3A_668 = vector.broadcast %mul3A_667 : i32 to vector<16xi32>
      %mul3A_669 = arith.muli %select_n3A_666, %mul3A_668 : vector<16xi32>
      %add3A_670 = arith.constant 2 : i32
      %add3A_671 = vector.broadcast %add3A_670 : i32 to vector<16xi32>
      %add3A_672 = arith.addi %mul3A_669, %add3A_671 : vector<16xi32>
      %gather3A_673 = tpu.vector_load_idx %arg20[%add3A_672] : memref<320xi32, #tpu.memory_space<vmem>>[vector<16xi32>], vector<16xi32>,
      %select_n3A_674 = arith.select %eq3A_665, %gather3A_589, %gather3A_673 : vector<16xi1>, vector<16xi32>
      %mul3A_675 = arith.constant 20 : i32
      %mul3A_676 = vector.broadcast %mul3A_675 : i32 to vector<16xi32>
      %mul3A_677 = arith.muli %iota3A, %mul3A_676 : vector<16xi32>
      %add3A_678 = arith.constant 2 : i32
      %add3A_679 = vector.broadcast %add3A_678 : i32 to vector<16xi32>
      %add3A_680 = arith.addi %mul3A_677, %add3A_679 : vector<16xi32>
      tpu.vector_store_idx %arg23[%add3A_680], %select_n3A_674 : memref<320xi32, #tpu.memory_space<vmem>>[vector<16xi32>], vector<16xi32>,
      %mul3A_681 = arith.constant 20 : i32
      %mul3A_682 = vector.broadcast %mul3A_681 : i32 to vector<16xi32>
      %mul3A_683 = arith.muli %select_n3A_666, %mul3A_682 : vector<16xi32>
      %add3A_684 = arith.constant 2 : i32
      %add3A_685 = vector.broadcast %add3A_684 : i32 to vector<16xi32>
      %add3A_686 = arith.addi %mul3A_683, %add3A_685 : vector<16xi32>
      %gather3A_687 = tpu.vector_load_idx %arg21[%add3A_686] : memref<320xf32, #tpu.memory_space<vmem>>[vector<16xi32>], vector<16xf32>,
      %select_n3A_688 = arith.select %eq3A_665, %gather3A_594, %gather3A_687 : vector<16xi1>, vector<16xf32>
      %mul3A_689 = arith.constant 20 : i32
      %mul3A_690 = vector.broadcast %mul3A_689 : i32 to vector<16xi32>
      %mul3A_691 = arith.muli %iota3A, %mul3A_690 : vector<16xi32>
      %add3A_692 = arith.constant 2 : i32
      %add3A_693 = vector.broadcast %add3A_692 : i32 to vector<16xi32>
      %add3A_694 = arith.addi %mul3A_691, %add3A_693 : vector<16xi32>
      tpu.vector_store_idx %arg24[%add3A_694], %select_n3A_688 : memref<320xf32, #tpu.memory_space<vmem>>[vector<16xi32>], vector<16xf32>,
      %broadcast_in_dim3A_695 = arith.constant 3 : i32
      %broadcast_in_dim3A_696 = vector.broadcast %broadcast_in_dim3A_695 : i32 to vector<16xi32>
      %lt3A_697 = arith.cmpi slt, %broadcast_in_dim3A_696, %get3A_78 : vector<16xi32>
      %eq3A_698 = arith.cmpi eq, %broadcast_in_dim3A_696, %get3A_78 : vector<16xi32>
      %select_n3A_699 = arith.select %lt3A_697, %and3A_582, %iota3A : vector<16xi1>, vector<16xi32>
      %mul3A_700 = arith.constant 20 : i32
      %mul3A_701 = vector.broadcast %mul3A_700 : i32 to vector<16xi32>
      %mul3A_702 = arith.muli %select_n3A_699, %mul3A_701 : vector<16xi32>
      %add3A_703 = arith.constant 3 : i32
      %add3A_704 = vector.broadcast %add3A_703 : i32 to vector<16xi32>
      %add3A_705 = arith.addi %mul3A_702, %add3A_704 : vector<16xi32>
      %gather3A_706 = tpu.vector_load_idx %arg20[%add3A_705] : memref<320xi32, #tpu.memory_space<vmem>>[vector<16xi32>], vector<16xi32>,
      %select_n3A_707 = arith.select %eq3A_698, %gather3A_589, %gather3A_706 : vector<16xi1>, vector<16xi32>
      %mul3A_708 = arith.constant 20 : i32
      %mul3A_709 = vector.broadcast %mul3A_708 : i32 to vector<16xi32>
      %mul3A_710 = arith.muli %iota3A, %mul3A_709 : vector<16xi32>
      %add3A_711 = arith.constant 3 : i32
      %add3A_712 = vector.broadcast %add3A_711 : i32 to vector<16xi32>
      %add3A_713 = arith.addi %mul3A_710, %add3A_712 : vector<16xi32>
      tpu.vector_store_idx %arg23[%add3A_713], %select_n3A_707 : memref<320xi32, #tpu.memory_space<vmem>>[vector<16xi32>], vector<16xi32>,
      %mul3A_714 = arith.constant 20 : i32
      %mul3A_715 = vector.broadcast %mul3A_714 : i32 to vector<16xi32>
      %mul3A_716 = arith.muli %select_n3A_699, %mul3A_715 : vector<16xi32>
      %add3A_717 = arith.constant 3 : i32
      %add3A_718 = vector.broadcast %add3A_717 : i32 to vector<16xi32>
      %add3A_719 = arith.addi %mul3A_716, %add3A_718 : vector<16xi32>
      %gather3A_720 = tpu.vector_load_idx %arg21[%add3A_719] : memref<320xf32, #tpu.memory_space<vmem>>[vector<16xi32>], vector<16xf32>,
      %select_n3A_721 = arith.select %eq3A_698, %gather3A_594, %gather3A_720 : vector<16xi1>, vector<16xf32>
      %mul3A_722 = arith.constant 20 : i32
      %mul3A_723 = vector.broadcast %mul3A_722 : i32 to vector<16xi32>
      %mul3A_724 = arith.muli %iota3A, %mul3A_723 : vector<16xi32>
      %add3A_725 = arith.constant 3 : i32
      %add3A_726 = vector.broadcast %add3A_725 : i32 to vector<16xi32>
      %add3A_727 = arith.addi %mul3A_724, %add3A_726 : vector<16xi32>
      tpu.vector_store_idx %arg24[%add3A_727], %select_n3A_721 : memref<320xf32, #tpu.memory_space<vmem>>[vector<16xi32>], vector<16xf32>,
      %broadcast_in_dim3A_728 = arith.constant 4 : i32
      %broadcast_in_dim3A_729 = vector.broadcast %broadcast_in_dim3A_728 : i32 to vector<16xi32>
      %lt3A_730 = arith.cmpi slt, %broadcast_in_dim3A_729, %get3A_78 : vector<16xi32>
      %eq3A_731 = arith.cmpi eq, %broadcast_in_dim3A_729, %get3A_78 : vector<16xi32>
      %select_n3A_732 = arith.select %lt3A_730, %and3A_582, %iota3A : vector<16xi1>, vector<16xi32>
      %mul3A_733 = arith.constant 20 : i32
      %mul3A_734 = vector.broadcast %mul3A_733 : i32 to vector<16xi32>
      %mul3A_735 = arith.muli %select_n3A_732, %mul3A_734 : vector<16xi32>
      %add3A_736 = arith.constant 4 : i32
      %add3A_737 = vector.broadcast %add3A_736 : i32 to vector<16xi32>
      %add3A_738 = arith.addi %mul3A_735, %add3A_737 : vector<16xi32>
      %gather3A_739 = tpu.vector_load_idx %arg20[%add3A_738] : memref<320xi32, #tpu.memory_space<vmem>>[vector<16xi32>], vector<16xi32>,
      %select_n3A_740 = arith.select %eq3A_731, %gather3A_589, %gather3A_739 : vector<16xi1>, vector<16xi32>
      %mul3A_741 = arith.constant 20 : i32
      %mul3A_742 = vector.broadcast %mul3A_741 : i32 to vector<16xi32>
      %mul3A_743 = arith.muli %iota3A, %mul3A_742 : vector<16xi32>
      %add3A_744 = arith.constant 4 : i32
      %add3A_745 = vector.broadcast %add3A_744 : i32 to vector<16xi32>
      %add3A_746 = arith.addi %mul3A_743, %add3A_745 : vector<16xi32>
      tpu.vector_store_idx %arg23[%add3A_746], %select_n3A_740 : memref<320xi32, #tpu.memory_space<vmem>>[vector<16xi32>], vector<16xi32>,
      %mul3A_747 = arith.constant 20 : i32
      %mul3A_748 = vector.broadcast %mul3A_747 : i32 to vector<16xi32>
      %mul3A_749 = arith.muli %select_n3A_732, %mul3A_748 : vector<16xi32>
      %add3A_750 = arith.constant 4 : i32
      %add3A_751 = vector.broadcast %add3A_750 : i32 to vector<16xi32>
      %add3A_752 = arith.addi %mul3A_749, %add3A_751 : vector<16xi32>
      %gather3A_753 = tpu.vector_load_idx %arg21[%add3A_752] : memref<320xf32, #tpu.memory_space<vmem>>[vector<16xi32>], vector<16xf32>,
      %select_n3A_754 = arith.select %eq3A_731, %gather3A_594, %gather3A_753 : vector<16xi1>, vector<16xf32>
      %mul3A_755 = arith.constant 20 : i32
      %mul3A_756 = vector.broadcast %mul3A_755 : i32 to vector<16xi32>
      %mul3A_757 = arith.muli %iota3A, %mul3A_756 : vector<16xi32>
      %add3A_758 = arith.constant 4 : i32
      %add3A_759 = vector.broadcast %add3A_758 : i32 to vector<16xi32>
      %add3A_760 = arith.addi %mul3A_757, %add3A_759 : vector<16xi32>
      tpu.vector_store_idx %arg24[%add3A_760], %select_n3A_754 : memref<320xf32, #tpu.memory_space<vmem>>[vector<16xi32>], vector<16xf32>,
      %broadcast_in_dim3A_761 = arith.constant 5 : i32
      %broadcast_in_dim3A_762 = vector.broadcast %broadcast_in_dim3A_761 : i32 to vector<16xi32>
      %lt3A_763 = arith.cmpi slt, %broadcast_in_dim3A_762, %get3A_78 : vector<16xi32>
      %eq3A_764 = arith.cmpi eq, %broadcast_in_dim3A_762, %get3A_78 : vector<16xi32>
      %select_n3A_765 = arith.select %lt3A_763, %and3A_582, %iota3A : vector<16xi1>, vector<16xi32>
      %mul3A_766 = arith.constant 20 : i32
      %mul3A_767 = vector.broadcast %mul3A_766 : i32 to vector<16xi32>
      %mul3A_768 = arith.muli %select_n3A_765, %mul3A_767 : vector<16xi32>
      %add3A_769 = arith.constant 5 : i32
      %add3A_770 = vector.broadcast %add3A_769 : i32 to vector<16xi32>
      %add3A_771 = arith.addi %mul3A_768, %add3A_770 : vector<16xi32>
      %gather3A_772 = tpu.vector_load_idx %arg20[%add3A_771] : memref<320xi32, #tpu.memory_space<vmem>>[vector<16xi32>], vector<16xi32>,
      %select_n3A_773 = arith.select %eq3A_764, %gather3A_589, %gather3A_772 : vector<16xi1>, vector<16xi32>
      %mul3A_774 = arith.constant 20 : i32
      %mul3A_775 = vector.broadcast %mul3A_774 : i32 to vector<16xi32>
      %mul3A_776 = arith.muli %iota3A, %mul3A_775 : vector<16xi32>
      %add3A_777 = arith.constant 5 : i32
      %add3A_778 = vector.broadcast %add3A_777 : i32 to vector<16xi32>
      %add3A_779 = arith.addi %mul3A_776, %add3A_778 : vector<16xi32>
      tpu.vector_store_idx %arg23[%add3A_779], %select_n3A_773 : memref<320xi32, #tpu.memory_space<vmem>>[vector<16xi32>], vector<16xi32>,
      %mul3A_780 = arith.constant 20 : i32
      %mul3A_781 = vector.broadcast %mul3A_780 : i32 to vector<16xi32>
      %mul3A_782 = arith.muli %select_n3A_765, %mul3A_781 : vector<16xi32>
      %add3A_783 = arith.constant 5 : i32
      %add3A_784 = vector.broadcast %add3A_783 : i32 to vector<16xi32>
      %add3A_785 = arith.addi %mul3A_782, %add3A_784 : vector<16xi32>
      %gather3A_786 = tpu.vector_load_idx %arg21[%add3A_785] : memref<320xf32, #tpu.memory_space<vmem>>[vector<16xi32>], vector<16xf32>,
      %select_n3A_787 = arith.select %eq3A_764, %gather3A_594, %gather3A_786 : vector<16xi1>, vector<16xf32>
      %mul3A_788 = arith.constant 20 : i32
      %mul3A_789 = vector.broadcast %mul3A_788 : i32 to vector<16xi32>
      %mul3A_790 = arith.muli %iota3A, %mul3A_789 : vector<16xi32>
      %add3A_791 = arith.constant 5 : i32
      %add3A_792 = vector.broadcast %add3A_791 : i32 to vector<16xi32>
      %add3A_793 = arith.addi %mul3A_790, %add3A_792 : vector<16xi32>
      tpu.vector_store_idx %arg24[%add3A_793], %select_n3A_787 : memref<320xf32, #tpu.memory_space<vmem>>[vector<16xi32>], vector<16xf32>,
      %broadcast_in_dim3A_794 = arith.constant 6 : i32
      %broadcast_in_dim3A_795 = vector.broadcast %broadcast_in_dim3A_794 : i32 to vector<16xi32>
      %lt3A_796 = arith.cmpi slt, %broadcast_in_dim3A_795, %get3A_78 : vector<16xi32>
      %eq3A_797 = arith.cmpi eq, %broadcast_in_dim3A_795, %get3A_78 : vector<16xi32>
      %select_n3A_798 = arith.select %lt3A_796, %and3A_582, %iota3A : vector<16xi1>, vector<16xi32>
      %mul3A_799 = arith.constant 20 : i32
      %mul3A_800 = vector.broadcast %mul3A_799 : i32 to vector<16xi32>
      %mul3A_801 = arith.muli %select_n3A_798, %mul3A_800 : vector<16xi32>
      %add3A_802 = arith.constant 6 : i32
      %add3A_803 = vector.broadcast %add3A_802 : i32 to vector<16xi32>
      %add3A_804 = arith.addi %mul3A_801, %add3A_803 : vector<16xi32>
      %gather3A_805 = tpu.vector_load_idx %arg20[%add3A_804] : memref<320xi32, #tpu.memory_space<vmem>>[vector<16xi32>], vector<16xi32>,
      %select_n3A_806 = arith.select %eq3A_797, %gather3A_589, %gather3A_805 : vector<16xi1>, vector<16xi32>
      %mul3A_807 = arith.constant 20 : i32
      %mul3A_808 = vector.broadcast %mul3A_807 : i32 to vector<16xi32>
      %mul3A_809 = arith.muli %iota3A, %mul3A_808 : vector<16xi32>
      %add3A_810 = arith.constant 6 : i32
      %add3A_811 = vector.broadcast %add3A_810 : i32 to vector<16xi32>
      %add3A_812 = arith.addi %mul3A_809, %add3A_811 : vector<16xi32>
      tpu.vector_store_idx %arg23[%add3A_812], %select_n3A_806 : memref<320xi32, #tpu.memory_space<vmem>>[vector<16xi32>], vector<16xi32>,
      %mul3A_813 = arith.constant 20 : i32
      %mul3A_814 = vector.broadcast %mul3A_813 : i32 to vector<16xi32>
      %mul3A_815 = arith.muli %select_n3A_798, %mul3A_814 : vector<16xi32>
      %add3A_816 = arith.constant 6 : i32
      %add3A_817 = vector.broadcast %add3A_816 : i32 to vector<16xi32>
      %add3A_818 = arith.addi %mul3A_815, %add3A_817 : vector<16xi32>
      %gather3A_819 = tpu.vector_load_idx %arg21[%add3A_818] : memref<320xf32, #tpu.memory_space<vmem>>[vector<16xi32>], vector<16xf32>,
      %select_n3A_820 = arith.select %eq3A_797, %gather3A_594, %gather3A_819 : vector<16xi1>, vector<16xf32>
      %mul3A_821 = arith.constant 20 : i32
      %mul3A_822 = vector.broadcast %mul3A_821 : i32 to vector<16xi32>
      %mul3A_823 = arith.muli %iota3A, %mul3A_822 : vector<16xi32>
      %add3A_824 = arith.constant 6 : i32
      %add3A_825 = vector.broadcast %add3A_824 : i32 to vector<16xi32>
      %add3A_826 = arith.addi %mul3A_823, %add3A_825 : vector<16xi32>
      tpu.vector_store_idx %arg24[%add3A_826], %select_n3A_820 : memref<320xf32, #tpu.memory_space<vmem>>[vector<16xi32>], vector<16xf32>,
      %broadcast_in_dim3A_827 = arith.constant 7 : i32
      %broadcast_in_dim3A_828 = vector.broadcast %broadcast_in_dim3A_827 : i32 to vector<16xi32>
      %lt3A_829 = arith.cmpi slt, %broadcast_in_dim3A_828, %get3A_78 : vector<16xi32>
      %eq3A_830 = arith.cmpi eq, %broadcast_in_dim3A_828, %get3A_78 : vector<16xi32>
      %select_n3A_831 = arith.select %lt3A_829, %and3A_582, %iota3A : vector<16xi1>, vector<16xi32>
      %mul3A_832 = arith.constant 20 : i32
      %mul3A_833 = vector.broadcast %mul3A_832 : i32 to vector<16xi32>
      %mul3A_834 = arith.muli %select_n3A_831, %mul3A_833 : vector<16xi32>
      %add3A_835 = arith.constant 7 : i32
      %add3A_836 = vector.broadcast %add3A_835 : i32 to vector<16xi32>
      %add3A_837 = arith.addi %mul3A_834, %add3A_836 : vector<16xi32>
      %gather3A_838 = tpu.vector_load_idx %arg20[%add3A_837] : memref<320xi32, #tpu.memory_space<vmem>>[vector<16xi32>], vector<16xi32>,
      %select_n3A_839 = arith.select %eq3A_830, %gather3A_589, %gather3A_838 : vector<16xi1>, vector<16xi32>
      %mul3A_840 = arith.constant 20 : i32
      %mul3A_841 = vector.broadcast %mul3A_840 : i32 to vector<16xi32>
      %mul3A_842 = arith.muli %iota3A, %mul3A_841 : vector<16xi32>
      %add3A_843 = arith.constant 7 : i32
      %add3A_844 = vector.broadcast %add3A_843 : i32 to vector<16xi32>
      %add3A_845 = arith.addi %mul3A_842, %add3A_844 : vector<16xi32>
      tpu.vector_store_idx %arg23[%add3A_845], %select_n3A_839 : memref<320xi32, #tpu.memory_space<vmem>>[vector<16xi32>], vector<16xi32>,
      %mul3A_846 = arith.constant 20 : i32
      %mul3A_847 = vector.broadcast %mul3A_846 : i32 to vector<16xi32>
      %mul3A_848 = arith.muli %select_n3A_831, %mul3A_847 : vector<16xi32>
      %add3A_849 = arith.constant 7 : i32
      %add3A_850 = vector.broadcast %add3A_849 : i32 to vector<16xi32>
      %add3A_851 = arith.addi %mul3A_848, %add3A_850 : vector<16xi32>
      %gather3A_852 = tpu.vector_load_idx %arg21[%add3A_851] : memref<320xf32, #tpu.memory_space<vmem>>[vector<16xi32>], vector<16xf32>,
      %select_n3A_853 = arith.select %eq3A_830, %gather3A_594, %gather3A_852 : vector<16xi1>, vector<16xf32>
      %mul3A_854 = arith.constant 20 : i32
      %mul3A_855 = vector.broadcast %mul3A_854 : i32 to vector<16xi32>
      %mul3A_856 = arith.muli %iota3A, %mul3A_855 : vector<16xi32>
      %add3A_857 = arith.constant 7 : i32
      %add3A_858 = vector.broadcast %add3A_857 : i32 to vector<16xi32>
      %add3A_859 = arith.addi %mul3A_856, %add3A_858 : vector<16xi32>
      tpu.vector_store_idx %arg24[%add3A_859], %select_n3A_853 : memref<320xf32, #tpu.memory_space<vmem>>[vector<16xi32>], vector<16xf32>,
      %broadcast_in_dim3A_860 = arith.constant 8 : i32
      %broadcast_in_dim3A_861 = vector.broadcast %broadcast_in_dim3A_860 : i32 to vector<16xi32>
      %lt3A_862 = arith.cmpi slt, %broadcast_in_dim3A_861, %get3A_78 : vector<16xi32>
      %eq3A_863 = arith.cmpi eq, %broadcast_in_dim3A_861, %get3A_78 : vector<16xi32>
      %select_n3A_864 = arith.select %lt3A_862, %and3A_582, %iota3A : vector<16xi1>, vector<16xi32>
      %mul3A_865 = arith.constant 20 : i32
      %mul3A_866 = vector.broadcast %mul3A_865 : i32 to vector<16xi32>
      %mul3A_867 = arith.muli %select_n3A_864, %mul3A_866 : vector<16xi32>
      %add3A_868 = arith.constant 8 : i32
      %add3A_869 = vector.broadcast %add3A_868 : i32 to vector<16xi32>
      %add3A_870 = arith.addi %mul3A_867, %add3A_869 : vector<16xi32>
      %gather3A_871 = tpu.vector_load_idx %arg20[%add3A_870] : memref<320xi32, #tpu.memory_space<vmem>>[vector<16xi32>], vector<16xi32>,
      %select_n3A_872 = arith.select %eq3A_863, %gather3A_589, %gather3A_871 : vector<16xi1>, vector<16xi32>
      %mul3A_873 = arith.constant 20 : i32
      %mul3A_874 = vector.broadcast %mul3A_873 : i32 to vector<16xi32>
      %mul3A_875 = arith.muli %iota3A, %mul3A_874 : vector<16xi32>
      %add3A_876 = arith.constant 8 : i32
      %add3A_877 = vector.broadcast %add3A_876 : i32 to vector<16xi32>
      %add3A_878 = arith.addi %mul3A_875, %add3A_877 : vector<16xi32>
      tpu.vector_store_idx %arg23[%add3A_878], %select_n3A_872 : memref<320xi32, #tpu.memory_space<vmem>>[vector<16xi32>], vector<16xi32>,
      %mul3A_879 = arith.constant 20 : i32
      %mul3A_880 = vector.broadcast %mul3A_879 : i32 to vector<16xi32>
      %mul3A_881 = arith.muli %select_n3A_864, %mul3A_880 : vector<16xi32>
      %add3A_882 = arith.constant 8 : i32
      %add3A_883 = vector.broadcast %add3A_882 : i32 to vector<16xi32>
      %add3A_884 = arith.addi %mul3A_881, %add3A_883 : vector<16xi32>
      %gather3A_885 = tpu.vector_load_idx %arg21[%add3A_884] : memref<320xf32, #tpu.memory_space<vmem>>[vector<16xi32>], vector<16xf32>,
      %select_n3A_886 = arith.select %eq3A_863, %gather3A_594, %gather3A_885 : vector<16xi1>, vector<16xf32>
      %mul3A_887 = arith.constant 20 : i32
      %mul3A_888 = vector.broadcast %mul3A_887 : i32 to vector<16xi32>
      %mul3A_889 = arith.muli %iota3A, %mul3A_888 : vector<16xi32>
      %add3A_890 = arith.constant 8 : i32
      %add3A_891 = vector.broadcast %add3A_890 : i32 to vector<16xi32>
      %add3A_892 = arith.addi %mul3A_889, %add3A_891 : vector<16xi32>
      tpu.vector_store_idx %arg24[%add3A_892], %select_n3A_886 : memref<320xf32, #tpu.memory_space<vmem>>[vector<16xi32>], vector<16xf32>,
      %broadcast_in_dim3A_893 = arith.constant 9 : i32
      %broadcast_in_dim3A_894 = vector.broadcast %broadcast_in_dim3A_893 : i32 to vector<16xi32>
      %lt3A_895 = arith.cmpi slt, %broadcast_in_dim3A_894, %get3A_78 : vector<16xi32>
      %eq3A_896 = arith.cmpi eq, %broadcast_in_dim3A_894, %get3A_78 : vector<16xi32>
      %select_n3A_897 = arith.select %lt3A_895, %and3A_582, %iota3A : vector<16xi1>, vector<16xi32>
      %mul3A_898 = arith.constant 20 : i32
      %mul3A_899 = vector.broadcast %mul3A_898 : i32 to vector<16xi32>
      %mul3A_900 = arith.muli %select_n3A_897, %mul3A_899 : vector<16xi32>
      %add3A_901 = arith.constant 9 : i32
      %add3A_902 = vector.broadcast %add3A_901 : i32 to vector<16xi32>
      %add3A_903 = arith.addi %mul3A_900, %add3A_902 : vector<16xi32>
      %gather3A_904 = tpu.vector_load_idx %arg20[%add3A_903] : memref<320xi32, #tpu.memory_space<vmem>>[vector<16xi32>], vector<16xi32>,
      %select_n3A_905 = arith.select %eq3A_896, %gather3A_589, %gather3A_904 : vector<16xi1>, vector<16xi32>
      %mul3A_906 = arith.constant 20 : i32
      %mul3A_907 = vector.broadcast %mul3A_906 : i32 to vector<16xi32>
      %mul3A_908 = arith.muli %iota3A, %mul3A_907 : vector<16xi32>
      %add3A_909 = arith.constant 9 : i32
      %add3A_910 = vector.broadcast %add3A_909 : i32 to vector<16xi32>
      %add3A_911 = arith.addi %mul3A_908, %add3A_910 : vector<16xi32>
      tpu.vector_store_idx %arg23[%add3A_911], %select_n3A_905 : memref<320xi32, #tpu.memory_space<vmem>>[vector<16xi32>], vector<16xi32>,
      %mul3A_912 = arith.constant 20 : i32
      %mul3A_913 = vector.broadcast %mul3A_912 : i32 to vector<16xi32>
      %mul3A_914 = arith.muli %select_n3A_897, %mul3A_913 : vector<16xi32>
      %add3A_915 = arith.constant 9 : i32
      %add3A_916 = vector.broadcast %add3A_915 : i32 to vector<16xi32>
      %add3A_917 = arith.addi %mul3A_914, %add3A_916 : vector<16xi32>
      %gather3A_918 = tpu.vector_load_idx %arg21[%add3A_917] : memref<320xf32, #tpu.memory_space<vmem>>[vector<16xi32>], vector<16xf32>,
      %select_n3A_919 = arith.select %eq3A_896, %gather3A_594, %gather3A_918 : vector<16xi1>, vector<16xf32>
      %mul3A_920 = arith.constant 20 : i32
      %mul3A_921 = vector.broadcast %mul3A_920 : i32 to vector<16xi32>
      %mul3A_922 = arith.muli %iota3A, %mul3A_921 : vector<16xi32>
      %add3A_923 = arith.constant 9 : i32
      %add3A_924 = vector.broadcast %add3A_923 : i32 to vector<16xi32>
      %add3A_925 = arith.addi %mul3A_922, %add3A_924 : vector<16xi32>
      tpu.vector_store_idx %arg24[%add3A_925], %select_n3A_919 : memref<320xf32, #tpu.memory_space<vmem>>[vector<16xi32>], vector<16xf32>,
      %broadcast_in_dim3A_926 = arith.constant 10 : i32
      %broadcast_in_dim3A_927 = vector.broadcast %broadcast_in_dim3A_926 : i32 to vector<16xi32>
      %lt3A_928 = arith.cmpi slt, %broadcast_in_dim3A_927, %get3A_78 : vector<16xi32>
      %eq3A_929 = arith.cmpi eq, %broadcast_in_dim3A_927, %get3A_78 : vector<16xi32>
      %select_n3A_930 = arith.select %lt3A_928, %and3A_582, %iota3A : vector<16xi1>, vector<16xi32>
      %mul3A_931 = arith.constant 20 : i32
      %mul3A_932 = vector.broadcast %mul3A_931 : i32 to vector<16xi32>
      %mul3A_933 = arith.muli %select_n3A_930, %mul3A_932 : vector<16xi32>
      %add3A_934 = arith.constant 10 : i32
      %add3A_935 = vector.broadcast %add3A_934 : i32 to vector<16xi32>
      %add3A_936 = arith.addi %mul3A_933, %add3A_935 : vector<16xi32>
      %gather3A_937 = tpu.vector_load_idx %arg20[%add3A_936] : memref<320xi32, #tpu.memory_space<vmem>>[vector<16xi32>], vector<16xi32>,
      %select_n3A_938 = arith.select %eq3A_929, %gather3A_589, %gather3A_937 : vector<16xi1>, vector<16xi32>
      %mul3A_939 = arith.constant 20 : i32
      %mul3A_940 = vector.broadcast %mul3A_939 : i32 to vector<16xi32>
      %mul3A_941 = arith.muli %iota3A, %mul3A_940 : vector<16xi32>
      %add3A_942 = arith.constant 10 : i32
      %add3A_943 = vector.broadcast %add3A_942 : i32 to vector<16xi32>
      %add3A_944 = arith.addi %mul3A_941, %add3A_943 : vector<16xi32>
      tpu.vector_store_idx %arg23[%add3A_944], %select_n3A_938 : memref<320xi32, #tpu.memory_space<vmem>>[vector<16xi32>], vector<16xi32>,
      %mul3A_945 = arith.constant 20 : i32
      %mul3A_946 = vector.broadcast %mul3A_945 : i32 to vector<16xi32>
      %mul3A_947 = arith.muli %select_n3A_930, %mul3A_946 : vector<16xi32>
      %add3A_948 = arith.constant 10 : i32
      %add3A_949 = vector.broadcast %add3A_948 : i32 to vector<16xi32>
      %add3A_950 = arith.addi %mul3A_947, %add3A_949 : vector<16xi32>
      %gather3A_951 = tpu.vector_load_idx %arg21[%add3A_950] : memref<320xf32, #tpu.memory_space<vmem>>[vector<16xi32>], vector<16xf32>,
      %select_n3A_952 = arith.select %eq3A_929, %gather3A_594, %gather3A_951 : vector<16xi1>, vector<16xf32>
      %mul3A_953 = arith.constant 20 : i32
      %mul3A_954 = vector.broadcast %mul3A_953 : i32 to vector<16xi32>
      %mul3A_955 = arith.muli %iota3A, %mul3A_954 : vector<16xi32>
      %add3A_956 = arith.constant 10 : i32
      %add3A_957 = vector.broadcast %add3A_956 : i32 to vector<16xi32>
      %add3A_958 = arith.addi %mul3A_955, %add3A_957 : vector<16xi32>
      tpu.vector_store_idx %arg24[%add3A_958], %select_n3A_952 : memref<320xf32, #tpu.memory_space<vmem>>[vector<16xi32>], vector<16xf32>,
      %broadcast_in_dim3A_959 = arith.constant 11 : i32
      %broadcast_in_dim3A_960 = vector.broadcast %broadcast_in_dim3A_959 : i32 to vector<16xi32>
      %lt3A_961 = arith.cmpi slt, %broadcast_in_dim3A_960, %get3A_78 : vector<16xi32>
      %eq3A_962 = arith.cmpi eq, %broadcast_in_dim3A_960, %get3A_78 : vector<16xi32>
      %select_n3A_963 = arith.select %lt3A_961, %and3A_582, %iota3A : vector<16xi1>, vector<16xi32>
      %mul3A_964 = arith.constant 20 : i32
      %mul3A_965 = vector.broadcast %mul3A_964 : i32 to vector<16xi32>
      %mul3A_966 = arith.muli %select_n3A_963, %mul3A_965 : vector<16xi32>
      %add3A_967 = arith.constant 11 : i32
      %add3A_968 = vector.broadcast %add3A_967 : i32 to vector<16xi32>
      %add3A_969 = arith.addi %mul3A_966, %add3A_968 : vector<16xi32>
      %gather3A_970 = tpu.vector_load_idx %arg20[%add3A_969] : memref<320xi32, #tpu.memory_space<vmem>>[vector<16xi32>], vector<16xi32>,
      %select_n3A_971 = arith.select %eq3A_962, %gather3A_589, %gather3A_970 : vector<16xi1>, vector<16xi32>
      %mul3A_972 = arith.constant 20 : i32
      %mul3A_973 = vector.broadcast %mul3A_972 : i32 to vector<16xi32>
      %mul3A_974 = arith.muli %iota3A, %mul3A_973 : vector<16xi32>
      %add3A_975 = arith.constant 11 : i32
      %add3A_976 = vector.broadcast %add3A_975 : i32 to vector<16xi32>
      %add3A_977 = arith.addi %mul3A_974, %add3A_976 : vector<16xi32>
      tpu.vector_store_idx %arg23[%add3A_977], %select_n3A_971 : memref<320xi32, #tpu.memory_space<vmem>>[vector<16xi32>], vector<16xi32>,
      %mul3A_978 = arith.constant 20 : i32
      %mul3A_979 = vector.broadcast %mul3A_978 : i32 to vector<16xi32>
      %mul3A_980 = arith.muli %select_n3A_963, %mul3A_979 : vector<16xi32>
      %add3A_981 = arith.constant 11 : i32
      %add3A_982 = vector.broadcast %add3A_981 : i32 to vector<16xi32>
      %add3A_983 = arith.addi %mul3A_980, %add3A_982 : vector<16xi32>
      %gather3A_984 = tpu.vector_load_idx %arg21[%add3A_983] : memref<320xf32, #tpu.memory_space<vmem>>[vector<16xi32>], vector<16xf32>,
      %select_n3A_985 = arith.select %eq3A_962, %gather3A_594, %gather3A_984 : vector<16xi1>, vector<16xf32>
      %mul3A_986 = arith.constant 20 : i32
      %mul3A_987 = vector.broadcast %mul3A_986 : i32 to vector<16xi32>
      %mul3A_988 = arith.muli %iota3A, %mul3A_987 : vector<16xi32>
      %add3A_989 = arith.constant 11 : i32
      %add3A_990 = vector.broadcast %add3A_989 : i32 to vector<16xi32>
      %add3A_991 = arith.addi %mul3A_988, %add3A_990 : vector<16xi32>
      tpu.vector_store_idx %arg24[%add3A_991], %select_n3A_985 : memref<320xf32, #tpu.memory_space<vmem>>[vector<16xi32>], vector<16xf32>,
      %broadcast_in_dim3A_992 = arith.constant 12 : i32
      %broadcast_in_dim3A_993 = vector.broadcast %broadcast_in_dim3A_992 : i32 to vector<16xi32>
      %lt3A_994 = arith.cmpi slt, %broadcast_in_dim3A_993, %get3A_78 : vector<16xi32>
      %eq3A_995 = arith.cmpi eq, %broadcast_in_dim3A_993, %get3A_78 : vector<16xi32>
      %select_n3A_996 = arith.select %lt3A_994, %and3A_582, %iota3A : vector<16xi1>, vector<16xi32>
      %mul3A_997 = arith.constant 20 : i32
      %mul3A_998 = vector.broadcast %mul3A_997 : i32 to vector<16xi32>
      %mul3A_999 = arith.muli %select_n3A_996, %mul3A_998 : vector<16xi32>
      %add3A_1000 = arith.constant 12 : i32
      %add3A_1001 = vector.broadcast %add3A_1000 : i32 to vector<16xi32>
      %add3A_1002 = arith.addi %mul3A_999, %add3A_1001 : vector<16xi32>
      %gather3A_1003 = tpu.vector_load_idx %arg20[%add3A_1002] : memref<320xi32, #tpu.memory_space<vmem>>[vector<16xi32>], vector<16xi32>,
      %select_n3A_1004 = arith.select %eq3A_995, %gather3A_589, %gather3A_1003 : vector<16xi1>, vector<16xi32>
      %mul3A_1005 = arith.constant 20 : i32
      %mul3A_1006 = vector.broadcast %mul3A_1005 : i32 to vector<16xi32>
      %mul3A_1007 = arith.muli %iota3A, %mul3A_1006 : vector<16xi32>
      %add3A_1008 = arith.constant 12 : i32
      %add3A_1009 = vector.broadcast %add3A_1008 : i32 to vector<16xi32>
      %add3A_1010 = arith.addi %mul3A_1007, %add3A_1009 : vector<16xi32>
      tpu.vector_store_idx %arg23[%add3A_1010], %select_n3A_1004 : memref<320xi32, #tpu.memory_space<vmem>>[vector<16xi32>], vector<16xi32>,
      %mul3A_1011 = arith.constant 20 : i32
      %mul3A_1012 = vector.broadcast %mul3A_1011 : i32 to vector<16xi32>
      %mul3A_1013 = arith.muli %select_n3A_996, %mul3A_1012 : vector<16xi32>
      %add3A_1014 = arith.constant 12 : i32
      %add3A_1015 = vector.broadcast %add3A_1014 : i32 to vector<16xi32>
      %add3A_1016 = arith.addi %mul3A_1013, %add3A_1015 : vector<16xi32>
      %gather3A_1017 = tpu.vector_load_idx %arg21[%add3A_1016] : memref<320xf32, #tpu.memory_space<vmem>>[vector<16xi32>], vector<16xf32>,
      %select_n3A_1018 = arith.select %eq3A_995, %gather3A_594, %gather3A_1017 : vector<16xi1>, vector<16xf32>
      %mul3A_1019 = arith.constant 20 : i32
      %mul3A_1020 = vector.broadcast %mul3A_1019 : i32 to vector<16xi32>
      %mul3A_1021 = arith.muli %iota3A, %mul3A_1020 : vector<16xi32>
      %add3A_1022 = arith.constant 12 : i32
      %add3A_1023 = vector.broadcast %add3A_1022 : i32 to vector<16xi32>
      %add3A_1024 = arith.addi %mul3A_1021, %add3A_1023 : vector<16xi32>
      tpu.vector_store_idx %arg24[%add3A_1024], %select_n3A_1018 : memref<320xf32, #tpu.memory_space<vmem>>[vector<16xi32>], vector<16xf32>,
      %broadcast_in_dim3A_1025 = arith.constant 13 : i32
      %broadcast_in_dim3A_1026 = vector.broadcast %broadcast_in_dim3A_1025 : i32 to vector<16xi32>
      %lt3A_1027 = arith.cmpi slt, %broadcast_in_dim3A_1026, %get3A_78 : vector<16xi32>
      %eq3A_1028 = arith.cmpi eq, %broadcast_in_dim3A_1026, %get3A_78 : vector<16xi32>
      %select_n3A_1029 = arith.select %lt3A_1027, %and3A_582, %iota3A : vector<16xi1>, vector<16xi32>
      %mul3A_1030 = arith.constant 20 : i32
      %mul3A_1031 = vector.broadcast %mul3A_1030 : i32 to vector<16xi32>
      %mul3A_1032 = arith.muli %select_n3A_1029, %mul3A_1031 : vector<16xi32>
      %add3A_1033 = arith.constant 13 : i32
      %add3A_1034 = vector.broadcast %add3A_1033 : i32 to vector<16xi32>
      %add3A_1035 = arith.addi %mul3A_1032, %add3A_1034 : vector<16xi32>
      %gather3A_1036 = tpu.vector_load_idx %arg20[%add3A_1035] : memref<320xi32, #tpu.memory_space<vmem>>[vector<16xi32>], vector<16xi32>,
      %select_n3A_1037 = arith.select %eq3A_1028, %gather3A_589, %gather3A_1036 : vector<16xi1>, vector<16xi32>
      %mul3A_1038 = arith.constant 20 : i32
      %mul3A_1039 = vector.broadcast %mul3A_1038 : i32 to vector<16xi32>
      %mul3A_1040 = arith.muli %iota3A, %mul3A_1039 : vector<16xi32>
      %add3A_1041 = arith.constant 13 : i32
      %add3A_1042 = vector.broadcast %add3A_1041 : i32 to vector<16xi32>
      %add3A_1043 = arith.addi %mul3A_1040, %add3A_1042 : vector<16xi32>
      tpu.vector_store_idx %arg23[%add3A_1043], %select_n3A_1037 : memref<320xi32, #tpu.memory_space<vmem>>[vector<16xi32>], vector<16xi32>,
      %mul3A_1044 = arith.constant 20 : i32
      %mul3A_1045 = vector.broadcast %mul3A_1044 : i32 to vector<16xi32>
      %mul3A_1046 = arith.muli %select_n3A_1029, %mul3A_1045 : vector<16xi32>
      %add3A_1047 = arith.constant 13 : i32
      %add3A_1048 = vector.broadcast %add3A_1047 : i32 to vector<16xi32>
      %add3A_1049 = arith.addi %mul3A_1046, %add3A_1048 : vector<16xi32>
      %gather3A_1050 = tpu.vector_load_idx %arg21[%add3A_1049] : memref<320xf32, #tpu.memory_space<vmem>>[vector<16xi32>], vector<16xf32>,
      %select_n3A_1051 = arith.select %eq3A_1028, %gather3A_594, %gather3A_1050 : vector<16xi1>, vector<16xf32>
      %mul3A_1052 = arith.constant 20 : i32
      %mul3A_1053 = vector.broadcast %mul3A_1052 : i32 to vector<16xi32>
      %mul3A_1054 = arith.muli %iota3A, %mul3A_1053 : vector<16xi32>
      %add3A_1055 = arith.constant 13 : i32
      %add3A_1056 = vector.broadcast %add3A_1055 : i32 to vector<16xi32>
      %add3A_1057 = arith.addi %mul3A_1054, %add3A_1056 : vector<16xi32>
      tpu.vector_store_idx %arg24[%add3A_1057], %select_n3A_1051 : memref<320xf32, #tpu.memory_space<vmem>>[vector<16xi32>], vector<16xf32>,
      %broadcast_in_dim3A_1058 = arith.constant 14 : i32
      %broadcast_in_dim3A_1059 = vector.broadcast %broadcast_in_dim3A_1058 : i32 to vector<16xi32>
      %lt3A_1060 = arith.cmpi slt, %broadcast_in_dim3A_1059, %get3A_78 : vector<16xi32>
      %eq3A_1061 = arith.cmpi eq, %broadcast_in_dim3A_1059, %get3A_78 : vector<16xi32>
      %select_n3A_1062 = arith.select %lt3A_1060, %and3A_582, %iota3A : vector<16xi1>, vector<16xi32>
      %mul3A_1063 = arith.constant 20 : i32
      %mul3A_1064 = vector.broadcast %mul3A_1063 : i32 to vector<16xi32>
      %mul3A_1065 = arith.muli %select_n3A_1062, %mul3A_1064 : vector<16xi32>
      %add3A_1066 = arith.constant 14 : i32
      %add3A_1067 = vector.broadcast %add3A_1066 : i32 to vector<16xi32>
      %add3A_1068 = arith.addi %mul3A_1065, %add3A_1067 : vector<16xi32>
      %gather3A_1069 = tpu.vector_load_idx %arg20[%add3A_1068] : memref<320xi32, #tpu.memory_space<vmem>>[vector<16xi32>], vector<16xi32>,
      %select_n3A_1070 = arith.select %eq3A_1061, %gather3A_589, %gather3A_1069 : vector<16xi1>, vector<16xi32>
      %mul3A_1071 = arith.constant 20 : i32
      %mul3A_1072 = vector.broadcast %mul3A_1071 : i32 to vector<16xi32>
      %mul3A_1073 = arith.muli %iota3A, %mul3A_1072 : vector<16xi32>
      %add3A_1074 = arith.constant 14 : i32
      %add3A_1075 = vector.broadcast %add3A_1074 : i32 to vector<16xi32>
      %add3A_1076 = arith.addi %mul3A_1073, %add3A_1075 : vector<16xi32>
      tpu.vector_store_idx %arg23[%add3A_1076], %select_n3A_1070 : memref<320xi32, #tpu.memory_space<vmem>>[vector<16xi32>], vector<16xi32>,
      %mul3A_1077 = arith.constant 20 : i32
      %mul3A_1078 = vector.broadcast %mul3A_1077 : i32 to vector<16xi32>
      %mul3A_1079 = arith.muli %select_n3A_1062, %mul3A_1078 : vector<16xi32>
      %add3A_1080 = arith.constant 14 : i32
      %add3A_1081 = vector.broadcast %add3A_1080 : i32 to vector<16xi32>
      %add3A_1082 = arith.addi %mul3A_1079, %add3A_1081 : vector<16xi32>
      %gather3A_1083 = tpu.vector_load_idx %arg21[%add3A_1082] : memref<320xf32, #tpu.memory_space<vmem>>[vector<16xi32>], vector<16xf32>,
      %select_n3A_1084 = arith.select %eq3A_1061, %gather3A_594, %gather3A_1083 : vector<16xi1>, vector<16xf32>
      %mul3A_1085 = arith.constant 20 : i32
      %mul3A_1086 = vector.broadcast %mul3A_1085 : i32 to vector<16xi32>
      %mul3A_1087 = arith.muli %iota3A, %mul3A_1086 : vector<16xi32>
      %add3A_1088 = arith.constant 14 : i32
      %add3A_1089 = vector.broadcast %add3A_1088 : i32 to vector<16xi32>
      %add3A_1090 = arith.addi %mul3A_1087, %add3A_1089 : vector<16xi32>
      tpu.vector_store_idx %arg24[%add3A_1090], %select_n3A_1084 : memref<320xf32, #tpu.memory_space<vmem>>[vector<16xi32>], vector<16xf32>,
      %broadcast_in_dim3A_1091 = arith.constant 15 : i32
      %broadcast_in_dim3A_1092 = vector.broadcast %broadcast_in_dim3A_1091 : i32 to vector<16xi32>
      %lt3A_1093 = arith.cmpi slt, %broadcast_in_dim3A_1092, %get3A_78 : vector<16xi32>
      %eq3A_1094 = arith.cmpi eq, %broadcast_in_dim3A_1092, %get3A_78 : vector<16xi32>
      %select_n3A_1095 = arith.select %lt3A_1093, %and3A_582, %iota3A : vector<16xi1>, vector<16xi32>
      %mul3A_1096 = arith.constant 20 : i32
      %mul3A_1097 = vector.broadcast %mul3A_1096 : i32 to vector<16xi32>
      %mul3A_1098 = arith.muli %select_n3A_1095, %mul3A_1097 : vector<16xi32>
      %add3A_1099 = arith.constant 15 : i32
      %add3A_1100 = vector.broadcast %add3A_1099 : i32 to vector<16xi32>
      %add3A_1101 = arith.addi %mul3A_1098, %add3A_1100 : vector<16xi32>
      %gather3A_1102 = tpu.vector_load_idx %arg20[%add3A_1101] : memref<320xi32, #tpu.memory_space<vmem>>[vector<16xi32>], vector<16xi32>,
      %select_n3A_1103 = arith.select %eq3A_1094, %gather3A_589, %gather3A_1102 : vector<16xi1>, vector<16xi32>
      %mul3A_1104 = arith.constant 20 : i32
      %mul3A_1105 = vector.broadcast %mul3A_1104 : i32 to vector<16xi32>
      %mul3A_1106 = arith.muli %iota3A, %mul3A_1105 : vector<16xi32>
      %add3A_1107 = arith.constant 15 : i32
      %add3A_1108 = vector.broadcast %add3A_1107 : i32 to vector<16xi32>
      %add3A_1109 = arith.addi %mul3A_1106, %add3A_1108 : vector<16xi32>
      tpu.vector_store_idx %arg23[%add3A_1109], %select_n3A_1103 : memref<320xi32, #tpu.memory_space<vmem>>[vector<16xi32>], vector<16xi32>,
      %mul3A_1110 = arith.constant 20 : i32
      %mul3A_1111 = vector.broadcast %mul3A_1110 : i32 to vector<16xi32>
      %mul3A_1112 = arith.muli %select_n3A_1095, %mul3A_1111 : vector<16xi32>
      %add3A_1113 = arith.constant 15 : i32
      %add3A_1114 = vector.broadcast %add3A_1113 : i32 to vector<16xi32>
      %add3A_1115 = arith.addi %mul3A_1112, %add3A_1114 : vector<16xi32>
      %gather3A_1116 = tpu.vector_load_idx %arg21[%add3A_1115] : memref<320xf32, #tpu.memory_space<vmem>>[vector<16xi32>], vector<16xf32>,
      %select_n3A_1117 = arith.select %eq3A_1094, %gather3A_594, %gather3A_1116 : vector<16xi1>, vector<16xf32>
      %mul3A_1118 = arith.constant 20 : i32
      %mul3A_1119 = vector.broadcast %mul3A_1118 : i32 to vector<16xi32>
      %mul3A_1120 = arith.muli %iota3A, %mul3A_1119 : vector<16xi32>
      %add3A_1121 = arith.constant 15 : i32
      %add3A_1122 = vector.broadcast %add3A_1121 : i32 to vector<16xi32>
      %add3A_1123 = arith.addi %mul3A_1120, %add3A_1122 : vector<16xi32>
      tpu.vector_store_idx %arg24[%add3A_1123], %select_n3A_1117 : memref<320xf32, #tpu.memory_space<vmem>>[vector<16xi32>], vector<16xf32>,
      %broadcast_in_dim3A_1124 = arith.constant 16 : i32
      %broadcast_in_dim3A_1125 = vector.broadcast %broadcast_in_dim3A_1124 : i32 to vector<16xi32>
      %lt3A_1126 = arith.cmpi slt, %broadcast_in_dim3A_1125, %get3A_78 : vector<16xi32>
      %eq3A_1127 = arith.cmpi eq, %broadcast_in_dim3A_1125, %get3A_78 : vector<16xi32>
      %select_n3A_1128 = arith.select %lt3A_1126, %and3A_582, %iota3A : vector<16xi1>, vector<16xi32>
      %mul3A_1129 = arith.constant 20 : i32
      %mul3A_1130 = vector.broadcast %mul3A_1129 : i32 to vector<16xi32>
      %mul3A_1131 = arith.muli %select_n3A_1128, %mul3A_1130 : vector<16xi32>
      %add3A_1132 = arith.constant 16 : i32
      %add3A_1133 = vector.broadcast %add3A_1132 : i32 to vector<16xi32>
      %add3A_1134 = arith.addi %mul3A_1131, %add3A_1133 : vector<16xi32>
      %gather3A_1135 = tpu.vector_load_idx %arg20[%add3A_1134] : memref<320xi32, #tpu.memory_space<vmem>>[vector<16xi32>], vector<16xi32>,
      %select_n3A_1136 = arith.select %eq3A_1127, %gather3A_589, %gather3A_1135 : vector<16xi1>, vector<16xi32>
      %mul3A_1137 = arith.constant 20 : i32
      %mul3A_1138 = vector.broadcast %mul3A_1137 : i32 to vector<16xi32>
      %mul3A_1139 = arith.muli %iota3A, %mul3A_1138 : vector<16xi32>
      %add3A_1140 = arith.constant 16 : i32
      %add3A_1141 = vector.broadcast %add3A_1140 : i32 to vector<16xi32>
      %add3A_1142 = arith.addi %mul3A_1139, %add3A_1141 : vector<16xi32>
      tpu.vector_store_idx %arg23[%add3A_1142], %select_n3A_1136 : memref<320xi32, #tpu.memory_space<vmem>>[vector<16xi32>], vector<16xi32>,
      %mul3A_1143 = arith.constant 20 : i32
      %mul3A_1144 = vector.broadcast %mul3A_1143 : i32 to vector<16xi32>
      %mul3A_1145 = arith.muli %select_n3A_1128, %mul3A_1144 : vector<16xi32>
      %add3A_1146 = arith.constant 16 : i32
      %add3A_1147 = vector.broadcast %add3A_1146 : i32 to vector<16xi32>
      %add3A_1148 = arith.addi %mul3A_1145, %add3A_1147 : vector<16xi32>
      %gather3A_1149 = tpu.vector_load_idx %arg21[%add3A_1148] : memref<320xf32, #tpu.memory_space<vmem>>[vector<16xi32>], vector<16xf32>,
      %select_n3A_1150 = arith.select %eq3A_1127, %gather3A_594, %gather3A_1149 : vector<16xi1>, vector<16xf32>
      %mul3A_1151 = arith.constant 20 : i32
      %mul3A_1152 = vector.broadcast %mul3A_1151 : i32 to vector<16xi32>
      %mul3A_1153 = arith.muli %iota3A, %mul3A_1152 : vector<16xi32>
      %add3A_1154 = arith.constant 16 : i32
      %add3A_1155 = vector.broadcast %add3A_1154 : i32 to vector<16xi32>
      %add3A_1156 = arith.addi %mul3A_1153, %add3A_1155 : vector<16xi32>
      tpu.vector_store_idx %arg24[%add3A_1156], %select_n3A_1150 : memref<320xf32, #tpu.memory_space<vmem>>[vector<16xi32>], vector<16xf32>,
      %broadcast_in_dim3A_1157 = arith.constant 17 : i32
      %broadcast_in_dim3A_1158 = vector.broadcast %broadcast_in_dim3A_1157 : i32 to vector<16xi32>
      %lt3A_1159 = arith.cmpi slt, %broadcast_in_dim3A_1158, %get3A_78 : vector<16xi32>
      %eq3A_1160 = arith.cmpi eq, %broadcast_in_dim3A_1158, %get3A_78 : vector<16xi32>
      %select_n3A_1161 = arith.select %lt3A_1159, %and3A_582, %iota3A : vector<16xi1>, vector<16xi32>
      %mul3A_1162 = arith.constant 20 : i32
      %mul3A_1163 = vector.broadcast %mul3A_1162 : i32 to vector<16xi32>
      %mul3A_1164 = arith.muli %select_n3A_1161, %mul3A_1163 : vector<16xi32>
      %add3A_1165 = arith.constant 17 : i32
      %add3A_1166 = vector.broadcast %add3A_1165 : i32 to vector<16xi32>
      %add3A_1167 = arith.addi %mul3A_1164, %add3A_1166 : vector<16xi32>
      %gather3A_1168 = tpu.vector_load_idx %arg20[%add3A_1167] : memref<320xi32, #tpu.memory_space<vmem>>[vector<16xi32>], vector<16xi32>,
      %select_n3A_1169 = arith.select %eq3A_1160, %gather3A_589, %gather3A_1168 : vector<16xi1>, vector<16xi32>
      %mul3A_1170 = arith.constant 20 : i32
      %mul3A_1171 = vector.broadcast %mul3A_1170 : i32 to vector<16xi32>
      %mul3A_1172 = arith.muli %iota3A, %mul3A_1171 : vector<16xi32>
      %add3A_1173 = arith.constant 17 : i32
      %add3A_1174 = vector.broadcast %add3A_1173 : i32 to vector<16xi32>
      %add3A_1175 = arith.addi %mul3A_1172, %add3A_1174 : vector<16xi32>
      tpu.vector_store_idx %arg23[%add3A_1175], %select_n3A_1169 : memref<320xi32, #tpu.memory_space<vmem>>[vector<16xi32>], vector<16xi32>,
      %mul3A_1176 = arith.constant 20 : i32
      %mul3A_1177 = vector.broadcast %mul3A_1176 : i32 to vector<16xi32>
      %mul3A_1178 = arith.muli %select_n3A_1161, %mul3A_1177 : vector<16xi32>
      %add3A_1179 = arith.constant 17 : i32
      %add3A_1180 = vector.broadcast %add3A_1179 : i32 to vector<16xi32>
      %add3A_1181 = arith.addi %mul3A_1178, %add3A_1180 : vector<16xi32>
      %gather3A_1182 = tpu.vector_load_idx %arg21[%add3A_1181] : memref<320xf32, #tpu.memory_space<vmem>>[vector<16xi32>], vector<16xf32>,
      %select_n3A_1183 = arith.select %eq3A_1160, %gather3A_594, %gather3A_1182 : vector<16xi1>, vector<16xf32>
      %mul3A_1184 = arith.constant 20 : i32
      %mul3A_1185 = vector.broadcast %mul3A_1184 : i32 to vector<16xi32>
      %mul3A_1186 = arith.muli %iota3A, %mul3A_1185 : vector<16xi32>
      %add3A_1187 = arith.constant 17 : i32
      %add3A_1188 = vector.broadcast %add3A_1187 : i32 to vector<16xi32>
      %add3A_1189 = arith.addi %mul3A_1186, %add3A_1188 : vector<16xi32>
      tpu.vector_store_idx %arg24[%add3A_1189], %select_n3A_1183 : memref<320xf32, #tpu.memory_space<vmem>>[vector<16xi32>], vector<16xf32>,
      %broadcast_in_dim3A_1190 = arith.constant 18 : i32
      %broadcast_in_dim3A_1191 = vector.broadcast %broadcast_in_dim3A_1190 : i32 to vector<16xi32>
      %lt3A_1192 = arith.cmpi slt, %broadcast_in_dim3A_1191, %get3A_78 : vector<16xi32>
      %eq3A_1193 = arith.cmpi eq, %broadcast_in_dim3A_1191, %get3A_78 : vector<16xi32>
      %select_n3A_1194 = arith.select %lt3A_1192, %and3A_582, %iota3A : vector<16xi1>, vector<16xi32>
      %mul3A_1195 = arith.constant 20 : i32
      %mul3A_1196 = vector.broadcast %mul3A_1195 : i32 to vector<16xi32>
      %mul3A_1197 = arith.muli %select_n3A_1194, %mul3A_1196 : vector<16xi32>
      %add3A_1198 = arith.constant 18 : i32
      %add3A_1199 = vector.broadcast %add3A_1198 : i32 to vector<16xi32>
      %add3A_1200 = arith.addi %mul3A_1197, %add3A_1199 : vector<16xi32>
      %gather3A_1201 = tpu.vector_load_idx %arg20[%add3A_1200] : memref<320xi32, #tpu.memory_space<vmem>>[vector<16xi32>], vector<16xi32>,
      %select_n3A_1202 = arith.select %eq3A_1193, %gather3A_589, %gather3A_1201 : vector<16xi1>, vector<16xi32>
      %mul3A_1203 = arith.constant 20 : i32
      %mul3A_1204 = vector.broadcast %mul3A_1203 : i32 to vector<16xi32>
      %mul3A_1205 = arith.muli %iota3A, %mul3A_1204 : vector<16xi32>
      %add3A_1206 = arith.constant 18 : i32
      %add3A_1207 = vector.broadcast %add3A_1206 : i32 to vector<16xi32>
      %add3A_1208 = arith.addi %mul3A_1205, %add3A_1207 : vector<16xi32>
      tpu.vector_store_idx %arg23[%add3A_1208], %select_n3A_1202 : memref<320xi32, #tpu.memory_space<vmem>>[vector<16xi32>], vector<16xi32>,
      %mul3A_1209 = arith.constant 20 : i32
      %mul3A_1210 = vector.broadcast %mul3A_1209 : i32 to vector<16xi32>
      %mul3A_1211 = arith.muli %select_n3A_1194, %mul3A_1210 : vector<16xi32>
      %add3A_1212 = arith.constant 18 : i32
      %add3A_1213 = vector.broadcast %add3A_1212 : i32 to vector<16xi32>
      %add3A_1214 = arith.addi %mul3A_1211, %add3A_1213 : vector<16xi32>
      %gather3A_1215 = tpu.vector_load_idx %arg21[%add3A_1214] : memref<320xf32, #tpu.memory_space<vmem>>[vector<16xi32>], vector<16xf32>,
      %select_n3A_1216 = arith.select %eq3A_1193, %gather3A_594, %gather3A_1215 : vector<16xi1>, vector<16xf32>
      %mul3A_1217 = arith.constant 20 : i32
      %mul3A_1218 = vector.broadcast %mul3A_1217 : i32 to vector<16xi32>
      %mul3A_1219 = arith.muli %iota3A, %mul3A_1218 : vector<16xi32>
      %add3A_1220 = arith.constant 18 : i32
      %add3A_1221 = vector.broadcast %add3A_1220 : i32 to vector<16xi32>
      %add3A_1222 = arith.addi %mul3A_1219, %add3A_1221 : vector<16xi32>
      tpu.vector_store_idx %arg24[%add3A_1222], %select_n3A_1216 : memref<320xf32, #tpu.memory_space<vmem>>[vector<16xi32>], vector<16xf32>,
      %broadcast_in_dim3A_1223 = arith.constant 19 : i32
      %broadcast_in_dim3A_1224 = vector.broadcast %broadcast_in_dim3A_1223 : i32 to vector<16xi32>
      %lt3A_1225 = arith.cmpi slt, %broadcast_in_dim3A_1224, %get3A_78 : vector<16xi32>
      %eq3A_1226 = arith.cmpi eq, %broadcast_in_dim3A_1224, %get3A_78 : vector<16xi32>
      %select_n3A_1227 = arith.select %lt3A_1225, %and3A_582, %iota3A : vector<16xi1>, vector<16xi32>
      %mul3A_1228 = arith.constant 20 : i32
      %mul3A_1229 = vector.broadcast %mul3A_1228 : i32 to vector<16xi32>
      %mul3A_1230 = arith.muli %select_n3A_1227, %mul3A_1229 : vector<16xi32>
      %add3A_1231 = arith.constant 19 : i32
      %add3A_1232 = vector.broadcast %add3A_1231 : i32 to vector<16xi32>
      %add3A_1233 = arith.addi %mul3A_1230, %add3A_1232 : vector<16xi32>
      %gather3A_1234 = tpu.vector_load_idx %arg20[%add3A_1233] : memref<320xi32, #tpu.memory_space<vmem>>[vector<16xi32>], vector<16xi32>,
      %select_n3A_1235 = arith.select %eq3A_1226, %gather3A_589, %gather3A_1234 : vector<16xi1>, vector<16xi32>
      %mul3A_1236 = arith.constant 20 : i32
      %mul3A_1237 = vector.broadcast %mul3A_1236 : i32 to vector<16xi32>
      %mul3A_1238 = arith.muli %iota3A, %mul3A_1237 : vector<16xi32>
      %add3A_1239 = arith.constant 19 : i32
      %add3A_1240 = vector.broadcast %add3A_1239 : i32 to vector<16xi32>
      %add3A_1241 = arith.addi %mul3A_1238, %add3A_1240 : vector<16xi32>
      tpu.vector_store_idx %arg23[%add3A_1241], %select_n3A_1235 : memref<320xi32, #tpu.memory_space<vmem>>[vector<16xi32>], vector<16xi32>,
      %mul3A_1242 = arith.constant 20 : i32
      %mul3A_1243 = vector.broadcast %mul3A_1242 : i32 to vector<16xi32>
      %mul3A_1244 = arith.muli %select_n3A_1227, %mul3A_1243 : vector<16xi32>
      %add3A_1245 = arith.constant 19 : i32
      %add3A_1246 = vector.broadcast %add3A_1245 : i32 to vector<16xi32>
      %add3A_1247 = arith.addi %mul3A_1244, %add3A_1246 : vector<16xi32>
      %gather3A_1248 = tpu.vector_load_idx %arg21[%add3A_1247] : memref<320xf32, #tpu.memory_space<vmem>>[vector<16xi32>], vector<16xf32>,
      %select_n3A_1249 = arith.select %eq3A_1226, %gather3A_594, %gather3A_1248 : vector<16xi1>, vector<16xf32>
      %mul3A_1250 = arith.constant 20 : i32
      %mul3A_1251 = vector.broadcast %mul3A_1250 : i32 to vector<16xi32>
      %mul3A_1252 = arith.muli %iota3A, %mul3A_1251 : vector<16xi32>
      %add3A_1253 = arith.constant 19 : i32
      %add3A_1254 = vector.broadcast %add3A_1253 : i32 to vector<16xi32>
      %add3A_1255 = arith.addi %mul3A_1252, %add3A_1254 : vector<16xi32>
      tpu.vector_store_idx %arg24[%add3A_1255], %select_n3A_1249 : memref<320xf32, #tpu.memory_space<vmem>>[vector<16xi32>], vector<16xf32>,
      tpu.enqueue_dma source(%arg23 : memref<320xi32, #tpu.memory_space<vmem>>) target(%arg8 : memref<320xi32, #tpu.memory_space<hbm>>) target_semaphore(%arg28 : memref<!tpu.dma_semaphore, #tpu.memory_space<semaphore_mem>>)
      tpu.enqueue_dma source(%arg24 : memref<320xf32, #tpu.memory_space<vmem>>) target(%arg9 : memref<320xf32, #tpu.memory_space<hbm>>) target_semaphore(%arg28 : memref<!tpu.dma_semaphore, #tpu.memory_space<semaphore_mem>>)
      %swap3A_1256 = arith.constant 0 : index
      %swap3A_1257 = tpu.vector_load %arg25[%swap3A_1256] {strides = array<i32>} : memref<32xi32, #tpu.memory_space<vmem>>, vector<16xi32>,
      tpu.vector_store %arg25[%swap3A_1256], %and3A_582 {strides = array<i32>} : memref<32xi32, #tpu.memory_space<vmem>>, vector<16xi32>,
      %add3A_1258 = arith.constant 16 : i32
      %add3A_1259 = vector.broadcast %add3A_1258 : i32 to vector<16xi32>
      %add3A_1260 = arith.addi %and3A_582, %add3A_1259 : vector<16xi32>
      %swap3A_1261 = arith.constant 16 : index
      %swap3A_1262 = tpu.vector_load %arg25[%swap3A_1261] {strides = array<i32>} : memref<32xi32, #tpu.memory_space<vmem>>, vector<16xi32>,
      tpu.vector_store %arg25[%swap3A_1261], %add3A_1260 {strides = array<i32>} : memref<32xi32, #tpu.memory_space<vmem>>, vector<16xi32>,
      %dma_start3A_1263 = arith.constant 0 : i32
      %dma_start3A_1264 = arith.constant 0 : i32
      %dma_start3A_1265 = tpu.memref_slice %arg6[%dma_start3A_1263, %dma_start3A_1264] : memref<32x512xf32, #tpu.memory_space<hbm>> -> memref<32x512xf32, #tpu.memory_space<hbm>>
      tpu.enqueue_indirect_dma source(%dma_start3A_1265 : memref<32x512xf32, #tpu.memory_space<hbm>>) target(%arg26 : memref<32x512xf32, #tpu.memory_space<vmem>>) offsets(%arg25 : memref<32xi32, #tpu.memory_space<vmem>>) semaphore(%arg27 : memref<!tpu.dma_semaphore, #tpu.memory_space<semaphore_mem>>)
      %dma_wait3A_1266 = arith.constant 0 : i32
      %dma_wait3A_1267 = arith.constant 0 : i32
      %dma_wait3A_1268 = tpu.memref_slice %arg6[%dma_wait3A_1266, %dma_wait3A_1267] : memref<32x512xf32, #tpu.memory_space<hbm>> -> memref<32x512xf32, #tpu.memory_space<hbm>>
      tpu.wait_indirect_dma semaphore(%arg27 : memref<!tpu.dma_semaphore, #tpu.memory_space<semaphore_mem>>) src(%dma_wait3A_1268 : memref<32x512xf32, #tpu.memory_space<hbm>>) dst(%arg26 : memref<32x512xf32, #tpu.memory_space<vmem>>)
      "tpu.region"() ({
        %run_scoped3A = tpu.sem_alloc : memref<!tpu.dma_semaphore, #tpu.memory_space<semaphore_mem>>
        tpu.enqueue_dma source(%arg26 : memref<32x512xf32, #tpu.memory_space<vmem>>) target(%arg11 : memref<32x512xf32, #tpu.memory_space<hbm>>) target_semaphore(%run_scoped3A : memref<!tpu.dma_semaphore, #tpu.memory_space<semaphore_mem>>)
        tpu.wait_dma2 semaphore(%run_scoped3A : memref<!tpu.dma_semaphore, #tpu.memory_space<semaphore_mem>>) src(%arg26 : memref<32x512xf32, #tpu.memory_space<vmem>>) dst(%arg11 : memref<32x512xf32, #tpu.memory_space<hbm>>)
        tpu.yield
      }) : () -> ()
      tpu.wait_dma2 semaphore(%arg28 : memref<!tpu.dma_semaphore, #tpu.memory_space<semaphore_mem>>) src(%arg13 : memref<16xf32, #tpu.memory_space<vmem>>) dst(%arg10 : memref<16xf32, #tpu.memory_space<hbm>>)
      tpu.wait_dma2 semaphore(%arg28 : memref<!tpu.dma_semaphore, #tpu.memory_space<semaphore_mem>>) src(%arg23 : memref<320xi32, #tpu.memory_space<vmem>>) dst(%arg8 : memref<320xi32, #tpu.memory_space<hbm>>)
      tpu.wait_dma2 semaphore(%arg28 : memref<!tpu.dma_semaphore, #tpu.memory_space<semaphore_mem>>) src(%arg24 : memref<320xf32, #tpu.memory_space<vmem>>) dst(%arg9 : memref<320xf32, #tpu.memory_space<hbm>>)
    } else {
    }
    return
  }
}

</mosaic_0001>

<sc_bundles>
// kernel: kernel.3.cloned.1.call-start
scs
__scs_entry_jumppad:
0x0: {  	(pc) =	sbr.rel $0x88, $3  }
0x1: {  	(tag) =	ssettag $0x0;
	lr =	simm.s32 $0x1  }
0x2: {  	[smem:$0x3F9B] =	sst lr;
	_ =	strace $0xD0000000  }
0x3: {  	_ = 	snop  }
0x4: {  	_ = 	snop  }
0x5: {  	_ = 	snop  }
0x6: {  	_ = 	snop  }
0x7: {  	_ = 	snop  }
__scs_overlays_trampoline_lowered:
0x8: {  	[smem:$0x3FAA] =	sst s0  }
0x9: {  	[smem:$0x3FAB] =	sst s1  }
0xa: {  	[smem:$0x3FAC] =	sst s2  }
0xb: {  	[smem:$0x3FAD] =	sst s3  }
0xc: {  	[smem:$0x3FAE] =	sst s4  }
0xd: {  	[smem:$0x3FAF] =	sst s5  }
0xe: {  	[smem:$0x3FB0] =	sst s6  }
0xf: {  	[smem:$0x3FB1] =	sst s7  }
0x10: {  	[smem:$0x3FB2] =	sst s8  }
0x11: {  	[smem:$0x3FB3] =	sst s9;
	s0 =	simm.s32 @!p0 $0x0  }
0x12: {  	s1 =	sld [smem:$0x3F99];
	s0 =	simm.s32 @p0 $0x1  }
0x13: {  	[smem:$0x3FB4] =	sst s0;
	s0 =	simm.s32 @!p1 $0x0  }
0x14: {  	s2 =	sld [smem:$0x3F98];
	s0 =	simm.s32 @p1 $0x1  }
0x15: {  	[smem:$0x3FB5] =	sst s0;
	s0 =	simm.s32 @!p2 $0x0  }
0x16: {  	s3 =	sld [smem:$0x3FDB];
	s0 =	simm.s32 @p2 $0x1  }
0x17: {  	s4 =	simm.s32 $0x1BF5;
	[smem:$0x3FB7] =	sst s0  }
0x18: {  	s0 =	sld [smem:$0x3F9A];
	_ =	swait.ge [sflag:s4], $0x0  }
0x19: {  	s7 =	sld [smem:$0x3F9B]  }
0x1a: {  	s8 =	sadd.s32 $0xFFFFE003, lr  }
0x1b: {  	s9 =	sadd.s32 $0xFFFFFEF7, lr;
	s5 =	simm.s32 $0xFFFFFFFF;
	p2 =	slt.u32 s8, $0xFFFFF086  }
0x1c: {  	p1 =	slt.u32 s9, $0xF7A;
	s5 =	simm.s32 @!p2 $0x0  }
0x1d: {  	s5 =	simm.s32 @p1 $0x1;
	p0 =	seq.s32 s7, s2  }
0x1e: {  	s7 =	smul.u32 @!p0 $0xF7A, s2;
	p2 =	seq.s32 @!p0 s5, $0x0  }
0x1f: {  	s9 =	smul.u32 $0xF7A, s1;
	s8 =	simm.s32 @!p0 $0x1BF5;
	p2 =	por !p2, p0  }
0x20: {  	[sflag:s8] =	ssyncset.s32 @!p0 $0xFFFFF086;
	s6 =	sadd.s32 @!p0 s3, s7;
	s7 =	simm.s32 @!p0 $0x108  }
0x21: {  	s3 =	sadd.s32 s3, s9;
	s6 =	sadd.s32 @!p0 $0x88, s6;
	s7 =	simm.s32 @p2 $0x1082  }
0x22: {  	[simem:s7], [sflag:s8] =	dma.local @!p0 [hbm:s6], $0xF7A  }
0x23: {  	s9 =	sor.u32 $0xD0000000, s2;
	s6 =	simm.s32 $0x108;
	_ =	swait.ge @!p0 [sflag:s8], $0x0  }
0x24: {  	s3 =	sadd.s32 $0x88, s3;
	s6 =	simm.s32 @!p1 $0x1082;
	[sflag:s4] =	ssyncset.s32 $0xFFFFF086  }
0x25: {  	[simem:s6], [sflag:s4] =	dma.local [hbm:s3], $0xF7A  }
0x26: {  	[smem:$0x3F9B] =	sst s1;
	(tag) =	ssettag s2;
	_ =	strace s9  }
0x27: {  	s1 =	sld [smem:$0x3FAB]  }
0x28: {  	s2 =	sld [smem:$0x3FAC]  }
0x29: {  	s4 =	sld [smem:$0x3FAE]  }
0x2a: {  	p0 =	seq.s32 s5, $0x0;
	s5 =	sld [smem:$0x3FAF]  }
0x2b: {  	s6 =	sld [smem:$0x3FB0]  }
0x2c: {  	s7 =	sld [smem:$0x3FB1]  }
0x2d: {  	s3 =	simm.s32 $0x108;
	s8 =	sld [smem:$0x3FB2]  }
0x2e: {  	s3 =	simm.s32 @!p0 $0x1082;
	s9 =	sld [smem:$0x3FB3]  }
0x2f: {  	lr =	sadd.s32 s0, s3;
	s0 =	sld [smem:$0x3FAA]  }
0x30: {  	s3 =	sld [smem:$0x3FAD]  }
0x31: {  	[smem:$0x3FB6] =	sst s10  }
0x32: {  	s10 =	sld [smem:$0x3FB4];
	_ =	sdelay $0x3  }
0x33: {  	p0 =	seq.s32 s10, $0x1;
	s10 =	sld [smem:$0x3FB6];
	_ =	sdelay $0x3  }
0x34: {  	[smem:$0x3FB6] =	sst s10  }
0x35: {  	s10 =	sld [smem:$0x3FB5];
	_ =	sdelay $0x3  }
0x36: {  	p1 =	seq.s32 s10, $0x1;
	s10 =	sld [smem:$0x3FB6];
	_ =	sdelay $0x3  }
0x37: {  	[smem:$0x3FB6] =	sst s10  }
0x38: {  	s10 =	sld [smem:$0x3FB7]  }
0x39: {  	_ = 	snop;
	(pc) =	sbr.ind lr, $3  }
0x3a: {  	_ = 	snop  }
0x3b: {  	_ = 	snop  }
0x3c: {  	p2 =	seq.s32 s10, $0x1;
	s10 =	sld [smem:$0x3FB6]  }
0x3d: {  	_ =	shalt  }
0x3e: {  	_ =	shalt  }
0x3f: {  	_ =	shalt  }
0x40: {  	_ =	shalt  }
0x41: {  	_ =	shalt  }
0x42: {  	_ =	shalt  }
0x43: {  	_ =	shalt  }
0x44: {  	_ =	shalt  }
0x45: {  	_ =	shalt  }
0x46: {  	_ =	shalt  }
0x47: {  	_ =	shalt  }
0x48: {  	_ =	shalt  }
0x49: {  	_ =	shalt  }
0x4a: {  	_ =	shalt  }
0x4b: {  	_ =	shalt  }
0x4c: {  	_ =	shalt  }
0x4d: {  	_ =	shalt  }
0x4e: {  	_ =	shalt  }
0x4f: {  	_ =	shalt  }
0x50: {  	_ =	shalt  }
0x51: {  	_ =	shalt  }
0x52: {  	_ =	shalt  }
0x53: {  	_ =	shalt  }
0x54: {  	_ =	shalt  }
0x55: {  	_ =	shalt  }
0x56: {  	_ =	shalt  }
0x57: {  	_ =	shalt  }
0x58: {  	_ =	shalt  }
0x59: {  	_ =	shalt  }
0x5a: {  	_ =	shalt  }
0x5b: {  	_ =	shalt  }
0x5c: {  	_ =	shalt  }
0x5d: {  	_ =	shalt  }
0x5e: {  	_ =	shalt  }
0x5f: {  	_ =	shalt  }
0x60: {  	_ =	shalt  }
0x61: {  	_ =	shalt  }
0x62: {  	_ =	shalt  }
0x63: {  	_ =	shalt  }
0x64: {  	_ =	shalt  }
0x65: {  	_ =	shalt  }
0x66: {  	_ =	shalt  }
0x67: {  	_ =	shalt  }
0x68: {  	_ =	shalt  }
0x69: {  	_ =	shalt  }
0x6a: {  	_ =	shalt  }
0x6b: {  	_ =	shalt  }
0x6c: {  	_ =	shalt  }
0x6d: {  	_ =	shalt  }
0x6e: {  	_ =	shalt  }
0x6f: {  	_ =	shalt  }
0x70: {  	_ =	shalt  }
0x71: {  	_ =	shalt  }
0x72: {  	_ =	shalt  }
0x73: {  	_ =	shalt  }
0x74: {  	_ =	shalt  }
0x75: {  	_ =	shalt  }
0x76: {  	_ =	shalt  }
0x77: {  	_ =	shalt  }
0x78: {  	_ =	shalt  }
0x79: {  	_ =	shalt  }
0x7a: {  	_ =	shalt  }
0x7b: {  	_ =	shalt  }
0x7c: {  	_ =	shalt  }
0x7d: {  	_ =	shalt  }
0x7e: {  	_ =	shalt  }
0x7f: {  	_ =	shalt  }
0x80: {  	_ =	shalt  }
0x81: {  	_ =	shalt  }
0x82: {  	_ =	shalt  }
0x83: {  	_ =	shalt  }
0x84: {  	_ =	shalt  }
0x85: {  	_ =	shalt  }
0x86: {  	_ =	shalt  }
0x87: {  	_ =	shalt  }
.Lfunc_end0:
.L_simem_size_0:
called_computation_lowered:
.L_overlay_start_0:
0x88: {  	s0 =	sld [smem:$0x3FD9]  }
0x89: {  	s1 =	sld [smem:$0x3FFE];
	_ =	sdelay $0x3  }
0x8a: {  	s0 =	sadd.s32 s1, s0  }
0x8b: {  	[smem:$0x3FC2] =	sst s0  }
0x8c: {  	_ = 	snop  }
0x8d: {  	s0 =	sld [smem:$0x3FD0]  }
0x8e: {  	s13 =	sld [smem:$0x3FC9]  }
0x8f: {  	s2 =	sld [smem:$0x3FC6]  }
0x90: {  	s4 =	simm.s32 $0xA;
	s5 =	simm.s32 $0x10;
	s3 =	sld [smem:$0x3FC5]  }
0x91: {  	[smem:s5], [sflag:s4] =	dma.local [hbm:s0], $0x1  }
0x92: {  	_ =	swait.eq [sflag:s4], $0x1  }
0x93: {  	s14 =	sld [smem:$0x10]  }
0x94: {  	s15 =	sld [smem:$0x11];
	[sflag:s4] =	ssyncset.done $0x0  }
0x95: {  	s6 =	sld [smem:$0x12];
	[sflag:s4] =	ssyncadd.s32 $0xFFFFFFFF  }
0x96: {  	s16 =	sld [smem:$0x13];
	(tm) =	ssettm $0x1  }
0x97: {  	s7 =	sld [smem:$0x3FFB];
	_ =	sdelay $0x3  }
0x98: {  	_ =	strace s7  }
0x99: {  	s7 =	sld [smem:$0x3FFC];
	_ =	sdelay $0x3  }
0x9a: {  	_ =	strace s7  }
0x9b: {  	s7 =	sld [smem:$0x3FFD];
	_ =	sdelay $0x3  }
0x9c: {  	_ =	strace s7  }
0x9d: {  	_ =	strace $0x8FFFFFFF  }
0x9e: {  	s17 =	sld [smem:$0x3FDB];
	_ =	sdelay $0x1  }
0x9f: {  	s8 =	simm.s32 $_scs_section_size  }
0xa0: {  	s9 =	simm.s32 $_size__tile_overlayer_lowered;
	s10 =	simm.s32 $_tile_overlayer_lowered  }
0xa1: {  	s20 =	simm.s32 $0x1BFF;
	s19 =	sshll.u32 s10, $0x1;
	s7 =	sadd.s32 s8, s17  }
0xa2: {  	s11 =	simm.s32 $0x0;
	s18 =	sshll.u32 s9, $0x1;
	s9 =	sadd.s32 s19, s7  }
0xa3: {  	[timem:s11], [sflag:s20] =	dma.local [hbm:s9], s18  }
0xa4: {  	_ =	swait.ge [sflag:s20], s18  }
0xa5: {  	s8 =	ssub.s32 $0x0, s18;
	[sflag:s20] =	ssyncset.done $0x0  }
0xa6: {  	[sflag:s20] =	ssyncadd.s32 s8;
	_ =	sdelay $0x1  }
0xa7: {  	s21 =	simm.s32 $0x1B8B  }
0xa8: {  	_ =	swait.ge [sflag:s21], $0x1  }
0xa9: {  	[sflag:s21] =	ssyncset.done $0x0  }
0xaa: {  	s23 =	simm.s32 $0x1B8E;
	s22 =	sld [smem:$0x3FFE];
	[sflag:s21] =	ssyncadd.s32 $0xFFFFFFFF  }
0xab: {  	s24 =	simm.s32 $execute0_lowered;
	[smem:$0x3FD2] =	sst s23  }
0xac: {  	s9 =	sshll.u32 s24, $0x1;
	_ =	strace $0x80000046;
	[dreg:$0x1] =	wrdreg $0xFFFFFFFF  }
0xad: {  	s25 =	simm.s32 $_size_execute0_lowered;
	s7 =	sadd.s32 s7, s9;
	[dreg:$0x0] =	wrdreg $0x0  }
0xae: {  	s9 =	sshll.u32 s25, $0x1;
	[dreg:$0x2] =	wrdreg s7  }
0xaf: {  	[dreg:$0x3] =	wrdreg s9  }
0xb0: {  	[dreg:$0x4] =	wrdreg $0xC0  }
0xb1: {  	_ =	task [dreg:s11], $0x5FFFF  }
0xb2: {  	[dreg:$0x1] =	wrdreg $0xFFFFFFFF  }
0xb3: {  	[dreg:$0x0] =	wrdreg $0x60  }
0xb4: {  	[dreg:$0x2] =	wrdreg s13  }
0xb5: {  	[dreg:$0x3] =	wrdreg s15  }
0xb6: {  	[dreg:$0x4] =	wrdreg s14  }
0xb7: {  	[dreg:$0x5] =	wrdreg s2  }
0xb8: {  	[dreg:$0x6] =	wrdreg s3  }
0xb9: {  	[dreg:$0x7] =	wrdreg s22  }
0xba: {  	[dreg:$0x8] =	wrdreg s6  }
0xbb: {  	[dreg:$0x9] =	wrdreg s16  }
0xbc: {  	[dreg:$0xa] =	wrdreg $0x81000  }
0xbd: {  	[dreg:$0xb] =	wrdreg $0x81100  }
0xbe: {  	[dreg:$0xc] =	wrdreg $0x9  }
0xbf: {  	_ =	task.clear_ibuf [dreg:s11], $0xDFFFF;
	_ =	strace $0x90000046  }
0xc0: {  	s26 =	simm.s32 $0x9;
	_ =	strace $0x80000048  }
0xc1: {  	_ =	swait.ge [sflag:s26], $0x1  }
0xc2: {  	[sflag:s26] =	ssyncadd.s32 $0xFFFFFFFF  }
0xc3: {  	_ =	strace $0x90000048  }
0xc4: {  	_ =	sfence  }
0xc5: {  	s28 =	sld [smem:$0x0];
	_ =	sdelay $0x1  }
0xc6: {  	s29 =	srdreg.scid  }
0xc7: {  	s30 =	sshll.u32 s29, $0xD;
	s31 =	sshrl.u32 s29, $0x2  }
0xc8: {  	s1 =	sand.u32 $0x1, s29;
	s2 =	sand.u32 $0x4000, s30;
	s0 =	sadd.s32 s31, s28  }
0xc9: {  	s1 =	sor.u32 s2, s1;
	s0 =	sshll.u32 s0, $0x11  }
0xca: {  	s0 =	sor.u32 s0, s1  }
0xcb: {  	s0 =	sadd.s32 $0x8F2B, s0  }
0xcc: {  	[sflag:s0] =	ssyncadd.remote.s32 $0x1  }
0xcd: {  	_ =	sfence.sel $0xFFFF  }
0xce: {  	[dreg:$0x0] =	wrdreg $0xFFFFFFFF;
	(pc) =	sbr.abs _section_cstart, $3  }
0xcf: {  	[dreg:$0x1] =	wrdreg $0xFFFFFFFF  }
0xd0: {  	_ =	task.clear_ibuf [dreg:s11], $0x2FFFF;
	_ =	strace $0x9FFFFFFF  }
0xd1: {  	(tm) =	ssettm $0x7FFFFFFF  }
tec
execute0_lowered:
.L_overlay_start_1:
0x0: {  	(tag) =	ssettag $0x1  }
0x1: {  	s3 =	rddreg [dreg:$0x0]  }
0x2: {  	s4 =	rddreg [dreg:$0x1]  }
0x3: {  	s5 =	rddreg [dreg:$0x2]  }
0x4: {  	s9 =	rddreg [dreg:$0x3]  }
0x5: {  	s2 =	rddreg [dreg:$0x4]  }
0x6: {  	s10 =	rddreg [dreg:$0x5]  }
0x7: {  	s6 =	rddreg [dreg:$0x6]  }
0x8: {  	s1 =	rddreg [dreg:$0x7]  }
0x9: {  	s8 =	rddreg [dreg:$0x8]  }
0xa: {  	s7 =	rddreg [dreg:$0x9]  }
0xb: {  	s0 =	rddreg [dreg:$0xa];
	s11 =	simm.s32 $0x0;
	s12 =	stileid.u32  }
0xc: {  	[smem:$0x7FF] =	sst s11;
	p0 =	sne.s32 s12, $0x0  }
0xd: {  	s13 =	sshll.u32 s12, $0xC;
	s12 =	sshll.u32 s12, $0x4;
	_ =	strace $0x80000047  }
0xe: {  	s13 =	sor.u32 s12, s13;
	s14 =	simm.s32 @!p0 $0x0;
	s15 =	simm.s32 @!p0 $0x8320  }
0xf: {  	[tilespmem:s15], [sflag:$0x2] =	stream.linear.gather @!p0 [hbm4b:s9+s14], $0x80, $0x38;
	[tilespmem:$0xCAA0] =	vst v63  }
0x10: {  	s25 =	sand.u32 $0x8070, s13;
	s13 =	simm.s32 @!p0 $0x83A0  }
0x11: {  	[tilespmem:s13], [sflag:$0x2] =	stream.linear.gather @!p0 [hbm4b:s4+s14], $0x180, $0x38;
	[tilespmem:$0xCAA0] =	vst v63  }
0x12: {  	s28 =	simm.s32 $0x80;
	s4 =	simm.s32 @!p0 $0x8520  }
0x13: {  	[tilespmem:s4], [sflag:$0x2] =	stream.linear.gather @!p0 [hbm4b:s5+s14], $0x180, $0x38;
	[tilespmem:$0xCAA0] =	vst v63  }
0x14: {  	s9 =	simm.s32 @!p0 $0x86A0;
	s3 =	sadd.s32 s3, s25;
	s4 =	sadd.s32 $0x800, s10  }
0x15: {  	[tilespmem:s9], [sflag:$0x2] =	stream.linear.gather @!p0 [hbm4b:s4+s14], $0x80, $0x38;
	[tilespmem:$0xCAA0] =	vst v63  }
0x16: {  	s29 =	simm.s32 $0x400;
	s30 =	simm.s32 $0x4000;
	s26 =	sadd.s32 $0x4000, s3  }
0x17: {  	[tilespmem:s30], [sflag:$0x1] =	stream.strided.gather [hbm4b:s26+s28], $0x4000, s29, s28, $0x38;
	[tilespmem:$0xCAA0] =	vst v63  }
0x18: {  	s31 =	simm.s32 $0x3  }
0x19: {  	[tilespmem:s11], [sflag:$0x3] =	stream.strided.gather [hbm4b:s3+s28], $0x4000, s29, s28, $0x38;
	[tilespmem:$0xCAA0] =	vst v63  }
0x1a: {  	_ =	swait.ge [sflag:s31], $0x4000  }
0x1b: {  	[sflag:s31] =	ssyncset.done $0x0  }
0x1c: {  	s11 =	simm.s32 $0x0;
	[sflag:s31] =	ssyncadd.s32 $0xFFFFC000  }
0x1d: {  	v10 =	vld [tilespmem:s11+$0x0]  }
0x1e: {  	v14 =	vld [tilespmem:s11+$0x10]  }
0x1f: {  	v1 =	vld [tilespmem:s11+$0x20]  }
0x20: {  	v3 =	vld [tilespmem:s11+$0x30]  }
0x21: {  	v4 =	vld [tilespmem:s11+$0x40]  }
0x22: {  	v7 =	vld [tilespmem:s11+$0x50]  }
0x23: {  	v8 =	vld [tilespmem:s11+$0x60]  }
0x24: {  	v13 =	vld [tilespmem:s11+$0x70]  }
0x25: {  	v15 =	vld [tilespmem:s11+$0x80]  }
0x26: {  	v18 =	vld [tilespmem:s11+$0x90]  }
0x27: {  	v19 =	vld [tilespmem:s11+$0xA0]  }
0x28: {  	v21 =	vld [tilespmem:s11+$0xB0]  }
0x29: {  	v20 =	vld [tilespmem:s11+$0xC0]  }
0x2a: {  	s5 =	sadd.s32 $0xA00, s10;
	s4 =	sadd.s32 $0xC00, s10;
	s10 =	sadd.s32 s12, s8;
	v22 =	vld [tilespmem:s11+$0xD0]  }
0x2b: {  	v0 =	vimm.f32 $-Inf;
	s9 =	sadd.s32 s12, s7;
	s12 =	simm.s32 $0x400;
	s3 =	sadd.s32 $0x100, s2;
	v23 =	vld [tilespmem:s11+$0xE0]  }
.LBB2_1:
0x2c: {  	p1 =	sne.s32 s12, $0xFC00;
	v2 =	vld [tilespmem:s11+$0xF0];
	s11 =	sshra.s32 s12, $0x2  }
0x2d: {  	v5 =	vld [tilespmem:s11+$0x0]  }
0x2e: {  	v6 =	vld [tilespmem:s11+$0x10]  }
0x2f: {  	v9 =	vmax.f32 v10, v14;
	v10 =	vmax.f32 v1, v3;
	v11 =	vmax.f32 v4, v7;
	v1 =	vld [tilespmem:s11+$0x20]  }
0x30: {  	v8 =	vmax.f32 v8, v13;
	v12 =	vmax.f32 v15, v18;
	v13 =	vmax.f32 v19, v21;
	v3 =	vld [tilespmem:s11+$0x30]  }
0x31: {  	v9 =	vmax.f32 v9, v10;
	v15 =	vmax.f32 v20, v22;
	v4 =	vld [tilespmem:s11+$0x40];
	v2 =	vmax.f32 v23, v2  }
0x32: {  	v11 =	vmax.f32 v11, v8;
	v12 =	vmax.f32 v12, v13;
	v7 =	vld [tilespmem:s11+$0x50];
	v2 =	vmax.f32 v15, v2;
	v10 =	vmovc v5  }
0x33: {  	v5 =	vmax.f32 v9, v11;
	v8 =	vld [tilespmem:s11+$0x60];
	v2 =	vmax.f32 v12, v2;
	v14 =	vmov v6  }
0x34: {  	v13 =	vld [tilespmem:s11+$0x70];
	v2 =	vmax.f32 v5, v2  }
0x35: {  	v15 =	vld [tilespmem:s11+$0x80];
	v0 =	vmax.f32 v0, v2  }
0x36: {  	v18 =	vld [tilespmem:s11+$0x90]  }
.Ltmp0:
0x37: {  	v19 =	vld [tilespmem:s11+$0xA0];
	(pc) =	sbr.rel @p1 .LBB2_1-.Ltmp0, $4  }
0x38: {  	v21 =	vld [tilespmem:s11+$0xB0]  }
0x39: {  	v20 =	vld [tilespmem:s11+$0xC0]  }
0x3a: {  	v22 =	vld [tilespmem:s11+$0xD0]  }
0x3b: {  	s12 =	sadd.s32 $0x400, s12;
	v23 =	vld [tilespmem:s11+$0xE0]  }
0x3c: {  	s31 =	simm.s32 $0x1  }
0x3d: {  	v24 =	vld [tilespmem:s11+$0xF0];
	_ =	swait.ge [sflag:s31], $0x4000  }
0x3e: {  	[sflag:s31] =	ssyncset.done $0x0  }
0x3f: {  	s11 =	simm.s32 $0x0;
	[sflag:s31] =	ssyncadd.s32 $0xFFFFC000  }
0x40: {  	v12 =	vld [tilespmem:s11+$0x4000]  }
0x41: {  	v17 =	vld [tilespmem:s11+$0x4010]  }
0x42: {  	v2 =	vld [tilespmem:s11+$0x4020]  }
0x43: {  	v5 =	vld [tilespmem:s11+$0x4030]  }
0x44: {  	v6 =	vld [tilespmem:s11+$0x4040]  }
0x45: {  	v9 =	vld [tilespmem:s11+$0x4050]  }
0x46: {  	v11 =	vld [tilespmem:s11+$0x4060]  }
0x47: {  	v16 =	vld [tilespmem:s11+$0x4070]  }
0x48: {  	v10 =	vmax.f32 v10, v14;
	v14 =	vmax.f32 v1, v3;
	v7 =	vmax.f32 v4, v7;
	v1 =	vld [tilespmem:s11+$0x4080]  }
0x49: {  	v8 =	vmax.f32 v8, v13;
	v13 =	vmax.f32 v15, v18;
	v15 =	vmax.f32 v19, v21;
	v3 =	vld [tilespmem:s11+$0x4090]  }
0x4a: {  	v10 =	vmax.f32 v10, v14;
	v18 =	vmax.f32 v20, v22;
	v4 =	vld [tilespmem:s11+$0x40A0];
	v19 =	vmax.f32 v23, v24  }
0x4b: {  	v8 =	vmax.f32 v7, v8;
	v13 =	vmax.f32 v13, v15;
	v7 =	vld [tilespmem:s11+$0x40B0];
	v14 =	vmax.f32 v18, v19  }
0x4c: {  	v10 =	vmax.f32 v10, v8;
	v8 =	vld [tilespmem:s11+$0x40C0];
	v13 =	vmax.f32 v13, v14  }
0x4d: {  	v13 =	vmax.f32 v10, v13;
	v10 =	vld [tilespmem:s11+$0x40D0]  }
0x4e: {  	s12 =	simm.s32 $0x400;
	v0 =	vmax.f32 v0, v13;
	v13 =	vld [tilespmem:s11+$0x40E0]  }
.LBB2_3:
0x4f: {  	p1 =	sne.s32 s12, $0xFC00;
	v14 =	vld [tilespmem:s11+$0x40F0];
	s11 =	sshra.s32 s12, $0x2  }
0x50: {  	v15 =	vld [tilespmem:s11+$0x4000]  }
0x51: {  	v18 =	vld [tilespmem:s11+$0x4010]  }
0x52: {  	v12 =	vmax.f32 v12, v17;
	v17 =	vmax.f32 v2, v5;
	v19 =	vmax.f32 v6, v9;
	v2 =	vld [tilespmem:s11+$0x4020]  }
0x53: {  	v11 =	vmax.f32 v11, v16;
	v1 =	vmax.f32 v1, v3;
	v3 =	vmax.f32 v4, v7;
	v5 =	vld [tilespmem:s11+$0x4030]  }
0x54: {  	v4 =	vmax.f32 v8, v10;
	v8 =	vmax.f32 v12, v17;
	v6 =	vld [tilespmem:s11+$0x4040];
	v7 =	vmax.f32 v13, v14  }
0x55: {  	v1 =	vmax.f32 v1, v3;
	v10 =	vmax.f32 v19, v11;
	v9 =	vld [tilespmem:s11+$0x4050];
	v3 =	vmax.f32 v4, v7;
	v12 =	vmovc v15  }
0x56: {  	v4 =	vmax.f32 v8, v10;
	v11 =	vld [tilespmem:s11+$0x4060];
	v1 =	vmax.f32 v1, v3;
	v17 =	vmov v18  }
0x57: {  	v16 =	vld [tilespmem:s11+$0x4070];
	v3 =	vmax.f32 v4, v1  }
0x58: {  	v1 =	vld [tilespmem:s11+$0x4080];
	v0 =	vmax.f32 v0, v3  }
0x59: {  	v3 =	vld [tilespmem:s11+$0x4090]  }
.Ltmp1:
0x5a: {  	v4 =	vld [tilespmem:s11+$0x40A0];
	(pc) =	sbr.rel @p1 .LBB2_3-.Ltmp1, $4  }
0x5b: {  	v7 =	vld [tilespmem:s11+$0x40B0]  }
0x5c: {  	v8 =	vld [tilespmem:s11+$0x40C0]  }
0x5d: {  	v10 =	vld [tilespmem:s11+$0x40D0]  }
0x5e: {  	s12 =	sadd.s32 $0x400, s12;
	v13 =	vld [tilespmem:s11+$0x40E0]  }
0x5f: {  	v14 =	vld [tilespmem:s11+$0x40F0];
	_ =	sdelay $0x2  }
0x60: {  	v12 =	vmax.f32 v12, v17;
	v2 =	vmax.f32 v2, v5;
	v5 =	vmax.f32 v6, v9  }
0x61: {  	v62 =	vmax.f32 v11, v16;
	v1 =	vmax.f32 v1, v3;
	v3 =	vmax.f32 v4, v7  }
0x62: {  	v2 =	vmax.f32 v12, v2;
	v4 =	vmax.f32 v8, v10;
	v63 =	vmax.f32 v13, v14  }
0x63: {  	v5 =	vmax.f32 v5, v62;
	v1 =	vmax.f32 v1, v3;
	v3 =	vmax.f32 v4, v63  }
0x64: {  	v2 =	vmax.f32 v2, v5;
	v1 =	vmax.f32 v1, v3  }
0x65: {  	v1 =	vmax.f32 v2, v1  }
0x66: {  	v0 =	vmax.f32 v0, v1  }
0x67: {  	(xrf1) =	vsort.ascd.msk.f32 $0xffff, v0, v0;
	_ =	sdelay $0xd  }
0x68: {  	v0, _, _ =	vpop (xrf1)  }
.Ltmp2:
0x69: {  	vm0 =	vgt.f32 v0, $0.0e+00;
	vm1 =	veq.f32 v0, $0.0e+00;
	(pc) =	sbr.rel .LBB2_5-.Ltmp2, $4  }
0x6a: {  	v1 =	vadd.s32 $0x1, v0;
	v2 =	vadd.s32 $0xFFFFFFFF, v0;
	v0 =	vlaneseq.u32  }
0x6b: {  	v1 =	vsel vm1, $0x80000001, v1;
	v3 =	vmul.u32 $0xFFFFFFFF, v0  }
0x6c: {  	v30 =	vimm.f32 $-Inf;
	v28 =	vimm.s32 $0x0;
	v1 =	vsel vm0, v2, v1  }
0x6d: {  	s11 =	simm.s32 $0x1F0;
	s12 =	simm.s32 $0x100;
	v2 =	vimm.f32 $0.0e+00;
	v34 =	vbroadcast v1, $0x0;
	v3 =	vadd.s32 $0xF, v3  }
.LBB2_16:
0x6e: {  	s11 =	sadd.s32 $0x200, s11  }
0x6f: {  	p1 =	sne.s32 s11, $0x81F0  }
.Ltmp3:
0x70: {  	_ = 	snop;
	(pc) =	sbr.rel @!p1 .LBB2_17-.Ltmp3, $2  }
0x71: {  	_ =	sdelay $0x2  }
0x72: {  	s12 =	sadd.s32 $0x200, s12  }
.LBB2_5:
0x73: {  	v42 =	vld [tilespmem:s12+$0xFFFFFF00]  }
0x74: {  	v41 =	vld [tilespmem:s12+$0xFFFFFF10]  }
0x75: {  	v40 =	vld [tilespmem:s12+$0xFFFFFF20]  }
0x76: {  	v39 =	vld [tilespmem:s12+$0xFFFFFF30]  }
0x77: {  	v37 =	vld [tilespmem:s12+$0xFFFFFF40]  }
0x78: {  	v36 =	vld [tilespmem:s12+$0xFFFFFF50]  }
0x79: {  	v35 =	vld [tilespmem:s12+$0xFFFFFF60]  }
0x7a: {  	v33 =	vld [tilespmem:s12+$0xFFFFFF70]  }
0x7b: {  	v32 =	vld [tilespmem:s12+$0xFFFFFF80]  }
0x7c: {  	v31 =	vld [tilespmem:s12+$0xFFFFFF90]  }
0x7d: {  	v29 =	vld [tilespmem:s12+$0xFFFFFFA0]  }
0x7e: {  	v27 =	vld [tilespmem:s12+$0xFFFFFFB0]  }
0x7f: {  	v26 =	vld [tilespmem:s12+$0xFFFFFFC0]  }
0x80: {  	v24 =	vld [tilespmem:s12+$0xFFFFFFD0]  }
0x81: {  	v22 =	vld [tilespmem:s12+$0xFFFFFFE0]  }
0x82: {  	v21 =	vld [tilespmem:s12+$0xFFFFFFF0]  }
0x83: {  	v18 =	vld [tilespmem:s12+$0x20]  }
0x84: {  	v17 =	vld [tilespmem:s12+$0x30]  }
0x85: {  	v16 =	vld [tilespmem:s12+$0x40]  }
0x86: {  	v14 =	vld [tilespmem:s12+$0x50]  }
0x87: {  	v13 =	vld [tilespmem:s12+$0x60]  }
0x88: {  	v12 =	vld [tilespmem:s12+$0x70]  }
0x89: {  	v11 =	vld [tilespmem:s12+$0x80]  }
0x8a: {  	v10 =	vld [tilespmem:s12+$0x90]  }
0x8b: {  	v9 =	vld [tilespmem:s12+$0xA0]  }
0x8c: {  	v8 =	vld [tilespmem:s12+$0xB0]  }
0x8d: {  	v7 =	vld [tilespmem:s12+$0xC0]  }
0x8e: {  	v6 =	vld [tilespmem:s12+$0xD0]  }
0x8f: {  	v5 =	vld [tilespmem:s12+$0xE0]  }
0x90: {  	v4 =	vld [tilespmem:s12+$0xF0];
	v15 =	vmax.f32 v42, v41  }
0x91: {  	v20 =	vld [tilespmem:s12+$0x0];
	v23 =	vmax.f32 v40, v39;
	v25 =	vmax.f32 v37, v36;
	v38 =	vmax.f32 v35, v33  }
0x92: {  	v19 =	vld [tilespmem:s12+$0x10];
	v56 =	vmax.f32 v29, v27;
	v44 =	vmax.f32 v26, v24;
	v45 =	vmax.f32 v22, v21  }
0x93: {  	v57 =	vmax.f32 v18, v17;
	v58 =	vmax.f32 v16, v14;
	v59 =	vmax.f32 v13, v12  }
0x94: {  	v60 =	vmax.f32 v11, v10;
	v46 =	vmax.f32 v9, v8;
	v47 =	vmax.f32 v7, v6  }
0x95: {  	v48 =	vmax.f32 v5, v4;
	v15 =	vmax.f32 v15, v23;
	v23 =	vmax.f32 v25, v38  }
0x96: {  	v25 =	vmax.f32 v32, v31;
	v61 =	vmax.f32 v60, v46;
	v62 =	vmax.f32 v47, v48  }
0x97: {  	v43 =	vmax.f32 v15, v23;
	v15 =	vmax.f32 v25, v56;
	v25 =	vmax.f32 v20, v19  }
0x98: {  	v23 =	vmax.f32 v44, v45;
	v44 =	vmax.f32 v58, v59;
	v25 =	vmax.f32 v25, v57  }
0x99: {  	v38 =	vmax.f32 v15, v23;
	v15 =	vmax.f32 v61, v62;
	v23 =	vmax.f32 v25, v44  }
0x9a: {  	v44 =	vmax.f32 v43, v38;
	v25 =	vmax.f32 v23, v15  }
0x9b: {  	v63 =	vmax.f32 v44, v25  }
0x9c: {  	vm0 =	vgt.f32 v63, v34  }
0x9d: {  	v45 =	vsel vm0, $0x3F800000, v2  }
0x9e: {  	(xrf0) =	vmax.scan.msk.f32 $0xffff, v45;
	_ =	sdelay $0x5  }
0x9f: {  	v45, _, _ =	vpop (xrf0)  }
0xa0: {  	(v2sf) =	vpush v45, $0xF;
	_ =	sdelay $0xe  }
0xa1: {  	s13 =	spop (v2sf)  }
0xa2: {  	p1 =	sgt.f32 s13, $0.0e+00  }
.Ltmp4:
0xa3: {  	_ = 	snop;
	(pc) =	sbr.rel @!p1 .LBB2_16-.Ltmp4, $1  }
0xa4: {  	_ =	sdelay $0x3  }
0xa5: {  	vm0 =	vgt.f32 v44, v34  }
0xa6: {  	v44 =	vsel vm0, $0x3F800000, v2  }
0xa7: {  	(xrf0) =	vmax.scan.msk.f32 $0xffff, v44;
	_ =	sdelay $0x5  }
0xa8: {  	v44, _, _ =	vpop (xrf0)  }
0xa9: {  	(v2sf) =	vpush v44, $0xF;
	_ =	sdelay $0xe  }
0xaa: {  	s13 =	spop (v2sf)  }
0xab: {  	p1 =	sgt.f32 s13, $0.0e+00  }
.Ltmp5:
0xac: {  	_ = 	snop;
	(pc) =	sbr.rel @!p1 .LBB2_11-.Ltmp5, $1  }
0xad: {  	_ =	sdelay $0x3  }
0xae: {  	vm0 =	vgt.f32 v43, v34  }
0xaf: {  	v43 =	vsel vm0, $0x3F800000, v2  }
0xb0: {  	(xrf0) =	vmax.scan.msk.f32 $0xffff, v43;
	_ =	sdelay $0x5  }
0xb1: {  	v43, _, _ =	vpop (xrf0)  }
0xb2: {  	(v2sf) =	vpush v43, $0xF;
	_ =	sdelay $0xe  }
0xb3: {  	s13 =	spop (v2sf)  }
0xb4: {  	p1 =	sgt.f32 s13, $0.0e+00  }
.Ltmp6:
0xb5: {  	_ = 	snop;
	(pc) =	sbr.rel @!p1 .LBB2_9-.Ltmp6, $1  }
0xb6: {  	_ =	sdelay $0x3  }
0xb7: {  	s13 =	sadd.s32 $0xFFFFFE10, s11  }
0xb8: {  	v34 =	vor.u32 s13, v0  }
0xb9: {  	(xrf1) =	vsort.ascd.msk.f32 $0xffff, v42, v34;
	_ =	sdelay $0xd  }
0xba: {  	v34, v42, _ =	vpop (xrf1)  }
0xbb: {  	v34 =	vperm.xlane v34, v3  }
0xbc: {  	v42 =	vperm.xlane v42, v3  }
0xbd: {  	vm0 =	vge.f32 v30, v34  }
0xbe: {  	s24 =	sadd.s32 $0xFFFFFE20, s11;
	v30 =	vsel vm0, v30, v34;
	v28 =	vsel vm0, v28, v42  }
0xbf: {  	(xrf1) =	vsort.ascd.msk.f32 $0xffff, v30, v28;
	v28 =	vor.u32 s24, v0  }
0xc0: {  	(xrf1) =	vsort.ascd.msk.f32 $0xffff, v41, v28;
	_ =	sdelay $0xc  }
0xc1: {  	v28, v30, _ =	vpop (xrf1)  }
0xc2: {  	v56, v41, _ =	vpop (xrf1)  }
0xc3: {  	v34 =	vperm.xlane v56, v3  }
0xc4: {  	v41 =	vperm.xlane v41, v3  }
0xc5: {  	vm9 =	vge.f32 v28, v34  }
0xc6: {  	s25 =	sadd.s32 $0xFFFFFE30, s11;
	v28 =	vsel vm9, v28, v34;
	v30 =	vsel vm9, v30, v41  }
0xc7: {  	(xrf1) =	vsort.ascd.msk.f32 $0xffff, v28, v30;
	v28 =	vor.u32 s25, v0  }
0xc8: {  	(xrf1) =	vsort.ascd.msk.f32 $0xffff, v40, v28;
	_ =	sdelay $0xc  }
0xc9: {  	v28, v30, _ =	vpop (xrf1)  }
0xca: {  	v57, v40, _ =	vpop (xrf1)  }
0xcb: {  	v34 =	vperm.xlane v57, v3  }
0xcc: {  	v40 =	vperm.xlane v40, v3  }
0xcd: {  	vm10 =	vge.f32 v28, v34  }
0xce: {  	s26 =	sadd.s32 $0xFFFFFE40, s11;
	v28 =	vsel vm10, v28, v34;
	v30 =	vsel vm10, v30, v40  }
0xcf: {  	(xrf1) =	vsort.ascd.msk.f32 $0xffff, v28, v30;
	v28 =	vor.u32 s26, v0  }
0xd0: {  	(xrf1) =	vsort.ascd.msk.f32 $0xffff, v39, v28;
	_ =	sdelay $0xc  }
0xd1: {  	v28, v30, _ =	vpop (xrf1)  }
0xd2: {  	v58, v39, _ =	vpop (xrf1)  }
0xd3: {  	v34 =	vperm.xlane v58, v3  }
0xd4: {  	v39 =	vperm.xlane v39, v3  }
0xd5: {  	vm11 =	vge.f32 v28, v34  }
0xd6: {  	s28 =	sadd.s32 $0xFFFFFE50, s11;
	v28 =	vsel vm11, v28, v34;
	v30 =	vsel vm11, v30, v39  }
0xd7: {  	(xrf1) =	vsort.ascd.msk.f32 $0xffff, v28, v30;
	v28 =	vor.u32 s28, v0  }
0xd8: {  	(xrf1) =	vsort.ascd.msk.f32 $0xffff, v37, v28;
	_ =	sdelay $0xc  }
0xd9: {  	v28, v30, _ =	vpop (xrf1)  }
0xda: {  	v59, v37, _ =	vpop (xrf1)  }
0xdb: {  	v34 =	vperm.xlane v59, v3  }
0xdc: {  	v37 =	vperm.xlane v37, v3  }
0xdd: {  	vm12 =	vge.f32 v28, v34  }
0xde: {  	s29 =	sadd.s32 $0xFFFFFE60, s11;
	v28 =	vsel vm12, v28, v34;
	v30 =	vsel vm12, v30, v37  }
0xdf: {  	(xrf1) =	vsort.ascd.msk.f32 $0xffff, v28, v30;
	v28 =	vor.u32 s29, v0  }
0xe0: {  	(xrf1) =	vsort.ascd.msk.f32 $0xffff, v36, v28;
	_ =	sdelay $0xc  }
0xe1: {  	v28, v30, _ =	vpop (xrf1)  }
0xe2: {  	v60, v36, _ =	vpop (xrf1)  }
0xe3: {  	v34 =	vperm.xlane v60, v3  }
0xe4: {  	v36 =	vperm.xlane v36, v3  }
0xe5: {  	vm13 =	vge.f32 v28, v34  }
0xe6: {  	s30 =	sadd.s32 $0xFFFFFE70, s11;
	v28 =	vsel vm13, v28, v34;
	v30 =	vsel vm13, v30, v36  }
0xe7: {  	(xrf1) =	vsort.ascd.msk.f32 $0xffff, v28, v30;
	v28 =	vor.u32 s30, v0  }
0xe8: {  	(xrf1) =	vsort.ascd.msk.f32 $0xffff, v35, v28;
	_ =	sdelay $0xc  }
0xe9: {  	v28, v30, _ =	vpop (xrf1)  }
0xea: {  	v61, v35, _ =	vpop (xrf1)  }
0xeb: {  	v34 =	vperm.xlane v61, v3  }
0xec: {  	v35 =	vperm.xlane v35, v3  }
0xed: {  	vm14 =	vge.f32 v28, v34  }
0xee: {  	s31 =	sadd.s32 $0xFFFFFE80, s11;
	v28 =	vsel vm14, v28, v34;
	v30 =	vsel vm14, v30, v35  }
0xef: {  	(xrf1) =	vsort.ascd.msk.f32 $0xffff, v28, v30;
	v28 =	vor.u32 s31, v0  }
0xf0: {  	(xrf1) =	vsort.ascd.msk.f32 $0xffff, v33, v28;
	_ =	sdelay $0xc  }
0xf1: {  	v28, v30, _ =	vpop (xrf1)  }
0xf2: {  	v33, v62, _ =	vpop (xrf1)  }
0xf3: {  	v33 =	vperm.xlane v33, v3  }
0xf4: {  	v34 =	vperm.xlane v62, v3  }
0xf5: {  	vm15 =	vge.f32 v28, v33  }
0xf6: {  	v28 =	vsel vm15, v28, v33;
	v30 =	vsel vm15, v30, v34  }
0xf7: {  	(xrf1) =	vsort.ascd.msk.f32 $0xffff, v28, v30;
	_ =	sdelay $0xd  }
0xf8: {  	v30, v28, _ =	vpop (xrf1)  }
0xf9: {  	v63 =	vmax.f32 v30, v1  }
0xfa: {  	v34 =	vbroadcast v63, $0x0  }
.LBB2_9:
0xfb: {  	_ = 	snop  }
0xfc: {  	vm0 =	vgt.f32 v38, v34  }
0xfd: {  	v33 =	vsel vm0, $0x3F800000, v2  }
0xfe: {  	(xrf0) =	vmax.scan.msk.f32 $0xffff, v33;
	_ =	sdelay $0x5  }
0xff: {  	v33, _, _ =	vpop (xrf0)  }
0x100: {  	(v2sf) =	vpush v33, $0xF;
	_ =	sdelay $0xe  }
0x101: {  	s13 =	spop (v2sf)  }
0x102: {  	p1 =	sgt.f32 s13, $0.0e+00  }
.Ltmp7:
0x103: {  	_ = 	snop;
	(pc) =	sbr.rel @!p1 .LBB2_11-.Ltmp7, $1  }
0x104: {  	_ =	sdelay $0x3  }
0x105: {  	s13 =	sadd.s32 $0xFFFFFE90, s11  }
0x106: {  	v33 =	vor.u32 s13, v0  }
0x107: {  	(xrf1) =	vsort.ascd.msk.f32 $0xffff, v32, v33;
	_ =	sdelay $0xd  }
0x108: {  	v32, v33, _ =	vpop (xrf1)  }
0x109: {  	v32 =	vperm.xlane v32, v3  }
0x10a: {  	v33 =	vperm.xlane v33, v3  }
0x10b: {  	vm0 =	vge.f32 v30, v32  }
0x10c: {  	s24 =	sadd.s32 $0xFFFFFEA0, s11;
	v30 =	vsel vm0, v30, v32;
	v28 =	vsel vm0, v28, v33  }
0x10d: {  	(xrf1) =	vsort.ascd.msk.f32 $0xffff, v30, v28;
	v28 =	vor.u32 s24, v0  }
0x10e: {  	(xrf1) =	vsort.ascd.msk.f32 $0xffff, v31, v28;
	_ =	sdelay $0xc  }
0x10f: {  	v28, v30, _ =	vpop (xrf1)  }
0x110: {  	v31, v63, _ =	vpop (xrf1)  }
0x111: {  	v31 =	vperm.xlane v31, v3  }
0x112: {  	v32 =	vperm.xlane v63, v3  }
0x113: {  	vm9 =	vge.f32 v28, v31  }
0x114: {  	s25 =	sadd.s32 $0xFFFFFEB0, s11;
	v28 =	vsel vm9, v28, v31;
	v30 =	vsel vm9, v30, v32  }
0x115: {  	(xrf1) =	vsort.ascd.msk.f32 $0xffff, v28, v30;
	v28 =	vor.u32 s25, v0  }
0x116: {  	(xrf1) =	vsort.ascd.msk.f32 $0xffff, v29, v28;
	_ =	sdelay $0xc  }
0x117: {  	v28, v29, _ =	vpop (xrf1)  }
0x118: {  	v30, v31, _ =	vpop (xrf1)  }
0x119: {  	v30 =	vperm.xlane v30, v3  }
0x11a: {  	v31 =	vperm.xlane v31, v3  }
0x11b: {  	vm10 =	vge.f32 v28, v30  }
0x11c: {  	s26 =	sadd.s32 $0xFFFFFEC0, s11;
	v28 =	vsel vm10, v28, v30;
	v29 =	vsel vm10, v29, v31  }
0x11d: {  	(xrf1) =	vsort.ascd.msk.f32 $0xffff, v28, v29;
	v28 =	vor.u32 s26, v0  }
0x11e: {  	(xrf1) =	vsort.ascd.msk.f32 $0xffff, v27, v28;
	_ =	sdelay $0xc  }
0x11f: {  	v27, v28, _ =	vpop (xrf1)  }
0x120: {  	v29, v30, _ =	vpop (xrf1)  }
0x121: {  	v29 =	vperm.xlane v29, v3  }
0x122: {  	v30 =	vperm.xlane v30, v3  }
0x123: {  	vm11 =	vge.f32 v27, v29  }
0x124: {  	s28 =	sadd.s32 $0xFFFFFED0, s11;
	v27 =	vsel vm11, v27, v29;
	v28 =	vsel vm11, v28, v30  }
0x125: {  	(xrf1) =	vsort.ascd.msk.f32 $0xffff, v27, v28;
	v27 =	vor.u32 s28, v0  }
0x126: {  	(xrf1) =	vsort.ascd.msk.f32 $0xffff, v26, v27;
	_ =	sdelay $0xc  }
0x127: {  	v26, v27, _ =	vpop (xrf1)  }
0x128: {  	v28, v29, _ =	vpop (xrf1)  }
0x129: {  	v28 =	vperm.xlane v28, v3  }
0x12a: {  	v29 =	vperm.xlane v29, v3  }
0x12b: {  	vm12 =	vge.f32 v26, v28  }
0x12c: {  	s29 =	sadd.s32 $0xFFFFFEE0, s11;
	v26 =	vsel vm12, v26, v28;
	v27 =	vsel vm12, v27, v29  }
0x12d: {  	(xrf1) =	vsort.ascd.msk.f32 $0xffff, v26, v27;
	v26 =	vor.u32 s29, v0  }
0x12e: {  	(xrf1) =	vsort.ascd.msk.f32 $0xffff, v24, v26;
	_ =	sdelay $0xc  }
0x12f: {  	v24, v26, _ =	vpop (xrf1)  }
0x130: {  	v27, v28, _ =	vpop (xrf1)  }
0x131: {  	v27 =	vperm.xlane v27, v3  }
0x132: {  	v28 =	vperm.xlane v28, v3  }
0x133: {  	vm13 =	vge.f32 v24, v27  }
0x134: {  	s30 =	sadd.s32 $0xFFFFFEF0, s11;
	v24 =	vsel vm13, v24, v27;
	v26 =	vsel vm13, v26, v28  }
0x135: {  	(xrf1) =	vsort.ascd.msk.f32 $0xffff, v24, v26;
	v24 =	vor.u32 s30, v0  }
0x136: {  	(xrf1) =	vsort.ascd.msk.f32 $0xffff, v22, v24;
	_ =	sdelay $0xc  }
0x137: {  	v22, v24, _ =	vpop (xrf1)  }
0x138: {  	v26, v27, _ =	vpop (xrf1)  }
0x139: {  	v26 =	vperm.xlane v26, v3  }
0x13a: {  	v27 =	vperm.xlane v27, v3  }
0x13b: {  	vm14 =	vge.f32 v22, v26  }
0x13c: {  	s31 =	sadd.s32 $0xFFFFFF00, s11;
	v22 =	vsel vm14, v22, v26;
	v24 =	vsel vm14, v24, v27  }
0x13d: {  	(xrf1) =	vsort.ascd.msk.f32 $0xffff, v22, v24;
	v22 =	vor.u32 s31, v0  }
0x13e: {  	(xrf1) =	vsort.ascd.msk.f32 $0xffff, v21, v22;
	_ =	sdelay $0xc  }
0x13f: {  	v21, v22, _ =	vpop (xrf1)  }
0x140: {  	v24, v26, _ =	vpop (xrf1)  }
0x141: {  	v24 =	vperm.xlane v24, v3  }
0x142: {  	v26 =	vperm.xlane v26, v3  }
0x143: {  	vm15 =	vge.f32 v21, v24  }
0x144: {  	v21 =	vsel vm15, v21, v24;
	v22 =	vsel vm15, v22, v26  }
0x145: {  	(xrf1) =	vsort.ascd.msk.f32 $0xffff, v21, v22;
	_ =	sdelay $0xd  }
0x146: {  	v30, v28, _ =	vpop (xrf1)  }
0x147: {  	v21 =	vmax.f32 v30, v1  }
0x148: {  	v34 =	vbroadcast v21, $0x0  }
.LBB2_11:
0x149: {  	_ = 	snop  }
0x14a: {  	vm0 =	vgt.f32 v25, v34  }
0x14b: {  	v21 =	vsel vm0, $0x3F800000, v2  }
0x14c: {  	(xrf0) =	vmax.scan.msk.f32 $0xffff, v21;
	_ =	sdelay $0x5  }
0x14d: {  	v21, _, _ =	vpop (xrf0)  }
0x14e: {  	(v2sf) =	vpush v21, $0xF;
	_ =	sdelay $0xe  }
0x14f: {  	s13 =	spop (v2sf)  }
0x150: {  	p1 =	sgt.f32 s13, $0.0e+00  }
.Ltmp8:
0x151: {  	_ = 	snop;
	(pc) =	sbr.rel @!p1 .LBB2_16-.Ltmp8, $1  }
0x152: {  	_ =	sdelay $0x3  }
0x153: {  	vm0 =	vgt.f32 v23, v34  }
0x154: {  	v21 =	vsel vm0, $0x3F800000, v2  }
0x155: {  	(xrf0) =	vmax.scan.msk.f32 $0xffff, v21;
	_ =	sdelay $0x5  }
0x156: {  	v21, _, _ =	vpop (xrf0)  }
0x157: {  	(v2sf) =	vpush v21, $0xF;
	_ =	sdelay $0xe  }
0x158: {  	s13 =	spop (v2sf)  }
0x159: {  	p1 =	sgt.f32 s13, $0.0e+00  }
.Ltmp9:
0x15a: {  	_ = 	snop;
	(pc) =	sbr.rel @!p1 .LBB2_14-.Ltmp9, $1  }
0x15b: {  	_ =	sdelay $0x3  }
0x15c: {  	s13 =	sadd.s32 $0xFFFFFF10, s11  }
0x15d: {  	v21 =	vor.u32 s13, v0  }
0x15e: {  	(xrf1) =	vsort.ascd.msk.f32 $0xffff, v20, v21;
	_ =	sdelay $0xd  }
0x15f: {  	v20, v21, _ =	vpop (xrf1)  }
0x160: {  	v20 =	vperm.xlane v20, v3  }
0x161: {  	v21 =	vperm.xlane v21, v3  }
0x162: {  	vm0 =	vge.f32 v30, v20  }
0x163: {  	s24 =	sadd.s32 $0xFFFFFF20, s11;
	v20 =	vsel vm0, v30, v20;
	v21 =	vsel vm0, v28, v21  }
0x164: {  	v53 =	vor.u32 s24, v0;
	(xrf1) =	vsort.ascd.msk.f32 $0xffff, v20, v21  }
0x165: {  	(xrf1) =	vsort.ascd.msk.f32 $0xffff, v19, v53;
	_ =	sdelay $0xc  }
0x166: {  	v19, v20, _ =	vpop (xrf1)  }
0x167: {  	v54, v22, _ =	vpop (xrf1)  }
0x168: {  	v21 =	vperm.xlane v54, v3  }
0x169: {  	v22 =	vperm.xlane v22, v3  }
0x16a: {  	vm9 =	vge.f32 v19, v21  }
0x16b: {  	s25 =	sadd.s32 $0xFFFFFF30, s11;
	v19 =	vsel vm9, v19, v21;
	v20 =	vsel vm9, v20, v22  }
0x16c: {  	v55 =	vor.u32 s25, v0;
	(xrf1) =	vsort.ascd.msk.f32 $0xffff, v19, v20  }
0x16d: {  	(xrf1) =	vsort.ascd.msk.f32 $0xffff, v18, v55;
	_ =	sdelay $0xc  }
0x16e: {  	v18, v19, _ =	vpop (xrf1)  }
0x16f: {  	v57, v56, _ =	vpop (xrf1)  }
0x170: {  	v20 =	vperm.xlane v57, v3  }
0x171: {  	v21 =	vperm.xlane v56, v3  }
0x172: {  	vm10 =	vge.f32 v18, v20  }
0x173: {  	s26 =	sadd.s32 $0xFFFFFF40, s11;
	v18 =	vsel vm10, v18, v20;
	v19 =	vsel vm10, v19, v21  }
0x174: {  	v58 =	vor.u32 s26, v0;
	(xrf1) =	vsort.ascd.msk.f32 $0xffff, v18, v19  }
0x175: {  	(xrf1) =	vsort.ascd.msk.f32 $0xffff, v17, v58;
	_ =	sdelay $0xc  }
0x176: {  	v17, v18, _ =	vpop (xrf1)  }
0x177: {  	v60, v59, _ =	vpop (xrf1)  }
0x178: {  	v19 =	vperm.xlane v60, v3  }
0x179: {  	v20 =	vperm.xlane v59, v3  }
0x17a: {  	vm11 =	vge.f32 v17, v19  }
0x17b: {  	s28 =	sadd.s32 $0xFFFFFF50, s11;
	v17 =	vsel vm11, v17, v19;
	v18 =	vsel vm11, v18, v20  }
0x17c: {  	(xrf1) =	vsort.ascd.msk.f32 $0xffff, v17, v18;
	v17 =	vor.u32 s28, v0  }
0x17d: {  	(xrf1) =	vsort.ascd.msk.f32 $0xffff, v16, v17;
	_ =	sdelay $0xc  }
0x17e: {  	v16, v17, _ =	vpop (xrf1)  }
0x17f: {  	v62, v61, _ =	vpop (xrf1)  }
0x180: {  	v18 =	vperm.xlane v62, v3  }
0x181: {  	v19 =	vperm.xlane v61, v3  }
0x182: {  	vm12 =	vge.f32 v16, v18  }
0x183: {  	s29 =	sadd.s32 $0xFFFFFF60, s11;
	v16 =	vsel vm12, v16, v18;
	v17 =	vsel vm12, v17, v19  }
0x184: {  	(xrf1) =	vsort.ascd.msk.f32 $0xffff, v16, v17;
	v16 =	vor.u32 s29, v0  }
0x185: {  	(xrf1) =	vsort.ascd.msk.f32 $0xffff, v14, v16;
	_ =	sdelay $0xc  }
0x186: {  	v14, v16, _ =	vpop (xrf1)  }
0x187: {  	v17, v63, _ =	vpop (xrf1)  }
0x188: {  	v17 =	vperm.xlane v17, v3  }
0x189: {  	v18 =	vperm.xlane v63, v3  }
0x18a: {  	vm13 =	vge.f32 v14, v17  }
0x18b: {  	s30 =	sadd.s32 $0xFFFFFF70, s11;
	v14 =	vsel vm13, v14, v17;
	v16 =	vsel vm13, v16, v18  }
0x18c: {  	(xrf1) =	vsort.ascd.msk.f32 $0xffff, v14, v16;
	v14 =	vor.u32 s30, v0  }
0x18d: {  	(xrf1) =	vsort.ascd.msk.f32 $0xffff, v13, v14;
	_ =	sdelay $0xc  }
0x18e: {  	v13, v14, _ =	vpop (xrf1)  }
0x18f: {  	v16, v17, _ =	vpop (xrf1)  }
0x190: {  	v16 =	vperm.xlane v16, v3  }
0x191: {  	v17 =	vperm.xlane v17, v3  }
0x192: {  	vm14 =	vge.f32 v13, v16  }
0x193: {  	s31 =	sadd.s32 $0xFFFFFF80, s11;
	v13 =	vsel vm14, v13, v16;
	v14 =	vsel vm14, v14, v17  }
0x194: {  	(xrf1) =	vsort.ascd.msk.f32 $0xffff, v13, v14;
	v13 =	vor.u32 s31, v0  }
0x195: {  	(xrf1) =	vsort.ascd.msk.f32 $0xffff, v12, v13;
	_ =	sdelay $0xc  }
0x196: {  	v12, v13, _ =	vpop (xrf1)  }
0x197: {  	v14, v16, _ =	vpop (xrf1)  }
0x198: {  	v14 =	vperm.xlane v14, v3  }
0x199: {  	v16 =	vperm.xlane v16, v3  }
0x19a: {  	vm15 =	vge.f32 v12, v14  }
0x19b: {  	v12 =	vsel vm15, v12, v14;
	v13 =	vsel vm15, v13, v16  }
0x19c: {  	(xrf1) =	vsort.ascd.msk.f32 $0xffff, v12, v13;
	_ =	sdelay $0xd  }
0x19d: {  	v30, v28, _ =	vpop (xrf1)  }
0x19e: {  	v12 =	vmax.f32 v30, v1  }
0x19f: {  	v34 =	vbroadcast v12, $0x0  }
.LBB2_14:
0x1a0: {  	_ = 	snop  }
0x1a1: {  	vm0 =	vgt.f32 v15, v34  }
0x1a2: {  	v12 =	vsel vm0, $0x3F800000, v2  }
0x1a3: {  	(xrf0) =	vmax.scan.msk.f32 $0xffff, v12;
	_ =	sdelay $0x5  }
0x1a4: {  	v12, _, _ =	vpop (xrf0)  }
0x1a5: {  	(v2sf) =	vpush v12, $0xF;
	_ =	sdelay $0xe  }
0x1a6: {  	s13 =	spop (v2sf)  }
0x1a7: {  	p1 =	sgt.f32 s13, $0.0e+00  }
.Ltmp10:
0x1a8: {  	_ = 	snop;
	(pc) =	sbr.rel @!p1 .LBB2_16-.Ltmp10, $1  }
0x1a9: {  	_ =	sdelay $0x3  }
0x1aa: {  	s13 =	sadd.s32 $0xFFFFFF90, s11  }
0x1ab: {  	v12 =	vor.u32 s13, v0  }
0x1ac: {  	(xrf1) =	vsort.ascd.msk.f32 $0xffff, v11, v12;
	_ =	sdelay $0xd  }
0x1ad: {  	v11, v12, _ =	vpop (xrf1)  }
0x1ae: {  	v11 =	vperm.xlane v11, v3  }
0x1af: {  	v12 =	vperm.xlane v12, v3  }
0x1b0: {  	vm0 =	vge.f32 v30, v11  }
0x1b1: {  	s25 =	sadd.s32 $0xFFFFFFA0, s11;
	v11 =	vsel vm0, v30, v11;
	v12 =	vsel vm0, v28, v12  }
0x1b2: {  	v45 =	vor.u32 s25, v0;
	(xrf1) =	vsort.ascd.msk.f32 $0xffff, v11, v12  }
0x1b3: {  	(xrf1) =	vsort.ascd.msk.f32 $0xffff, v10, v45;
	_ =	sdelay $0xc  }
0x1b4: {  	v10, v11, _ =	vpop (xrf1)  }
0x1b5: {  	v46, v13, _ =	vpop (xrf1)  }
0x1b6: {  	v12 =	vperm.xlane v46, v3  }
0x1b7: {  	v13 =	vperm.xlane v13, v3  }
0x1b8: {  	vm9 =	vge.f32 v10, v12  }
0x1b9: {  	s26 =	sadd.s32 $0xFFFFFFB0, s11;
	v10 =	vsel vm9, v10, v12;
	v11 =	vsel vm9, v11, v13  }
0x1ba: {  	v47 =	vor.u32 s26, v0;
	(xrf1) =	vsort.ascd.msk.f32 $0xffff, v10, v11  }
0x1bb: {  	(xrf1) =	vsort.ascd.msk.f32 $0xffff, v9, v47;
	_ =	sdelay $0xc  }
0x1bc: {  	v9, v10, _ =	vpop (xrf1)  }
0x1bd: {  	v49, v48, _ =	vpop (xrf1)  }
0x1be: {  	v11 =	vperm.xlane v49, v3  }
0x1bf: {  	v12 =	vperm.xlane v48, v3  }
0x1c0: {  	vm10 =	vge.f32 v9, v11  }
0x1c1: {  	s28 =	sadd.s32 $0xFFFFFFC0, s11;
	v9 =	vsel vm10, v9, v11;
	v10 =	vsel vm10, v10, v12  }
0x1c2: {  	v50 =	vor.u32 s28, v0;
	(xrf1) =	vsort.ascd.msk.f32 $0xffff, v9, v10  }
0x1c3: {  	(xrf1) =	vsort.ascd.msk.f32 $0xffff, v8, v50;
	_ =	sdelay $0xc  }
0x1c4: {  	v8, v9, _ =	vpop (xrf1)  }
0x1c5: {  	v52, v51, _ =	vpop (xrf1)  }
0x1c6: {  	v10 =	vperm.xlane v52, v3  }
0x1c7: {  	v11 =	vperm.xlane v51, v3  }
0x1c8: {  	vm11 =	vge.f32 v8, v10  }
0x1c9: {  	s29 =	sadd.s32 $0xFFFFFFD0, s11;
	v8 =	vsel vm11, v8, v10;
	v9 =	vsel vm11, v9, v11  }
0x1ca: {  	v53 =	vor.u32 s29, v0;
	(xrf1) =	vsort.ascd.msk.f32 $0xffff, v8, v9  }
0x1cb: {  	(xrf1) =	vsort.ascd.msk.f32 $0xffff, v7, v53;
	_ =	sdelay $0xc  }
0x1cc: {  	v7, v8, _ =	vpop (xrf1)  }
0x1cd: {  	v55, v54, _ =	vpop (xrf1)  }
0x1ce: {  	v9 =	vperm.xlane v55, v3  }
0x1cf: {  	v10 =	vperm.xlane v54, v3  }
0x1d0: {  	vm12 =	vge.f32 v7, v9  }
0x1d1: {  	s30 =	sadd.s32 $0xFFFFFFE0, s11;
	v7 =	vsel vm12, v7, v9;
	v8 =	vsel vm12, v8, v10  }
0x1d2: {  	v56 =	vor.u32 s30, v0;
	(xrf1) =	vsort.ascd.msk.f32 $0xffff, v7, v8  }
0x1d3: {  	(xrf1) =	vsort.ascd.msk.f32 $0xffff, v6, v56;
	_ =	sdelay $0xc  }
0x1d4: {  	v6, v7, _ =	vpop (xrf1)  }
0x1d5: {  	v58, v57, _ =	vpop (xrf1)  }
0x1d6: {  	v8 =	vperm.xlane v58, v3  }
0x1d7: {  	v9 =	vperm.xlane v57, v3  }
0x1d8: {  	vm13 =	vge.f32 v6, v8  }
0x1d9: {  	s31 =	sadd.s32 $0xFFFFFFF0, s11;
	v6 =	vsel vm13, v6, v8;
	v7 =	vsel vm13, v7, v9  }
0x1da: {  	v59 =	vor.u32 s31, v0;
	(xrf1) =	vsort.ascd.msk.f32 $0xffff, v6, v7  }
0x1db: {  	(xrf1) =	vsort.ascd.msk.f32 $0xffff, v5, v59;
	_ =	sdelay $0xc  }
0x1dc: {  	v5, v6, _ =	vpop (xrf1)  }
0x1dd: {  	v61, v60, _ =	vpop (xrf1)  }
0x1de: {  	v7 =	vperm.xlane v61, v3  }
0x1df: {  	v8 =	vperm.xlane v60, v3  }
0x1e0: {  	vm14 =	vge.f32 v5, v7  }
0x1e1: {  	v5 =	vsel vm14, v5, v7;
	v6 =	vsel vm14, v6, v8  }
0x1e2: {  	(xrf1) =	vsort.ascd.msk.f32 $0xffff, v5, v6;
	v5 =	vor.u32 s11, v0  }
0x1e3: {  	(xrf1) =	vsort.ascd.msk.f32 $0xffff, v4, v5;
	_ =	sdelay $0xc  }
0x1e4: {  	v4, v5, _ =	vpop (xrf1)  }
0x1e5: {  	v63, v62, _ =	vpop (xrf1)  }
0x1e6: {  	v6 =	vperm.xlane v63, v3  }
0x1e7: {  	v7 =	vperm.xlane v62, v3  }
0x1e8: {  	vm15 =	vge.f32 v4, v6  }
0x1e9: {  	v4 =	vsel vm15, v4, v6;
	v5 =	vsel vm15, v5, v7  }
0x1ea: {  	(xrf1) =	vsort.ascd.msk.f32 $0xffff, v4, v5;
	_ =	sdelay $0xb  }
.Ltmp11:
0x1eb: {  	_ = 	snop;
	(pc) =	sbr.rel .LBB2_16-.Ltmp11, $4  }
0x1ec: {  	_ = 	snop  }
0x1ed: {  	v30, v28, _ =	vpop (xrf1)  }
0x1ee: {  	v4 =	vmax.f32 v30, v1  }
0x1ef: {  	v34 =	vbroadcast v4, $0x0  }
.LBB2_17:
0x1f0: {  	v0 =	vlaneseq.u32  }
0x1f1: {  	v1 =	vmul.u32 $0xFFFFFFFF, v0;
	_ =	sdelay $0x1  }
0x1f2: {  	v1 =	vadd.s32 $0xF, v1  }
0x1f3: {  	v2 =	vperm.xlane v30, v1  }
0x1f4: {  	v3 =	vperm.xlane v28, v1  }
0x1f5: {  	[tilespmem:$0x8000] =	vst v2  }
0x1f6: {  	s11 =	simm.s32 $0x8000;
	[tilespmem:$0x8080] =	vst v3  }
0x1f7: {  	[spmem:s10] =	stream.linear.scatter [tilespmem:s11], [sflag:$0x3], $0x10, $0x38;
	[tilespmem:$0xCAA0] =	vst v63  }
0x1f8: {  	s10 =	simm.s32 $0x3  }
0x1f9: {  	_ =	swait.ge [sflag:s10], $0x10  }
0x1fa: {  	[sflag:s10] =	ssyncset.done $0x0  }
0x1fb: {  	s12 =	simm.s32 $0x8080;
	[sflag:s10] =	ssyncadd.s32 $0xFFFFFFF0  }
0x1fc: {  	[spmem:s9] =	stream.linear.scatter [tilespmem:s12], [sflag:$0x3], $0x10, $0x38;
	[tilespmem:$0xCAA0] =	vst v63  }
0x1fd: {  	_ =	swait.ge [sflag:s10], $0x10  }
0x1fe: {  	[sflag:s10] =	ssyncset.done $0x0  }
0x1ff: {  	[sflag:s10] =	ssyncadd.s32 $0xFFFFFFF0  }
0x200: {  	[bflag:$0x0] =	sbarrier.arrive $0xFFFF  }
0x201: {  	_ =	sfence.sel @p0 $0x180000  }
0x202: {  	[bflag:$0x0] =	sbarrier.arrive @p0 $0xFFFF  }
0x203: {  	_ =	strace @p0 $0x90000047  }
0x204: {  	[bflag:$0x2] =	sbarrier.arrive @p0 $0xFFFF  }
0x205: {  	_ =	shalt @p0  }
.LBB2_18:
0x206: {  	s9 =	simm.s32 $0x8120  }
0x207: {  	[tilespmem:s9], [sflag:$0x3] =	stream.linear.gather [spmem:s8], $0x100, $0x38;
	[tilespmem:$0xCAA0] =	vst v63  }
0x208: {  	_ =	swait.ge [sflag:s10], $0x100  }
0x209: {  	[sflag:s10] =	ssyncset.done $0x0  }
0x20a: {  	s16 =	simm.s32 $0x8220;
	[sflag:s10] =	ssyncadd.s32 $0xFFFFFF00  }
0x20b: {  	[tilespmem:s16], [sflag:$0x3] =	stream.linear.gather [spmem:s7], $0x100, $0x38;
	[tilespmem:$0xCAA0] =	vst v63  }
0x20c: {  	_ =	swait.ge [sflag:s10], $0x100  }
0x20d: {  	[sflag:s10] =	ssyncset.done $0x0  }
0x20e: {  	s17 =	simm.s32 $0x2;
	[sflag:s10] =	ssyncadd.s32 $0xFFFFFF00  }
0x20f: {  	_ =	swait.ge [sflag:s17], $0x80  }
0x210: {  	[sflag:s17] =	ssyncset.done $0x0  }
0x211: {  	[sflag:s17] =	ssyncadd.s32 $0xFFFFFF80  }
0x212: {  	_ =	swait.ge [sflag:s17], $0x180  }
0x213: {  	[sflag:s17] =	ssyncset.done $0x0  }
0x214: {  	[sflag:s17] =	ssyncadd.s32 $0xFFFFFE80  }
0x215: {  	_ =	swait.ge [sflag:s17], $0x180  }
0x216: {  	v2 =	vmul.u32 $0x10, v0;
	[sflag:s17] =	ssyncset.done $0x0  }
0x217: {  	[sflag:s17] =	ssyncadd.s32 $0xFFFFFE80  }
0x218: {  	v3 =	vor.u32 $0x1, v2;
	_ =	swait.ge [sflag:s17], $0x80  }
0x219: {  	v4 =	vor.u32 $0x2, v2;
	[sflag:s17] =	ssyncset.done $0x0  }
0x21a: {  	v5 =	vor.u32 $0x3, v2;
	[sflag:s17] =	ssyncadd.s32 $0xFFFFFF80  }
0x21b: {  	v7 =	vor.u32 $0x4, v2;
	v6 =	vld [tilespmem:$0x8320]  }
0x21c: {  	v9 =	vor.u32 $0x5, v2;
	v8 =	vld.idx.msk [tilespmem:v2+s9+$0x0], $0xffff  }
0x21d: {  	v10 =	vor.u32 $0x6, v2;
	v3 =	vld.idx.msk [tilespmem:v3+s9+$0x0], $0xffff  }
0x21e: {  	v11 =	vor.u32 $0x7, v2;
	v4 =	vld.idx.msk [tilespmem:v4+s9+$0x0], $0xffff  }
0x21f: {  	v12 =	vor.u32 $0x8, v2;
	v5 =	vld.idx.msk [tilespmem:v5+s9+$0x0], $0xffff  }
0x220: {  	v13 =	vor.u32 $0x9, v2;
	v7 =	vld.idx.msk [tilespmem:v7+s9+$0x0], $0xffff  }
0x221: {  	v14 =	vor.u32 $0xA, v2;
	v9 =	vld.idx.msk [tilespmem:v9+s9+$0x0], $0xffff  }
0x222: {  	v15 =	vor.u32 $0xB, v2;
	v10 =	vld.idx.msk [tilespmem:v10+s9+$0x0], $0xffff;
	v8 =	vadd.f32 v8, v6  }
0x223: {  	v16 =	vor.u32 $0xC, v2;
	v11 =	vld.idx.msk [tilespmem:v11+s9+$0x0], $0xffff;
	v3 =	vadd.f32 v3, v6  }
0x224: {  	v48 =	vor.u32 $0x10, v0;
	v51 =	vor.u32 $0xD, v2;
	v50 =	vld.idx.msk [tilespmem:v12+s9+$0x0], $0xffff;
	v4 =	vadd.f32 v4, v6;
	(xrf1) =	vsort.ascd.msk.f32 $0xffff, v8, v0  }
0x225: {  	v49 =	vor.u32 $0x20, v0;
	v55 =	vor.u32 $0xE, v2;
	v54 =	vld.idx.msk [tilespmem:v13+s9+$0x0], $0xffff;
	v5 =	vadd.f32 v5, v6;
	(xrf1) =	vsort.ascd.msk.f32 $0xffff, v3, v48  }
0x226: {  	v52 =	vor.u32 $0x30, v0;
	v58 =	vld.idx.msk [tilespmem:v14+s9+$0x0], $0xffff;
	v2 =	vor.u32 $0xF, v2;
	v53 =	vadd.f32 v7, v6;
	(xrf1) =	vsort.ascd.msk.f32 $0xffff, v4, v49  }
0x227: {  	v56 =	vor.u32 $0x40, v0;
	v61 =	vld.idx.msk [tilespmem:v15+s9+$0x0], $0xffff;
	v57 =	vadd.f32 v9, v6;
	(xrf1) =	vsort.ascd.msk.f32 $0xffff, v5, v52  }
0x228: {  	v59 =	vor.u32 $0x50, v0;
	v14 =	vld.idx.msk [tilespmem:v16+s9+$0x0], $0xffff;
	v60 =	vadd.f32 v10, v6;
	(xrf1) =	vsort.ascd.msk.f32 $0xffff, v53, v56  }
0x229: {  	v62 =	vor.u32 $0x60, v0;
	v17 =	vld.idx.msk [tilespmem:v51+s9+$0x0], $0xffff;
	v63 =	vadd.f32 v11, v6;
	(xrf1) =	vsort.ascd.msk.f32 $0xffff, v57, v59  }
0x22a: {  	v15 =	vor.u32 $0x70, v0;
	v20 =	vld.idx.msk [tilespmem:v55+s9+$0x0], $0xffff;
	v16 =	vadd.f32 v50, v6;
	(xrf1) =	vsort.ascd.msk.f32 $0xffff, v60, v62  }
0x22b: {  	v18 =	vor.u32 $0x80, v0;
	v19 =	vadd.f32 v54, v6;
	v2 =	vld.idx.msk [tilespmem:v2+s9+$0x0], $0xffff;
	(xrf1) =	vsort.ascd.msk.f32 $0xffff, v63, v15  }
0x22c: {  	v21 =	vor.u32 $0x90, v0;
	v22 =	vadd.f32 v58, v6;
	(xrf1) =	vsort.ascd.msk.f32 $0xffff, v16, v18  }
0x22d: {  	v23 =	vor.u32 $0xA0, v0;
	v24 =	vadd.f32 v61, v6;
	(xrf1) =	vsort.ascd.msk.f32 $0xffff, v19, v21  }
0x22e: {  	v25 =	vor.u32 $0xB0, v0;
	v26 =	vadd.f32 v14, v6;
	(xrf1) =	vsort.ascd.msk.f32 $0xffff, v22, v23  }
0x22f: {  	v27 =	vor.u32 $0xC0, v0;
	v28 =	vadd.f32 v17, v6;
	(xrf1) =	vsort.ascd.msk.f32 $0xffff, v24, v25  }
0x230: {  	v29 =	vor.u32 $0xD0, v0;
	v30 =	vadd.f32 v20, v6;
	v2 =	vadd.f32 v2, v6;
	(xrf1) =	vsort.ascd.msk.f32 $0xffff, v26, v27  }
0x231: {  	v31 =	vor.u32 $0xE0, v0;
	(xrf1) =	vsort.ascd.msk.f32 $0xffff, v28, v29  }
0x232: {  	v34 =	vor.u32 $0xF0, v0;
	v32, v33, _ =	vpop (xrf1);
	(xrf1) =	vsort.ascd.msk.f32 $0xffff, v30, v31  }
0x233: {  	v35, v7, _ =	vpop (xrf1);
	(xrf1) =	vsort.ascd.msk.f32 $0xffff, v2, v34  }
0x234: {  	v2, v3, _ =	vpop (xrf1)  }
0x235: {  	v4 =	vperm.xlane v35, v1;
	v37, v36, _ =	vpop (xrf1)  }
0x236: {  	v7 =	vperm.xlane v7, v1;
	v38, v39, _ =	vpop (xrf1);
	v8 =	vperm.xlane v37, v1  }
0x237: {  	vm0 =	vge.f32 v32, v4;
	v42 =	vperm.xlane v36, v1;
	v40, v41, _ =	vpop (xrf1)  }
0x238: {  	v4 =	vsel vm0, v32, v4;
	v6 =	vsel vm0, v33, v7;
	v44, v43, _ =	vpop (xrf1);
	vm10 =	vge.f32 v2, v8  }
0x239: {  	v45 =	vperm.xlane v40, v1;
	(xrf1) =	vsort.ascd.msk.f32 $0xffff, v4, v6;
	v50 =	vperm.xlane v41, v1;
	v47, v46, _ =	vpop (xrf1)  }
0x23a: {  	v2 =	vsel vm10, v2, v8;
	v3 =	vsel vm10, v3, v42;
	v48, v49, _ =	vpop (xrf1);
	v51 =	vperm.xlane v47, v1  }
0x23b: {  	vm11 =	vge.f32 v38, v45;
	(xrf1) =	vsort.ascd.msk.f32 $0xffff, v2, v3;
	v55 =	vperm.xlane v46, v1;
	v53, v52, _ =	vpop (xrf1)  }
0x23c: {  	v54 =	vsel vm11, v38, v45;
	v6 =	vsel vm11, v39, v50;
	v7, v10, _ =	vpop (xrf1);
	vm12 =	vge.f32 v44, v51  }
0x23d: {  	v56 =	vperm.xlane v53, v1;
	(xrf1) =	vsort.ascd.msk.f32 $0xffff, v54, v6;
	v62 =	vperm.xlane v52, v1;
	v58, v57, _ =	vpop (xrf1)  }
0x23e: {  	v59 =	vsel vm12, v44, v51;
	v3 =	vsel vm12, v43, v55;
	v60, v61, _ =	vpop (xrf1);
	v12 =	vperm.xlane v58, v1  }
0x23f: {  	vm13 =	vge.f32 v48, v56;
	(xrf1) =	vsort.ascd.msk.f32 $0xffff, v59, v3;
	v22 =	vperm.xlane v57, v1;
	v18, v63, _ =	vpop (xrf1)  }
0x240: {  	v19 =	vsel vm13, v48, v56;
	v5 =	vsel vm13, v49, v62;
	v20, v21, _ =	vpop (xrf1);
	vm14 =	vge.f32 v7, v12  }
0x241: {  	(xrf1) =	vsort.ascd.msk.f32 $0xffff, v19, v5;
	v26 =	vperm.xlane v18, v1;
	v28 =	vperm.xlane v63, v1;
	v23, v24, _ =	vpop (xrf1)  }
0x242: {  	v25 =	vsel vm14, v7, v12;
	v27 =	vsel vm14, v10, v22;
	v29 =	vperm.xlane v23, v1  }
0x243: {  	(xrf1) =	vsort.ascd.msk.f32 $0xffff, v25, v27;
	vm15 =	vge.f32 v60, v26;
	v30 =	vperm.xlane v24, v1  }
0x244: {  	v5 =	vsel vm15, v60, v26;
	v31 =	vsel vm15, v61, v28;
	vm4 =	vge.f32 v20, v29  }
0x245: {  	(xrf1) =	vsort.ascd.msk.f32 $0xffff, v5, v31;
	v3 =	vsel vm4, v20, v29;
	v2 =	vsel vm4, v21, v30  }
0x246: {  	(xrf1) =	vsort.ascd.msk.f32 $0xffff, v3, v2;
	_ =	sdelay $0x6  }
0x247: {  	v2, v3, _ =	vpop (xrf1)  }
0x248: {  	v33, v32, _ =	vpop (xrf1)  }
0x249: {  	v35, v34, _ =	vpop (xrf1)  }
0x24a: {  	v4 =	vperm.xlane v33, v1;
	v8, v9, _ =	vpop (xrf1)  }
0x24b: {  	v5 =	vperm.xlane v32, v1;
	v8 =	vperm.xlane v8, v1;
	v36, v11, _ =	vpop (xrf1)  }
0x24c: {  	vm5 =	vge.f32 v2, v4;
	v41 =	vperm.xlane v9, v1;
	v37, v38, _ =	vpop (xrf1)  }
0x24d: {  	v2 =	vsel vm5, v2, v4;
	v3 =	vsel vm5, v3, v5;
	vm6 =	vge.f32 v35, v8;
	v40, v39, _ =	vpop (xrf1)  }
0x24e: {  	(xrf1) =	vsort.ascd.msk.f32 $0xffff, v2, v3;
	v44 =	vsel vm6, v35, v8;
	v45 =	vperm.xlane v37, v1;
	v43, v42, _ =	vpop (xrf1)  }
0x24f: {  	v5 =	vsel vm6, v34, v41;
	v46 =	vperm.xlane v38, v1;
	v47 =	vperm.xlane v43, v1  }
0x250: {  	(xrf1) =	vsort.ascd.msk.f32 $0xffff, v44, v5;
	vm7 =	vge.f32 v36, v45;
	v48 =	vperm.xlane v42, v1  }
0x251: {  	v3 =	vsel vm7, v36, v45;
	v49 =	vsel vm7, v11, v46;
	vm8 =	vge.f32 v40, v47  }
0x252: {  	(xrf1) =	vsort.ascd.msk.f32 $0xffff, v3, v49;
	v50 =	vsel vm8, v40, v47;
	v2 =	vsel vm8, v39, v48  }
0x253: {  	(xrf1) =	vsort.ascd.msk.f32 $0xffff, v50, v2;
	_ =	sdelay $0xa  }
0x254: {  	v2, v3, _ =	vpop (xrf1)  }
0x255: {  	v52, v51, _ =	vpop (xrf1)  }
0x256: {  	v53, v54, _ =	vpop (xrf1)  }
0x257: {  	v4 =	vperm.xlane v52, v1;
	v55, v56, _ =	vpop (xrf1)  }
0x258: {  	v5 =	vperm.xlane v51, v1;
	v8 =	vperm.xlane v55, v1  }
0x259: {  	vm9 =	vge.f32 v2, v4;
	v9 =	vperm.xlane v56, v1  }
0x25a: {  	v2 =	vsel vm9, v2, v4;
	v3 =	vsel vm9, v3, v5;
	vm10 =	vge.f32 v53, v8  }
0x25b: {  	(xrf1) =	vsort.ascd.msk.f32 $0xffff, v2, v3;
	v57 =	vsel vm10, v53, v8;
	v58 =	vsel vm10, v54, v9  }
0x25c: {  	(xrf1) =	vsort.ascd.msk.f32 $0xffff, v57, v58;
	_ =	sdelay $0xc  }
0x25d: {  	v2, v3, _ =	vpop (xrf1)  }
0x25e: {  	v59, v60, _ =	vpop (xrf1)  }
0x25f: {  	v4 =	vperm.xlane v59, v1  }
0x260: {  	v5 =	vperm.xlane v60, v1  }
0x261: {  	vm11 =	vge.f32 v2, v4  }
0x262: {  	v2 =	vsel vm11, v2, v4;
	v3 =	vsel vm11, v3, v5  }
0x263: {  	(xrf1) =	vsort.ascd.msk.f32 $0xffff, v2, v3;
	_ =	sdelay $0xd  }
0x264: {  	v61, v2, _ =	vpop (xrf1)  }
0x265: {  	v62 =	vperm.xlane v2, v1  }
0x266: {  	v63 =	vld [tilespmem:$0x86A0]  }
0x267: {  	v2 =	vand.u32 $0xF, v62  }
0x268: {  	v10 =	vshrl.u32 v62, $0x4;
	v11 =	vshll.u32 v2, $0x4  }
0x269: {  	v12 =	vadd.s32 v10, v11  }
0x26a: {  	v14 =	vmul.u32 $0x14, v0;
	v13 =	vmul.u32 $0x14, v2  }
0x26b: {  	vm12 =	vgt.s32 v63, $0x0  }
0x26c: {  	v17 =	vsel vm12, v13, v14  }
0x26d: {  	v15 =	vperm.xlane v61, v1  }
0x26e: {  	v16 =	vld.idx.msk [tilespmem:v12+s16+$0x0], $0xffff  }
0x26f: {  	s18 =	simm.s32 $0x0;
	s19 =	simm.s32 $0x83A0;
	v18 =	vld.idx.msk [tilespmem:v12+s9+$0x0], $0xffff;
	[tilespmem:$0x8000] =	vst v15  }
0x270: {  	[hbm4b:s6+s18] =	stream.linear.scatter [tilespmem:s11], [sflag:$0x2], $0x80, $0x38;
	[tilespmem:$0xCAA0] =	vst v63  }
0x271: {  	v19 =	vld.idx.msk [tilespmem:v17+s19+$0x0], $0xffff;
	_ =	sdelay $0x3  }
0x272: {  	vm13 =	veq.s32 v63, $0x0  }
0x273: {  	s20 =	simm.s32 $0x8720;
	v8 =	vsel vm13, v16, v19  }
0x274: {  	s12 =	simm.s32 $0x8520;
	[tilespmem:v14+s20+$0x0] =	vst.idx.msk $0xffff, v8  }
0x275: {  	v8 =	vld.idx.msk [tilespmem:v17+s12+$0x0], $0xffff  }
0x276: {  	vm1 =	vgt.s32 v63, $0x1;
	v21 =	vor.u32 $0x1, v14;
	v20 =	vor.u32 $0x1, v13  }
0x277: {  	v9 =	vsel vm1, v20, v21;
	_ =	sdelay $0x2  }
0x278: {  	s21 =	simm.s32 $0x88A0;
	v8 =	vsel vm13, v18, v8  }
0x279: {  	[tilespmem:v14+s21+$0x0] =	vst.idx.msk $0xffff, v8  }
0x27a: {  	v8 =	vld.idx.msk [tilespmem:v9+s19+$0x0], $0xffff;
	_ =	sdelay $0x3  }
0x27b: {  	vm14 =	veq.s32 v63, $0x1  }
0x27c: {  	v8 =	vsel vm14, v16, v8  }
0x27d: {  	[tilespmem:v21+s20+$0x0] =	vst.idx.msk $0xffff, v8  }
0x27e: {  	v8 =	vld.idx.msk [tilespmem:v9+s12+$0x0], $0xffff  }
0x27f: {  	v23 =	vor.u32 $0x2, v14;
	vm15 =	vgt.s32 v63, $0x2;
	v22 =	vor.u32 $0x2, v13  }
0x280: {  	v9 =	vsel vm15, v22, v23;
	_ =	sdelay $0x2  }
0x281: {  	v8 =	vsel vm14, v18, v8  }
0x282: {  	[tilespmem:v21+s21+$0x0] =	vst.idx.msk $0xffff, v8  }
0x283: {  	v8 =	vld.idx.msk [tilespmem:v9+s19+$0x0], $0xffff;
	_ =	sdelay $0x3  }
0x284: {  	vm4 =	veq.s32 v63, $0x2  }
0x285: {  	v8 =	vsel vm4, v16, v8  }
0x286: {  	[tilespmem:v23+s20+$0x0] =	vst.idx.msk $0xffff, v8  }
0x287: {  	v8 =	vld.idx.msk [tilespmem:v9+s12+$0x0], $0xffff  }
0x288: {  	v25 =	vor.u32 $0x3, v14;
	vm5 =	vgt.s32 v63, $0x3;
	v24 =	vor.u32 $0x3, v13  }
0x289: {  	v9 =	vsel vm5, v24, v25;
	_ =	sdelay $0x2  }
0x28a: {  	v8 =	vsel vm4, v18, v8  }
0x28b: {  	[tilespmem:v23+s21+$0x0] =	vst.idx.msk $0xffff, v8  }
0x28c: {  	v8 =	vld.idx.msk [tilespmem:v9+s19+$0x0], $0xffff;
	_ =	sdelay $0x3  }
0x28d: {  	vm6 =	veq.s32 v63, $0x3  }
0x28e: {  	v8 =	vsel vm6, v16, v8  }
0x28f: {  	[tilespmem:v25+s20+$0x0] =	vst.idx.msk $0xffff, v8  }
0x290: {  	v8 =	vld.idx.msk [tilespmem:v9+s12+$0x0], $0xffff  }
0x291: {  	v27 =	vadd.s32 $0x4, v14;
	vm7 =	vgt.s32 v63, $0x4;
	v26 =	vadd.s32 $0x4, v13  }
0x292: {  	v9 =	vsel vm7, v26, v27;
	_ =	sdelay $0x2  }
0x293: {  	v8 =	vsel vm6, v18, v8  }
0x294: {  	[tilespmem:v25+s21+$0x0] =	vst.idx.msk $0xffff, v8  }
0x295: {  	v8 =	vld.idx.msk [tilespmem:v9+s19+$0x0], $0xffff;
	_ =	sdelay $0x3  }
0x296: {  	vm8 =	veq.s32 v63, $0x4  }
0x297: {  	v8 =	vsel vm8, v16, v8  }
0x298: {  	[tilespmem:v27+s20+$0x0] =	vst.idx.msk $0xffff, v8  }
0x299: {  	v8 =	vld.idx.msk [tilespmem:v9+s12+$0x0], $0xffff  }
0x29a: {  	v29 =	vadd.s32 $0x5, v14;
	vm9 =	vgt.s32 v63, $0x5;
	v28 =	vadd.s32 $0x5, v13  }
0x29b: {  	v9 =	vsel vm9, v28, v29;
	_ =	sdelay $0x2  }
0x29c: {  	v8 =	vsel vm8, v18, v8  }
0x29d: {  	[tilespmem:v27+s21+$0x0] =	vst.idx.msk $0xffff, v8  }
0x29e: {  	v8 =	vld.idx.msk [tilespmem:v9+s19+$0x0], $0xffff;
	_ =	sdelay $0x3  }
0x29f: {  	vm10 =	veq.s32 v63, $0x5  }
0x2a0: {  	v8 =	vsel vm10, v16, v8  }
0x2a1: {  	[tilespmem:v29+s20+$0x0] =	vst.idx.msk $0xffff, v8  }
0x2a2: {  	v8 =	vld.idx.msk [tilespmem:v9+s12+$0x0], $0xffff  }
0x2a3: {  	v31 =	vadd.s32 $0x6, v14;
	vm11 =	vgt.s32 v63, $0x6;
	v30 =	vadd.s32 $0x6, v13  }
0x2a4: {  	v9 =	vsel vm11, v30, v31;
	_ =	sdelay $0x2  }
0x2a5: {  	v8 =	vsel vm10, v18, v8  }
0x2a6: {  	[tilespmem:v29+s21+$0x0] =	vst.idx.msk $0xffff, v8  }
0x2a7: {  	v8 =	vld.idx.msk [tilespmem:v9+s19+$0x0], $0xffff;
	_ =	sdelay $0x3  }
0x2a8: {  	vm12 =	veq.s32 v63, $0x6  }
0x2a9: {  	v8 =	vsel vm12, v16, v8  }
0x2aa: {  	[tilespmem:v31+s20+$0x0] =	vst.idx.msk $0xffff, v8  }
0x2ab: {  	v8 =	vld.idx.msk [tilespmem:v9+s12+$0x0], $0xffff  }
0x2ac: {  	v33 =	vadd.s32 $0x7, v14;
	v32 =	vadd.s32 $0x7, v13;
	vm13 =	vgt.s32 v63, $0x7  }
0x2ad: {  	v9 =	vsel vm13, v32, v33;
	_ =	sdelay $0x2  }
0x2ae: {  	v8 =	vsel vm12, v18, v8  }
0x2af: {  	[tilespmem:v31+s21+$0x0] =	vst.idx.msk $0xffff, v8  }
0x2b0: {  	v8 =	vld.idx.msk [tilespmem:v9+s19+$0x0], $0xffff;
	_ =	sdelay $0x3  }
0x2b1: {  	vm14 =	veq.s32 v63, $0x7  }
0x2b2: {  	v8 =	vsel vm14, v16, v8  }
0x2b3: {  	[tilespmem:v33+s20+$0x0] =	vst.idx.msk $0xffff, v8  }
0x2b4: {  	v8 =	vld.idx.msk [tilespmem:v9+s12+$0x0], $0xffff  }
0x2b5: {  	v35 =	vadd.s32 $0x8, v14;
	v34 =	vadd.s32 $0x8, v13;
	vm15 =	vgt.s32 v63, $0x8  }
0x2b6: {  	v9 =	vsel vm15, v34, v35;
	_ =	sdelay $0x2  }
0x2b7: {  	v8 =	vsel vm14, v18, v8  }
0x2b8: {  	[tilespmem:v33+s21+$0x0] =	vst.idx.msk $0xffff, v8  }
0x2b9: {  	v8 =	vld.idx.msk [tilespmem:v9+s19+$0x0], $0xffff;
	_ =	sdelay $0x3  }
0x2ba: {  	vm4 =	veq.s32 v63, $0x8  }
0x2bb: {  	v8 =	vsel vm4, v16, v8  }
0x2bc: {  	[tilespmem:v35+s20+$0x0] =	vst.idx.msk $0xffff, v8  }
0x2bd: {  	v8 =	vld.idx.msk [tilespmem:v9+s12+$0x0], $0xffff  }
0x2be: {  	v37 =	vadd.s32 $0x9, v14;
	v36 =	vadd.s32 $0x9, v13;
	vm5 =	vgt.s32 v63, $0x9  }
0x2bf: {  	v9 =	vsel vm5, v36, v37;
	_ =	sdelay $0x2  }
0x2c0: {  	v8 =	vsel vm4, v18, v8  }
0x2c1: {  	[tilespmem:v35+s21+$0x0] =	vst.idx.msk $0xffff, v8  }
0x2c2: {  	v8 =	vld.idx.msk [tilespmem:v9+s19+$0x0], $0xffff;
	_ =	sdelay $0x3  }
0x2c3: {  	vm6 =	veq.s32 v63, $0x9  }
0x2c4: {  	v8 =	vsel vm6, v16, v8  }
0x2c5: {  	[tilespmem:v37+s20+$0x0] =	vst.idx.msk $0xffff, v8  }
0x2c6: {  	v8 =	vld.idx.msk [tilespmem:v9+s12+$0x0], $0xffff  }
0x2c7: {  	v39 =	vadd.s32 $0xA, v14;
	v38 =	vadd.s32 $0xA, v13;
	vm7 =	vgt.s32 v63, $0xA  }
0x2c8: {  	v9 =	vsel vm7, v38, v39;
	_ =	sdelay $0x2  }
0x2c9: {  	v8 =	vsel vm6, v18, v8  }
0x2ca: {  	[tilespmem:v37+s21+$0x0] =	vst.idx.msk $0xffff, v8  }
0x2cb: {  	v8 =	vld.idx.msk [tilespmem:v9+s19+$0x0], $0xffff;
	_ =	sdelay $0x3  }
0x2cc: {  	vm8 =	veq.s32 v63, $0xA  }
0x2cd: {  	v8 =	vsel vm8, v16, v8  }
0x2ce: {  	[tilespmem:v39+s20+$0x0] =	vst.idx.msk $0xffff, v8  }
0x2cf: {  	v8 =	vld.idx.msk [tilespmem:v9+s12+$0x0], $0xffff  }
0x2d0: {  	v41 =	vadd.s32 $0xB, v14;
	v40 =	vadd.s32 $0xB, v13;
	vm9 =	vgt.s32 v63, $0xB  }
0x2d1: {  	v9 =	vsel vm9, v40, v41;
	_ =	sdelay $0x2  }
0x2d2: {  	v8 =	vsel vm8, v18, v8  }
0x2d3: {  	[tilespmem:v39+s21+$0x0] =	vst.idx.msk $0xffff, v8  }
0x2d4: {  	v8 =	vld.idx.msk [tilespmem:v9+s19+$0x0], $0xffff;
	_ =	sdelay $0x3  }
0x2d5: {  	vm10 =	veq.s32 v63, $0xB  }
0x2d6: {  	v8 =	vsel vm10, v16, v8  }
0x2d7: {  	[tilespmem:v41+s20+$0x0] =	vst.idx.msk $0xffff, v8  }
0x2d8: {  	v8 =	vld.idx.msk [tilespmem:v9+s12+$0x0], $0xffff  }
0x2d9: {  	v43 =	vadd.s32 $0xC, v14;
	v42 =	vadd.s32 $0xC, v13;
	vm11 =	vgt.s32 v63, $0xC  }
0x2da: {  	v9 =	vsel vm11, v42, v43;
	_ =	sdelay $0x2  }
0x2db: {  	v8 =	vsel vm10, v18, v8  }
0x2dc: {  	[tilespmem:v41+s21+$0x0] =	vst.idx.msk $0xffff, v8  }
0x2dd: {  	v8 =	vld.idx.msk [tilespmem:v9+s19+$0x0], $0xffff;
	_ =	sdelay $0x3  }
0x2de: {  	vm12 =	veq.s32 v63, $0xC  }
0x2df: {  	v8 =	vsel vm12, v16, v8  }
0x2e0: {  	[tilespmem:v43+s20+$0x0] =	vst.idx.msk $0xffff, v8  }
0x2e1: {  	v8 =	vld.idx.msk [tilespmem:v9+s12+$0x0], $0xffff  }
0x2e2: {  	v45 =	vadd.s32 $0xD, v14;
	v44 =	vadd.s32 $0xD, v13;
	vm13 =	vgt.s32 v63, $0xD  }
0x2e3: {  	v9 =	vsel vm13, v44, v45;
	_ =	sdelay $0x2  }
0x2e4: {  	v8 =	vsel vm12, v18, v8  }
0x2e5: {  	[tilespmem:v43+s21+$0x0] =	vst.idx.msk $0xffff, v8  }
0x2e6: {  	v8 =	vld.idx.msk [tilespmem:v9+s19+$0x0], $0xffff;
	_ =	sdelay $0x3  }
0x2e7: {  	vm14 =	veq.s32 v63, $0xD  }
0x2e8: {  	v8 =	vsel vm14, v16, v8  }
0x2e9: {  	[tilespmem:v45+s20+$0x0] =	vst.idx.msk $0xffff, v8  }
0x2ea: {  	v8 =	vld.idx.msk [tilespmem:v9+s12+$0x0], $0xffff  }
0x2eb: {  	v47 =	vadd.s32 $0xE, v14;
	v46 =	vadd.s32 $0xE, v13;
	vm15 =	vgt.s32 v63, $0xE  }
0x2ec: {  	v9 =	vsel vm15, v46, v47;
	_ =	sdelay $0x2  }
0x2ed: {  	v8 =	vsel vm14, v18, v8  }
0x2ee: {  	[tilespmem:v45+s21+$0x0] =	vst.idx.msk $0xffff, v8  }
0x2ef: {  	v8 =	vld.idx.msk [tilespmem:v9+s19+$0x0], $0xffff;
	_ =	sdelay $0x3  }
0x2f0: {  	vm4 =	veq.s32 v63, $0xE  }
0x2f1: {  	v8 =	vsel vm4, v16, v8  }
0x2f2: {  	[tilespmem:v47+s20+$0x0] =	vst.idx.msk $0xffff, v8  }
0x2f3: {  	v8 =	vld.idx.msk [tilespmem:v9+s12+$0x0], $0xffff  }
0x2f4: {  	v49 =	vadd.s32 $0xF, v14;
	v48 =	vadd.s32 $0xF, v13;
	vm5 =	vgt.s32 v63, $0xF  }
0x2f5: {  	v9 =	vsel vm5, v48, v49;
	_ =	sdelay $0x2  }
0x2f6: {  	v8 =	vsel vm4, v18, v8  }
0x2f7: {  	[tilespmem:v47+s21+$0x0] =	vst.idx.msk $0xffff, v8  }
0x2f8: {  	v8 =	vld.idx.msk [tilespmem:v9+s19+$0x0], $0xffff;
	_ =	sdelay $0x3  }
0x2f9: {  	vm6 =	veq.s32 v63, $0xF  }
0x2fa: {  	v8 =	vsel vm6, v16, v8  }
0x2fb: {  	[tilespmem:v49+s20+$0x0] =	vst.idx.msk $0xffff, v8  }
0x2fc: {  	v8 =	vld.idx.msk [tilespmem:v9+s12+$0x0], $0xffff  }
0x2fd: {  	v51 =	vadd.s32 $0x10, v14;
	v50 =	vadd.s32 $0x10, v13;
	vm7 =	vgt.s32 v63, $0x10  }
0x2fe: {  	v9 =	vsel vm7, v50, v51;
	_ =	sdelay $0x2  }
0x2ff: {  	v8 =	vsel vm6, v18, v8  }
0x300: {  	[tilespmem:v49+s21+$0x0] =	vst.idx.msk $0xffff, v8  }
0x301: {  	v8 =	vld.idx.msk [tilespmem:v9+s19+$0x0], $0xffff;
	_ =	sdelay $0x3  }
0x302: {  	vm8 =	veq.s32 v63, $0x10  }
0x303: {  	v8 =	vsel vm8, v16, v8  }
0x304: {  	[tilespmem:v51+s20+$0x0] =	vst.idx.msk $0xffff, v8  }
0x305: {  	v8 =	vld.idx.msk [tilespmem:v9+s12+$0x0], $0xffff  }
0x306: {  	v53 =	vadd.s32 $0x11, v14;
	v52 =	vadd.s32 $0x11, v13;
	vm9 =	vgt.s32 v63, $0x11  }
0x307: {  	v9 =	vsel vm9, v52, v53;
	_ =	sdelay $0x2  }
0x308: {  	v8 =	vsel vm8, v18, v8  }
0x309: {  	[tilespmem:v51+s21+$0x0] =	vst.idx.msk $0xffff, v8  }
0x30a: {  	v8 =	vld.idx.msk [tilespmem:v9+s19+$0x0], $0xffff;
	_ =	sdelay $0x3  }
0x30b: {  	vm10 =	veq.s32 v63, $0x11  }
0x30c: {  	v8 =	vsel vm10, v16, v8  }
0x30d: {  	[tilespmem:v53+s20+$0x0] =	vst.idx.msk $0xffff, v8  }
0x30e: {  	v8 =	vld.idx.msk [tilespmem:v9+s12+$0x0], $0xffff  }
0x30f: {  	v55 =	vadd.s32 $0x12, v14;
	v54 =	vadd.s32 $0x12, v13;
	vm11 =	vgt.s32 v63, $0x12  }
0x310: {  	v9 =	vsel vm11, v54, v55;
	_ =	sdelay $0x2  }
0x311: {  	v8 =	vsel vm10, v18, v8  }
0x312: {  	[tilespmem:v53+s21+$0x0] =	vst.idx.msk $0xffff, v8  }
0x313: {  	v8 =	vld.idx.msk [tilespmem:v9+s19+$0x0], $0xffff;
	_ =	sdelay $0x3  }
0x314: {  	vm12 =	veq.s32 v63, $0x12  }
0x315: {  	v8 =	vsel vm12, v16, v8  }
0x316: {  	[tilespmem:v55+s20+$0x0] =	vst.idx.msk $0xffff, v8  }
0x317: {  	v8 =	vld.idx.msk [tilespmem:v9+s12+$0x0], $0xffff  }
0x318: {  	v7 =	vadd.s32 $0x13, v14;
	v6 =	vadd.s32 $0x13, v13;
	vm13 =	vgt.s32 v63, $0x13  }
0x319: {  	v6 =	vsel vm13, v6, v7;
	_ =	sdelay $0x2  }
0x31a: {  	v8 =	vsel vm12, v18, v8  }
0x31b: {  	[tilespmem:v55+s21+$0x0] =	vst.idx.msk $0xffff, v8  }
0x31c: {  	v8 =	vld.idx.msk [tilespmem:v6+s19+$0x0], $0xffff;
	_ =	sdelay $0x3  }
0x31d: {  	vm14 =	veq.s32 v63, $0x13  }
0x31e: {  	v4 =	vsel vm14, v16, v8  }
0x31f: {  	[tilespmem:v7+s20+$0x0] =	vst.idx.msk $0xffff, v4  }
0x320: {  	v4 =	vld.idx.msk [tilespmem:v6+s12+$0x0], $0xffff;
	_ =	sdelay $0x1  }
0x321: {  	v56 =	vshll.u32 v62, $0x2  }
0x322: {  	v3 =	vand.u32 $0x7, v62;
	v5 =	vand.u32 $0x20, v56  }
0x323: {  	v57 =	vand.u32 $0x7, v0;
	v58 =	vshrl.u32 v0, $0x3;
	v3 =	vor.u32 v3, v5  }
0x324: {  	v59 =	vperm.xlane v3, v57;
	v6 =	vmul.u32 $0x8, v58;
	v1 =	vsel vm14, v18, v4  }
0x325: {  	[tilespmem:v7+s21+$0x0] =	vst.idx.msk $0xffff, v1  }
0x326: {  	v60 =	vadd.s32 v6, v59;
	[hbm4b:s5+s18] =	stream.linear.scatter [tilespmem:s20], [sflag:$0x2], $0x180, $0x38;
	[tilespmem:$0xCAA0] =	vst v63  }
0x327: {  	v61 =	vor.u32 $0x8, v0  }
0x328: {  	v3 =	vperm.xlane v3, v61;
	[hbm4b:s4+s18] =	stream.linear.scatter [tilespmem:s21], [sflag:$0x2], $0x180, $0x38;
	[tilespmem:$0xCAA0] =	vst v63  }
0x329: {  	[tilespmem:$0x8A20] =	vst v2;
	v2 =	vor.u32 $0x10, v2  }
0x32a: {  	s22 =	simm.s32 $0x8AA0;
	vm15 =	vmmov $0xffff;
	v62 =	vadd.s32 v6, v3;
	[tilespmem:$0x8A30] =	vst v2  }
0x32b: {  	[tilespmem:s22], [sflag:$0x1] =	stream.indirect_vreg.gather [hbm4b:s2+s18], $0x80, v60, vm15, $0xb8;
	[tilespmem:$0xCAA0] =	vst v63  }
0x32c: {  	s23 =	simm.s32 $0x92A0  }
0x32d: {  	[tilespmem:s23], [sflag:$0x1] =	stream.indirect_vreg.gather [hbm4b:s3+s18], $0x80, v60, vm15, $0xb8;
	[tilespmem:$0xCAA0] =	vst v63  }
0x32e: {  	s24 =	simm.s32 $0x9AA0  }
0x32f: {  	[tilespmem:s24], [sflag:$0x1] =	stream.indirect_vreg.gather [hbm4b:s2+s18], $0x80, v62, vm15, $0xb8;
	[tilespmem:$0xCAA0] =	vst v63  }
0x330: {  	s25 =	simm.s32 $0xA2A0  }
0x331: {  	[tilespmem:s25], [sflag:$0x1] =	stream.indirect_vreg.gather [hbm4b:s3+s18], $0x80, v62, vm15, $0xb8;
	[tilespmem:$0xCAA0] =	vst v63  }
0x332: {  	v1 =	vld [tilespmem:$0x8A30];
	_ =	sdelay $0x4  }
0x333: {  	v63 =	vshll.u32 v1, $0x2  }
0x334: {  	v1 =	vand.u32 $0x7, v1;
	v2 =	vand.u32 $0xFFFFFFE0, v63  }
0x335: {  	v1 =	vor.u32 v1, v2  }
0x336: {  	v2 =	vperm.xlane v1, v57;
	_ =	sdelay $0x1  }
0x337: {  	v2 =	vadd.s32 v6, v2;
	_ =	sdelay $0x1  }
0x338: {  	v0 =	vperm.xlane v1, v61;
	_ =	sdelay $0x1  }
0x339: {  	s26 =	simm.s32 $0xAAA0;
	v0 =	vadd.s32 v6, v0  }
0x33a: {  	[tilespmem:s26], [sflag:$0x1] =	stream.indirect_vreg.gather [hbm4b:s2+s18], $0x80, v2, vm15, $0xb8;
	[tilespmem:$0xCAA0] =	vst v63  }
0x33b: {  	s28 =	simm.s32 $0xB2A0  }
0x33c: {  	[tilespmem:s28], [sflag:$0x1] =	stream.indirect_vreg.gather [hbm4b:s3+s18], $0x80, v2, vm15, $0xb8;
	[tilespmem:$0xCAA0] =	vst v63  }
0x33d: {  	s29 =	simm.s32 $0xBAA0  }
0x33e: {  	[tilespmem:s29], [sflag:$0x1] =	stream.indirect_vreg.gather [hbm4b:s2+s18], $0x80, v0, vm15, $0xb8;
	[tilespmem:$0xCAA0] =	vst v63  }
0x33f: {  	s30 =	simm.s32 $0xC2A0;
	s31 =	simm.s32 $0x1  }
0x340: {  	[tilespmem:s30], [sflag:$0x1] =	stream.indirect_vreg.gather [hbm4b:s3+s18], $0x80, v0, vm15, $0xb8;
	[tilespmem:$0xCAA0] =	vst v63  }
0x341: {  	_ =	swait.ge [sflag:s31], $0x4000  }
0x342: {  	[sflag:s31] =	ssyncset.done $0x0  }
0x343: {  	[sflag:s31] =	ssyncadd.s32 $0xFFFFC000  }
0x344: {  	[hbm4b:s1+s18] =	stream.linear.scatter [tilespmem:s22], [sflag:$0x3], $0x4000, $0x38;
	[tilespmem:$0xCAA0] =	vst v63  }
0x345: {  	_ =	swait.ge [sflag:s10], $0x4000  }
0x346: {  	[sflag:s10] =	ssyncset.done $0x0  }
0x347: {  	[sflag:s10] =	ssyncadd.s32 $0xFFFFC000  }
0x348: {  	_ =	swait.ge [sflag:s17], $0x80  }
0x349: {  	[sflag:s17] =	ssyncset.done $0x0  }
0x34a: {  	[sflag:s17] =	ssyncadd.s32 $0xFFFFFF80  }
0x34b: {  	_ =	swait.ge [sflag:s17], $0x180  }
0x34c: {  	[sflag:s17] =	ssyncset.done $0x0  }
0x34d: {  	[sflag:s17] =	ssyncadd.s32 $0xFFFFFE80  }
0x34e: {  	_ =	swait.ge [sflag:s17], $0x180  }
0x34f: {  	[sflag:s17] =	ssyncset.done $0x0  }
0x350: {  	[sflag:s17] =	ssyncadd.s32 $0xFFFFFE80  }
0x351: {  	_ =	sfence.sel $0x180000  }
0x352: {  	[bflag:$0x0] =	sbarrier.arrive $0xFFFF  }
0x353: {  	_ =	strace $0x90000047  }
0x354: {  	s0 =	sadd.s32 $0x100000, s0;
	[bflag:$0x2] =	sbarrier.arrive $0xFFFF  }
0x355: {  	[sflag:s0] =	ssyncadd.tile.s32 $0x1;
	_ =	shalt  }
.Lfunc_end2:
_tile_overlayer_lowered:
.L_overlay_start_2:
0x356: {  	(tag) =	ssettag $0x2  }
0x357: {  	s0 =	rddreg [dreg:$0x0];
	s2 =	stileid.u32  }
0x358: {  	s1 =	rddreg [dreg:$0x1];
	p0 =	sne.s32 s2, $0x0  }
0x359: {  	s3 =	rddreg [dreg:$0x2];
	[bflag:$0x3] =	sbarrier.arrive $0xFFFF;
	s2 =	simm.s32 @!p0 $0x1C03  }
0x35a: {  	[timem:s3], [sflag:s2] =	dma.local @!p0 [hbm:s0], s1  }
0x35b: {  	s0 =	simm.s32 @!p0 $0x3  }
0x35c: {  	_ =	swait.ge @!p0 [sflag:s0], s1  }
0x35d: {  	s1 =	ssub.s32 @!p0 $0x0, s1;
	[sflag:s0] =	ssyncset.done @!p0 $0x0  }
0x35e: {  	[sflag:s0] =	ssyncadd.s32 @!p0 s1  }
0x35f: {  	[bflag:$0x3] =	sbarrier.arrive $0xFFFF  }
0x360: {  	_ =	shalt  }

</sc_bundles>
